<compile_context>
chip_gen: v7x
topology: tpu7x:2x2x1
jax: 0.10.2.dev20260603
libtpu: 0.0.44.dev20260713+nightly
codegen_flags: <defaults>
</compile_context>

<pallas_src>
import jax
import jax.numpy as jnp
from jax import lax
from jax.experimental import pallas as pl
from jax.experimental.pallas import tpu as pltpu
from jax.experimental.pallas import tpu_sc as plsc

_N = 3
_RG = 8
_CW = 14080
_NSTRIPE = 4
_MT = 32


def _body_fn(rows, seq, vocab, valid_hbm, tokens_hbm, lprobs_hbm, out_hbm,
             tok_v, bufs, mt_v, vld_v, sem_t, sems_l, sems_s, sem_mt):
    npos = seq - _N + 1
    nmatch = (npos + 15) // 16
    mt_off = (vocab // 128) * 128
    starts = [0, 25088, 50048, 75008]
    w2 = [25088 - _CW, 24960 - _CW]

    wid = lax.axis_index("c") * 16 + lax.axis_index("s")
    rg = wid // _NSTRIPE
    cs = wid % _NSTRIPE
    row0 = pl.multiple_of(rg * _RG, _RG)

    lanes = lax.iota(jnp.int32, 16)
    neg_inf = jnp.full((16,), -jnp.inf, dtype=jnp.float32)

    cp_t = pltpu.make_async_copy(tokens_hbm.at[pl.ds(row0, _RG)], tok_v,
                                 sem_t)
    cp_t.start()

    def load_c(off, buf, sem, w=_CW):
        dst = buf if w == buf.shape[1] else buf.at[:, pl.ds(0, w)]
        return pltpu.make_async_copy(
            lprobs_hbm.at[pl.ds(row0, _RG), pl.ds(off, w)], dst, sem)

    def store_c(off, buf, sem, w=_CW):
        src = buf if w == buf.shape[1] else buf.at[:, pl.ds(0, w)]
        return pltpu.make_async_copy(
            src, out_hbm.at[pl.ds(row0, _RG), pl.ds(off, w)], sem)

    start_col = (jnp.where(cs == 0, starts[0],
                 jnp.where(cs == 1, starts[1],
                 jnp.where(cs == 2, starts[2], starts[3])))
                 ).astype(jnp.int32)
    end_col = (jnp.where(cs == 0, 25088,
               jnp.where(cs == 1, 50048,
               jnp.where(cs == 2, 75008, 99968)))
               ).astype(jnp.int32)
    off_c0 = pl.multiple_of(start_col, 128)
    load_c(off_c0, bufs[0], sems_l[0]).start()

    ld_mt = pltpu.make_async_copy(
        lprobs_hbm.at[pl.ds(row0, _RG), pl.ds(mt_off, _MT)], mt_v, sem_mt)
    st_mt = pltpu.make_async_copy(
        mt_v, out_hbm.at[pl.ds(row0, _RG), pl.ds(mt_off, _MT)], sem_mt)

    @pl.when(cs == 1)
    def _():
        ld_mt.start()

    pltpu.sync_copy(valid_hbm, vld_v)
    valid = vld_v[pl.ds(0, 16)][0] != 0
    cp_t.wait()

    def row_match(r, bits):
        rvec = jnp.full((16,), 0, jnp.int32) + r
        l0 = plsc.load_gather(
            tok_v, [rvec, jnp.full((16,), seq - 2, jnp.int32)])[0]
        l1 = plsc.load_gather(
            tok_v, [rvec, jnp.full((16,), seq - 1, jnp.int32)])[0]

        def mbody(i, acc):
            for u in range(4):
                idx = lanes + (i * 4 + u) * 16
                t0 = plsc.load_gather(tok_v, [rvec, idx])
                t1 = plsc.load_gather(tok_v, [rvec, jnp.minimum(idx + 1,
                                                                seq - 1)])
                acc = acc | ((idx < npos) & (t0 == l0) & (t1 == l1))
            return acc

        acc = lax.fori_loop(0, nmatch // 4, mbody,
                            jnp.zeros((16,), jnp.bool_))
        return bits | (jnp.any(acc).astype(jnp.int32) << r)

    anybits = lax.fori_loop(0, _RG, row_match, jnp.int32(0))
    anybits = jnp.where(valid, anybits, 0)

    ld0 = load_c(off_c0, bufs[0], sems_l[0])
    ld0.wait()
    st0 = store_c(off_c0, bufs[0], sems_s[0])
    st0.start()
    st0.wait()
    off_c1 = pl.multiple_of(start_col + _CW, 128)
    ld1_a = load_c(off_c1, bufs[0], sems_l[0], w=w2[0])
    ld1_b = load_c(off_c1, bufs[0], sems_l[0], w=w2[1])

    @pl.when(cs == 0)
    def _():
        ld1_a.start()

    @pl.when(cs != 0)
    def _():
        ld1_b.start()

    @pl.when(cs == 1)
    def _():
        ld_mt.wait()
        st_mt.start()
        st_mt.wait()

    @pl.when(cs == 0)
    def _():
        ld1_a.wait()
        st = store_c(off_c1, bufs[0], sems_s[0], w=w2[0])
        st.start()
        st.wait()

    @pl.when(cs != 0)
    def _():
        ld1_b.wait()
        st = store_c(off_c1, bufs[0], sems_s[0], w=w2[1])
        st.start()
        st.wait()

    @pl.when(anybits != 0)
    def _():
        def rloop(r, cr):
            rvec = jnp.full((16,), 0, jnp.int32) + r

            @pl.when(((anybits >> r) & 1) != 0)
            def _():
                l0 = plsc.load_gather(
                    tok_v, [rvec, jnp.full((16,), seq - 2, jnp.int32)])[0]
                l1 = plsc.load_gather(
                    tok_v, [rvec, jnp.full((16,), seq - 1, jnp.int32)])[0]

                def sbody(i, c2):
                    idx = lanes + i * 16
                    t0 = plsc.load_gather(tok_v, [rvec, idx])
                    t1 = plsc.load_gather(
                        tok_v, [rvec, jnp.minimum(idx + 1, seq - 1)])
                    t2 = plsc.load_gather(
                        tok_v, [rvec, jnp.minimum(idx + 2, seq - 1)])
                    in_range = ((t2 >= start_col) & (t2 < end_col)) | (
                        (cs == 1) & (t2 >= mt_off))
                    m = (idx < npos) & (t0 == l0) & (t1 == l1) & in_range

                    mi = m.astype(jnp.int32)

                    @pl.when(jnp.any(m))
                    def _():
                        for l in range(16):
                            b = t2[l]

                            @pl.when(mi[l] != 0)
                            def _(b=b, r=r):
                                is_mt = b >= mt_off

                                @pl.when(~is_mt)
                                def _():
                                    colt = pl.multiple_of(
                                        (b >> 7) << 7, 128)
                                    tile = bufs[0].at[:, pl.ds(0, 128)]
                                    cp = pltpu.make_async_copy(
                                        out_hbm.at[pl.ds(row0, _RG),
                                                   pl.ds(colt, 128)],
                                        tile, sem_mt)
                                    cp.start()
                                    cp.wait()
                                    plsc.store_scatter(
                                        tile,
                                        [jnp.full((16,), 0, jnp.int32) + r,
                                         jnp.full((16,), 0, jnp.int32)
                                         + (b - colt)],
                                        neg_inf, mask=lanes == 0)
                                    cp2 = pltpu.make_async_copy(
                                        tile,
                                        out_hbm.at[pl.ds(row0, _RG),
                                                   pl.ds(colt, 128)],
                                        sem_mt)
                                    cp2.start()
                                    cp2.wait()

                                @pl.when(is_mt)
                                def _():
                                    cp = pltpu.make_async_copy(
                                        out_hbm.at[pl.ds(row0, _RG),
                                                   pl.ds(mt_off, _MT)],
                                        mt_v, sem_mt)
                                    cp.start()
                                    cp.wait()
                                    plsc.store_scatter(
                                        mt_v,
                                        [jnp.full((16,), 0, jnp.int32) + r,
                                         jnp.full((16,), 0, jnp.int32)
                                         + (b - mt_off)],
                                        neg_inf, mask=lanes == 0)
                                    cp2 = pltpu.make_async_copy(
                                        mt_v,
                                        out_hbm.at[pl.ds(row0, _RG),
                                                   pl.ds(mt_off, _MT)],
                                        sem_mt)
                                    cp2.start()
                                    cp2.wait()

                    return c2

                lax.fori_loop(0, nmatch, sbody, 0)

            return cr

        lax.fori_loop(0, _RG, rloop, 0)


def kernel(tokens, lprobs, bsz, step, beam_size, no_repeat_ngram_size):
    rows, seq = tokens.shape
    vocab = lprobs.shape[1]
    valid = (
        (rows == bsz * beam_size)
        & (step == seq - 1)
        & (no_repeat_ngram_size == _N)
    )
    valid_arr = jnp.full((16,), 0, dtype=jnp.int32) + valid.astype(jnp.int32)

    mesh = plsc.VectorSubcoreMesh(core_axis_name="c", subcore_axis_name="s")

    def body(valid_hbm, tokens_hbm, lprobs_hbm, out_hbm, tok_v, buf_0,
             mt_v, vld_v, sem_t, sem_l0, sem_s0, sem_mt):
        _body_fn(rows, seq, vocab, valid_hbm, tokens_hbm, lprobs_hbm,
                 out_hbm, tok_v, [buf_0], mt_v, vld_v,
                 sem_t, [sem_l0], [sem_s0], sem_mt)

    run = pl.kernel(
        body,
        out_type=jax.ShapeDtypeStruct((rows, vocab), jnp.float32),
        mesh=mesh,
        compiler_params=pltpu.CompilerParams(
            needs_layout_passes=False,
            skip_device_barrier=True,
        ),
        scratch_types=[
            pltpu.VMEM((_RG, seq), jnp.int32),
            pltpu.VMEM((_RG, _CW), jnp.float32),
            pltpu.VMEM((_RG, _MT), jnp.float32),
            pltpu.VMEM((16,), jnp.int32),
            pltpu.SemaphoreType.DMA,
            pltpu.SemaphoreType.DMA,
            pltpu.SemaphoreType.DMA,
            pltpu.SemaphoreType.DMA,
        ],
    )
    return run(valid_arr, tokens, lprobs)

# --- scband reference (transcript-rebuilt; emitter-appended) ---
"""Pipeline reference for scband-ngram-repeat-block-16569983828248 (READ-ONLY COPY).

The authoritative reference and input builder live on the scoring server;
editing this copy changes nothing except your own understanding.
"""

import jax, jax.numpy as jnp
import numpy as np

BSZ = 16
BEAM = 4
SEQ = 2048
STEP = 2047
NGRAM = 3
VOCAB = 100000


def setup_inputs(seed: int = 0) -> dict:
    key = jax.random.key(seed)
    k1, k2 = jax.random.split(key)
    tokens = jax.random.randint(k1, (BSZ * BEAM, SEQ), 0, VOCAB, dtype=jnp.int32)
    lprobs = jax.random.normal(k2, (BSZ * BEAM, VOCAB), dtype=jnp.float32)
    return {
        "tokens": tokens,
        "lprobs": lprobs,
        "bsz": BSZ,
        "step": STEP,
        "beam_size": BEAM,
        "no_repeat_ngram_size": NGRAM,
    }


def reference(tokens, lprobs, bsz, step, beam_size, no_repeat_ngram_size):
    # Faithful port of fairseq/parlai ngram_repeat_block CUDA kernel:
    # for each hypothesis row, take the last (n-1) generated tokens; for every
    # earlier position i (0 <= i <= step - n + 1), if tokens[i : i+n-1] matches
    # the last (n-1) tokens, then the token tokens[i+n-1] would complete a
    # repeated n-gram, so its log-prob is set to -inf.
    n = NGRAM
    rows_n = tokens.shape[0]
    step_s = tokens.shape[1] - 1
    valid = (
        (rows_n == bsz * beam_size)
        & (step == step_s)
        & (no_repeat_ngram_size == n)
    )
    vocab = lprobs.shape[1]
    num = step_s - n + 2  # number of candidate ngram start positions
    if num <= 0:
        return lprobs
    last = tokens[:, step_s - n + 2 : step_s + 1]  # (R, n-1)
    match = jnp.ones((rows_n, num), dtype=bool) & valid
    for j in range(n - 1):
        match = match & (tokens[:, j : j + num] == last[:, j : j + 1])
    banned = tokens[:, n - 1 : n - 1 + num]  # token completing each candidate ngram
    # route non-matching positions to a padded dummy column (scatter-overwrite)
    cols = jnp.where(match, banned, vocab)
    rows = jnp.arange(rows_n, dtype=jnp.int32)[:, None]
    padded = jnp.concatenate(
        [lprobs, jnp.zeros((rows_n, 1), dtype=lprobs.dtype)], axis=1
    )
    padded = padded.at[rows, cols].set(-jnp.inf)
    return padded[:, :vocab]

if __name__ == "__main__":
    import jax
    _d = setup_inputs()
    print(jax.jit(kernel)(*tuple(_d.values())))

</pallas_src>

<mosaic_0001>
#map = affine_map<(d0, d1) -> (0)>
#map1 = affine_map<(d0, d1) -> (0, 0)>
module attributes {stable_mosaic.version = 14 : i64} {
  func.func @body(%arg0: i32, %arg1: i32, %arg2: memref<16xi32, #tpu.memory_space<hbm>>, %arg3: memref<64x2048xi32, #tpu.memory_space<hbm>>, %arg4: memref<64x100000xf32, #tpu.memory_space<hbm>>, %arg5: memref<64x100000xf32, #tpu.memory_space<hbm>>, %arg6: memref<8x2048xi32, #tpu.memory_space<vmem>>, %arg7: memref<8x14080xf32, #tpu.memory_space<vmem>>, %arg8: memref<8x32xf32, #tpu.memory_space<vmem>>, %arg9: memref<16xi32, #tpu.memory_space<vmem>>, %arg10: memref<!tpu.dma_semaphore, #tpu.memory_space<semaphore_mem>>, %arg11: memref<!tpu.dma_semaphore, #tpu.memory_space<semaphore_mem>>, %arg12: memref<!tpu.dma_semaphore, #tpu.memory_space<semaphore_mem>>, %arg13: memref<!tpu.dma_semaphore, #tpu.memory_space<semaphore_mem>>) attributes {dimension_semantics = [#tpu.dimension_semantics<core_parallel>, #tpu.dimension_semantics<subcore_parallel>], iteration_bounds = array<i64: 2, 16>, scalar_prefetch = 0 : i64, scratch_operands = 8 : i64, tpu.core_type = #tpu.core_type<sc_vector_subcore>, window_params = [{transform_indices = #map}, {transform_indices = #map1}, {transform_indices = #map1}, {transform_indices = #map1}]} {
    %mul3A = arith.constant 16 : i32
    %mul3A_0 = arith.muli %arg0, %mul3A : i32
    %add3A = arith.addi %mul3A_0, %arg1 : i32
    %jit3A = arith.constant 4 : i32
    %div3A = arith.divsi %add3A, %jit3A : i32
    %sign3A = arith.constant 0 : i32
    %sign3A_1 = arith.cmpi sgt, %add3A, %sign3A : i32
    %sign3A_2 = arith.extui %sign3A_1 : i1 to i32
    %sign3A_3 = arith.constant 0 : i32
    %sign3A_4 = arith.cmpi slt, %add3A, %sign3A_3 : i32
    %sign3A_5 = arith.extui %sign3A_4 : i1 to i32
    %sign3A_6 = arith.subi %sign3A_2, %sign3A_5 : i32
    %sign3A_7 = arith.constant 0 : i32
    %sign3A_8 = arith.cmpi sgt, %jit3A, %sign3A_7 : i32
    %sign3A_9 = arith.extui %sign3A_8 : i1 to i32
    %sign3A_10 = arith.constant 0 : i32
    %sign3A_11 = arith.cmpi slt, %jit3A, %sign3A_10 : i32
    %sign3A_12 = arith.extui %sign3A_11 : i1 to i32
    %sign3A_13 = arith.subi %sign3A_9, %sign3A_12 : i32
    %ne3A = arith.cmpi ne, %sign3A_6, %sign3A_13 : i32
    %rem3A = arith.remsi %add3A, %jit3A : i32
    %ne3A_14 = arith.constant 0 : i32
    %ne3A_15 = arith.cmpi ne, %rem3A, %ne3A_14 : i32
    %and3A = arith.andi %ne3A, %ne3A_15 : i1
    %sub3A = arith.constant 1 : i32
    %sub3A_16 = arith.subi %div3A, %sub3A : i32
    %select_n3A = arith.select %and3A, %sub3A_16, %div3A : i32
    %jit3A_17 = arith.constant 4 : i32
    %eq3A = arith.constant 0 : i32
    %eq3A_18 = arith.cmpi eq, %jit3A_17, %eq3A : i32
    %jit3A_19 = arith.constant 1 : i32
    %select_n3A_20 = arith.select %eq3A_18, %jit3A_19, %jit3A_17 : i32
    %rem3A_21 = arith.remsi %add3A, %select_n3A_20 : i32
    %ne3A_22 = arith.constant 0 : i32
    %ne3A_23 = arith.cmpi ne, %rem3A_21, %ne3A_22 : i32
    %lt3A = arith.constant 0 : i32
    %lt3A_24 = arith.cmpi slt, %rem3A_21, %lt3A : i32
    %lt3A_25 = arith.constant 0 : i32
    %lt3A_26 = arith.cmpi slt, %select_n3A_20, %lt3A_25 : i32
    %ne3A_27 = arith.xori %lt3A_24, %lt3A_26 : i1
    %and3A_28 = arith.andi %ne3A_27, %ne3A_23 : i1
    %add3A_29 = arith.addi %rem3A_21, %select_n3A_20 : i32
    %select_n3A_30 = arith.select %and3A_28, %add3A_29, %rem3A_21 : i32
    %mul3A_31 = arith.constant 8 : i32
    %mul3A_32 = arith.muli %select_n3A, %mul3A_31 : i32
    %multiple_of3A = tpu.assume_multiple %mul3A_32, 8 : i32
    %iota3A = tpu.iota {dimensions = array<i32: 0>} : vector<16xi32>
    %broadcast_in_dim3A = arith.constant 0xFF800000 : f32
    %broadcast_in_dim3A_33 = vector.broadcast %broadcast_in_dim3A : f32 to vector<16xf32>
    %dma_start3A = arith.constant 0 : i32
    %dma_start3A_34 = tpu.memref_slice %arg3[%multiple_of3A, %dma_start3A] : memref<64x2048xi32, #tpu.memory_space<hbm>> -> memref<8x2048xi32, #tpu.memory_space<hbm>>
    %dma_start3A_35 = arith.constant 0 : i32
    %dma_start3A_36 = tpu.memref_slice %arg3[%multiple_of3A, %dma_start3A_35] : memref<64x2048xi32, #tpu.memory_space<hbm>> -> memref<8x2048xi32, #tpu.memory_space<hbm>>
    tpu.enqueue_dma source(%dma_start3A_36 : memref<8x2048xi32, #tpu.memory_space<hbm>>) target(%arg6 : memref<8x2048xi32, #tpu.memory_space<vmem>>) target_semaphore(%arg10 : memref<!tpu.dma_semaphore, #tpu.memory_space<semaphore_mem>>)
    %eq3A_37 = arith.constant 0 : i32
    %eq3A_38 = arith.cmpi eq, %select_n3A_30, %eq3A_37 : i32
    %eq3A_39 = arith.constant 1 : i32
    %eq3A_40 = arith.cmpi eq, %select_n3A_30, %eq3A_39 : i32
    %eq3A_41 = arith.constant 2 : i32
    %eq3A_42 = arith.cmpi eq, %select_n3A_30, %eq3A_41 : i32
    %jit3A_43 = arith.constant 50048 : i32
    %jit3A_44 = arith.constant 75008 : i32
    %select_n3A_45 = arith.select %eq3A_42, %jit3A_43, %jit3A_44 : i32
    %jit3A_46 = arith.constant 25088 : i32
    %select_n3A_47 = arith.select %eq3A_40, %jit3A_46, %select_n3A_45 : i32
    %jit3A_48 = arith.constant 0 : i32
    %select_n3A_49 = arith.select %eq3A_38, %jit3A_48, %select_n3A_47 : i32
    %eq3A_50 = arith.constant 0 : i32
    %eq3A_51 = arith.cmpi eq, %select_n3A_30, %eq3A_50 : i32
    %eq3A_52 = arith.constant 1 : i32
    %eq3A_53 = arith.cmpi eq, %select_n3A_30, %eq3A_52 : i32
    %eq3A_54 = arith.constant 2 : i32
    %eq3A_55 = arith.cmpi eq, %select_n3A_30, %eq3A_54 : i32
    %jit3A_56 = arith.constant 75008 : i32
    %jit3A_57 = arith.constant 99968 : i32
    %select_n3A_58 = arith.select %eq3A_55, %jit3A_56, %jit3A_57 : i32
    %jit3A_59 = arith.constant 50048 : i32
    %select_n3A_60 = arith.select %eq3A_53, %jit3A_59, %select_n3A_58 : i32
    %jit3A_61 = arith.constant 25088 : i32
    %select_n3A_62 = arith.select %eq3A_51, %jit3A_61, %select_n3A_60 : i32
    %multiple_of3A_63 = tpu.assume_multiple %select_n3A_49, 128 : i32
    %dma_start3A_64 = tpu.memref_slice %arg4[%multiple_of3A, %multiple_of3A_63] : memref<64x100000xf32, #tpu.memory_space<hbm>> -> memref<8x14080xf32, #tpu.memory_space<hbm>>
    %dma_start3A_65 = tpu.memref_slice %arg4[%multiple_of3A, %multiple_of3A_63] : memref<64x100000xf32, #tpu.memory_space<hbm>> -> memref<8x14080xf32, #tpu.memory_space<hbm>>
    tpu.enqueue_dma source(%dma_start3A_65 : memref<8x14080xf32, #tpu.memory_space<hbm>>) target(%arg7 : memref<8x14080xf32, #tpu.memory_space<vmem>>) target_semaphore(%arg11 : memref<!tpu.dma_semaphore, #tpu.memory_space<semaphore_mem>>)
    %eq3A_66 = arith.constant 1 : i32
    %eq3A_67 = arith.cmpi eq, %select_n3A_30, %eq3A_66 : i32
    %convert_element_type3A = arith.extui %eq3A_67 : i1 to i32
    %cond3A = arith.constant 0 : i32
    %cond3A_68 = arith.cmpi ne, %convert_element_type3A, %cond3A : i32
    scf.if %cond3A_68 {
      %dma_start3A_122 = arith.constant 99968 : i32
      %dma_start3A_123 = tpu.memref_slice %arg4[%multiple_of3A, %dma_start3A_122] : memref<64x100000xf32, #tpu.memory_space<hbm>> -> memref<8x32xf32, #tpu.memory_space<hbm>>
      %dma_start3A_124 = arith.constant 99968 : i32
      %dma_start3A_125 = tpu.memref_slice %arg4[%multiple_of3A, %dma_start3A_124] : memref<64x100000xf32, #tpu.memory_space<hbm>> -> memref<8x32xf32, #tpu.memory_space<hbm>>
      tpu.enqueue_dma source(%dma_start3A_125 : memref<8x32xf32, #tpu.memory_space<hbm>>) target(%arg8 : memref<8x32xf32, #tpu.memory_space<vmem>>) target_semaphore(%arg13 : memref<!tpu.dma_semaphore, #tpu.memory_space<semaphore_mem>>)
    } else {
    }
    "tpu.region"() ({
      %run_scoped3A = tpu.sem_alloc : memref<!tpu.dma_semaphore, #tpu.memory_space<semaphore_mem>>
      tpu.enqueue_dma source(%arg2 : memref<16xi32, #tpu.memory_space<hbm>>) target(%arg9 : memref<16xi32, #tpu.memory_space<vmem>>) target_semaphore(%run_scoped3A : memref<!tpu.dma_semaphore, #tpu.memory_space<semaphore_mem>>)
      tpu.wait_dma2 semaphore(%run_scoped3A : memref<!tpu.dma_semaphore, #tpu.memory_space<semaphore_mem>>) src(%arg2 : memref<16xi32, #tpu.memory_space<hbm>>) dst(%arg9 : memref<16xi32, #tpu.memory_space<vmem>>)
      tpu.yield
    }) : () -> ()
    %get3A = arith.constant 0 : index
    %get3A_69 = tpu.vector_load %arg9[%get3A] {strides = array<i32>} : memref<16xi32, #tpu.memory_space<vmem>>, vector<16xi32>,
    %slice3A = vector.extract_strided_slice %get3A_69 {offsets = [0], sizes = [1], strides = [1]} : vector<16xi32> to vector<1xi32>
    %squeeze3A = vector.extract %slice3A[0] : i32 from vector<1xi32>
    %ne3A_70 = arith.constant 0 : i32
    %ne3A_71 = arith.cmpi ne, %squeeze3A, %ne3A_70 : i32
    %dma_wait3A = arith.constant 0 : i32
    %dma_wait3A_72 = tpu.memref_slice %arg3[%multiple_of3A, %dma_wait3A] : memref<64x2048xi32, #tpu.memory_space<hbm>> -> memref<8x2048xi32, #tpu.memory_space<hbm>>
    %dma_wait3A_73 = arith.constant 0 : i32
    %dma_wait3A_74 = tpu.memref_slice %arg3[%multiple_of3A, %dma_wait3A_73] : memref<64x2048xi32, #tpu.memory_space<hbm>> -> memref<8x2048xi32, #tpu.memory_space<hbm>>
    tpu.wait_dma2 semaphore(%arg10 : memref<!tpu.dma_semaphore, #tpu.memory_space<semaphore_mem>>) src(%dma_wait3A_74 : memref<8x2048xi32, #tpu.memory_space<hbm>>) dst(%arg6 : memref<8x2048xi32, #tpu.memory_space<vmem>>)
    %scan3A = arith.constant 0 : i32
    %scan3A_75 = arith.constant 0 : i32
    %scan3A_76 = arith.constant 8 : i32
    %scan3A_77 = arith.addi %scan3A_75, %scan3A_76 : i32
    %scan3A_78 = arith.constant 1 : i32
    %scan3A_79 = scf.for %scan3A_122 = %scan3A_75 to %scan3A_77 step %scan3A_78 iter_args(%scan3A_123 = %scan3A) -> (i32)  : i32 {
      %broadcast_in_dim3A_124 = arith.constant 0 : i32
      %broadcast_in_dim3A_125 = vector.broadcast %broadcast_in_dim3A_124 : i32 to vector<16xi32>
      %add3A_126 = vector.broadcast %scan3A_122 : i32 to vector<16xi32>
      %add3A_127 = arith.addi %broadcast_in_dim3A_125, %add3A_126 : vector<16xi32>
      %broadcast_in_dim3A_128 = arith.constant 2046 : i32
      %broadcast_in_dim3A_129 = vector.broadcast %broadcast_in_dim3A_128 : i32 to vector<16xi32>
      %gather3A = tpu.vector_load_idx %arg6[%add3A_127, %broadcast_in_dim3A_129] : memref<8x2048xi32, #tpu.memory_space<vmem>>[vector<16xi32>, vector<16xi32>], vector<16xi32>,
      %slice3A_130 = vector.extract_strided_slice %gather3A {offsets = [0], sizes = [1], strides = [1]} : vector<16xi32> to vector<1xi32>
      %squeeze3A_131 = vector.extract %slice3A_130[0] : i32 from vector<1xi32>
      %broadcast_in_dim3A_132 = arith.constant 2047 : i32
      %broadcast_in_dim3A_133 = vector.broadcast %broadcast_in_dim3A_132 : i32 to vector<16xi32>
      %gather3A_134 = tpu.vector_load_idx %arg6[%add3A_127, %broadcast_in_dim3A_133] : memref<8x2048xi32, #tpu.memory_space<vmem>>[vector<16xi32>, vector<16xi32>], vector<16xi32>,
      %slice3A_135 = vector.extract_strided_slice %gather3A_134 {offsets = [0], sizes = [1], strides = [1]} : vector<16xi32> to vector<1xi32>
      %squeeze3A_136 = vector.extract %slice3A_135[0] : i32 from vector<1xi32>
      %broadcast_in_dim3A_137 = arith.constant false
      %broadcast_in_dim3A_138 = vector.broadcast %broadcast_in_dim3A_137 : i1 to vector<16xi1>
      %scan3A_139 = arith.constant 0 : i32
      %scan3A_140 = arith.constant 32 : i32
      %scan3A_141 = arith.addi %scan3A_139, %scan3A_140 : i32
      %scan3A_142 = arith.constant 1 : i32
      %scan3A_143 = scf.for %scan3A_156 = %scan3A_139 to %scan3A_141 step %scan3A_142 iter_args(%scan3A_157 = %broadcast_in_dim3A_138) -> (vector<16xi1>)  : i32 {
        %mul3A_158 = arith.constant 4 : i32
        %mul3A_159 = arith.muli %scan3A_156, %mul3A_158 : i32
        %add3A_160 = arith.constant 0 : i32
        %add3A_161 = arith.addi %mul3A_159, %add3A_160 : i32
        %mul3A_162 = arith.constant 16 : i32
        %mul3A_163 = arith.muli %add3A_161, %mul3A_162 : i32
        %add3A_164 = vector.broadcast %mul3A_163 : i32 to vector<16xi32>
        %add3A_165 = arith.addi %iota3A, %add3A_164 : vector<16xi32>
        %gather3A_166 = tpu.vector_load_idx %arg6[%add3A_127, %add3A_165] : memref<8x2048xi32, #tpu.memory_space<vmem>>[vector<16xi32>, vector<16xi32>], vector<16xi32>,
        %add3A_167 = arith.constant 1 : i32
        %add3A_168 = vector.broadcast %add3A_167 : i32 to vector<16xi32>
        %add3A_169 = arith.addi %add3A_165, %add3A_168 : vector<16xi32>
        %min3A = arith.constant 2047 : i32
        %min3A_170 = vector.broadcast %min3A : i32 to vector<16xi32>
        %min3A_171 = arith.minsi %add3A_169, %min3A_170 : vector<16xi32>
        %gather3A_172 = tpu.vector_load_idx %arg6[%add3A_127, %min3A_171] : memref<8x2048xi32, #tpu.memory_space<vmem>>[vector<16xi32>, vector<16xi32>], vector<16xi32>,
        %lt3A_173 = arith.constant 2046 : i32
        %lt3A_174 = vector.broadcast %lt3A_173 : i32 to vector<16xi32>
        %lt3A_175 = arith.cmpi slt, %add3A_165, %lt3A_174 : vector<16xi32>
        %eq3A_176 = vector.broadcast %squeeze3A_131 : i32 to vector<16xi32>
        %eq3A_177 = arith.cmpi eq, %gather3A_166, %eq3A_176 : vector<16xi32>
        %and3A_178 = arith.andi %lt3A_175, %eq3A_177 : vector<16xi1>
        %eq3A_179 = vector.broadcast %squeeze3A_136 : i32 to vector<16xi32>
        %eq3A_180 = arith.cmpi eq, %gather3A_172, %eq3A_179 : vector<16xi32>
        %and3A_181 = arith.andi %and3A_178, %eq3A_180 : vector<16xi1>
        %or3A_182 = arith.ori %scan3A_157, %and3A_181 : vector<16xi1>
        %mul3A_183 = arith.constant 4 : i32
        %mul3A_184 = arith.muli %scan3A_156, %mul3A_183 : i32
        %add3A_185 = arith.constant 1 : i32
        %add3A_186 = arith.addi %mul3A_184, %add3A_185 : i32
        %mul3A_187 = arith.constant 16 : i32
        %mul3A_188 = arith.muli %add3A_186, %mul3A_187 : i32
        %add3A_189 = vector.broadcast %mul3A_188 : i32 to vector<16xi32>
        %add3A_190 = arith.addi %iota3A, %add3A_189 : vector<16xi32>
        %gather3A_191 = tpu.vector_load_idx %arg6[%add3A_127, %add3A_190] : memref<8x2048xi32, #tpu.memory_space<vmem>>[vector<16xi32>, vector<16xi32>], vector<16xi32>,
        %add3A_192 = arith.constant 1 : i32
        %add3A_193 = vector.broadcast %add3A_192 : i32 to vector<16xi32>
        %add3A_194 = arith.addi %add3A_190, %add3A_193 : vector<16xi32>
        %min3A_195 = arith.constant 2047 : i32
        %min3A_196 = vector.broadcast %min3A_195 : i32 to vector<16xi32>
        %min3A_197 = arith.minsi %add3A_194, %min3A_196 : vector<16xi32>
        %gather3A_198 = tpu.vector_load_idx %arg6[%add3A_127, %min3A_197] : memref<8x2048xi32, #tpu.memory_space<vmem>>[vector<16xi32>, vector<16xi32>], vector<16xi32>,
        %lt3A_199 = arith.constant 2046 : i32
        %lt3A_200 = vector.broadcast %lt3A_199 : i32 to vector<16xi32>
        %lt3A_201 = arith.cmpi slt, %add3A_190, %lt3A_200 : vector<16xi32>
        %eq3A_202 = vector.broadcast %squeeze3A_131 : i32 to vector<16xi32>
        %eq3A_203 = arith.cmpi eq, %gather3A_191, %eq3A_202 : vector<16xi32>
        %and3A_204 = arith.andi %lt3A_201, %eq3A_203 : vector<16xi1>
        %eq3A_205 = vector.broadcast %squeeze3A_136 : i32 to vector<16xi32>
        %eq3A_206 = arith.cmpi eq, %gather3A_198, %eq3A_205 : vector<16xi32>
        %and3A_207 = arith.andi %and3A_204, %eq3A_206 : vector<16xi1>
        %or3A_208 = arith.ori %or3A_182, %and3A_207 : vector<16xi1>
        %mul3A_209 = arith.constant 4 : i32
        %mul3A_210 = arith.muli %scan3A_156, %mul3A_209 : i32
        %add3A_211 = arith.constant 2 : i32
        %add3A_212 = arith.addi %mul3A_210, %add3A_211 : i32
        %mul3A_213 = arith.constant 16 : i32
        %mul3A_214 = arith.muli %add3A_212, %mul3A_213 : i32
        %add3A_215 = vector.broadcast %mul3A_214 : i32 to vector<16xi32>
        %add3A_216 = arith.addi %iota3A, %add3A_215 : vector<16xi32>
        %gather3A_217 = tpu.vector_load_idx %arg6[%add3A_127, %add3A_216] : memref<8x2048xi32, #tpu.memory_space<vmem>>[vector<16xi32>, vector<16xi32>], vector<16xi32>,
        %add3A_218 = arith.constant 1 : i32
        %add3A_219 = vector.broadcast %add3A_218 : i32 to vector<16xi32>
        %add3A_220 = arith.addi %add3A_216, %add3A_219 : vector<16xi32>
        %min3A_221 = arith.constant 2047 : i32
        %min3A_222 = vector.broadcast %min3A_221 : i32 to vector<16xi32>
        %min3A_223 = arith.minsi %add3A_220, %min3A_222 : vector<16xi32>
        %gather3A_224 = tpu.vector_load_idx %arg6[%add3A_127, %min3A_223] : memref<8x2048xi32, #tpu.memory_space<vmem>>[vector<16xi32>, vector<16xi32>], vector<16xi32>,
        %lt3A_225 = arith.constant 2046 : i32
        %lt3A_226 = vector.broadcast %lt3A_225 : i32 to vector<16xi32>
        %lt3A_227 = arith.cmpi slt, %add3A_216, %lt3A_226 : vector<16xi32>
        %eq3A_228 = vector.broadcast %squeeze3A_131 : i32 to vector<16xi32>
        %eq3A_229 = arith.cmpi eq, %gather3A_217, %eq3A_228 : vector<16xi32>
        %and3A_230 = arith.andi %lt3A_227, %eq3A_229 : vector<16xi1>
        %eq3A_231 = vector.broadcast %squeeze3A_136 : i32 to vector<16xi32>
        %eq3A_232 = arith.cmpi eq, %gather3A_224, %eq3A_231 : vector<16xi32>
        %and3A_233 = arith.andi %and3A_230, %eq3A_232 : vector<16xi1>
        %or3A_234 = arith.ori %or3A_208, %and3A_233 : vector<16xi1>
        %mul3A_235 = arith.constant 4 : i32
        %mul3A_236 = arith.muli %scan3A_156, %mul3A_235 : i32
        %add3A_237 = arith.constant 3 : i32
        %add3A_238 = arith.addi %mul3A_236, %add3A_237 : i32
        %mul3A_239 = arith.constant 16 : i32
        %mul3A_240 = arith.muli %add3A_238, %mul3A_239 : i32
        %add3A_241 = vector.broadcast %mul3A_240 : i32 to vector<16xi32>
        %add3A_242 = arith.addi %iota3A, %add3A_241 : vector<16xi32>
        %gather3A_243 = tpu.vector_load_idx %arg6[%add3A_127, %add3A_242] : memref<8x2048xi32, #tpu.memory_space<vmem>>[vector<16xi32>, vector<16xi32>], vector<16xi32>,
        %add3A_244 = arith.constant 1 : i32
        %add3A_245 = vector.broadcast %add3A_244 : i32 to vector<16xi32>
        %add3A_246 = arith.addi %add3A_242, %add3A_245 : vector<16xi32>
        %min3A_247 = arith.constant 2047 : i32
        %min3A_248 = vector.broadcast %min3A_247 : i32 to vector<16xi32>
        %min3A_249 = arith.minsi %add3A_246, %min3A_248 : vector<16xi32>
        %gather3A_250 = tpu.vector_load_idx %arg6[%add3A_127, %min3A_249] : memref<8x2048xi32, #tpu.memory_space<vmem>>[vector<16xi32>, vector<16xi32>], vector<16xi32>,
        %lt3A_251 = arith.constant 2046 : i32
        %lt3A_252 = vector.broadcast %lt3A_251 : i32 to vector<16xi32>
        %lt3A_253 = arith.cmpi slt, %add3A_242, %lt3A_252 : vector<16xi32>
        %eq3A_254 = vector.broadcast %squeeze3A_131 : i32 to vector<16xi32>
        %eq3A_255 = arith.cmpi eq, %gather3A_243, %eq3A_254 : vector<16xi32>
        %and3A_256 = arith.andi %lt3A_253, %eq3A_255 : vector<16xi1>
        %eq3A_257 = vector.broadcast %squeeze3A_136 : i32 to vector<16xi32>
        %eq3A_258 = arith.cmpi eq, %gather3A_250, %eq3A_257 : vector<16xi32>
        %and3A_259 = arith.andi %and3A_256, %eq3A_258 : vector<16xi1>
        %or3A_260 = arith.ori %or3A_234, %and3A_259 : vector<16xi1>
        scf.yield %or3A_260 : vector<16xi1>
      }
      %scan3A_144 = arith.constant 32 : i32
      %reduce_or3A = arith.constant 1.000000e+00 : f32
      %reduce_or3A_145 = arith.constant 0.000000e+00 : f32
      %reduce_or3A_146 = vector.broadcast %reduce_or3A : f32 to vector<16xf32>
      %reduce_or3A_147 = vector.broadcast %reduce_or3A_145 : f32 to vector<16xf32>
      %reduce_or3A_148 = arith.select %scan3A_143, %reduce_or3A_146, %reduce_or3A_147 : vector<16xi1>, vector<16xf32>
      %reduce_or3A_149 = arith.constant true
      %reduce_or3A_150 = vector.broadcast %reduce_or3A_149 : i1 to vector<16xi1>
      %reduce_or3A_151 = tpu.scan <max>, %reduce_or3A_148 masked %reduce_or3A_150 : vector<16xf32>, vector<16xi1> -> vector<16xf32>
      %reduce_or3A_152 = vector.extract %reduce_or3A_151[15] : f32 from vector<16xf32>
      %reduce_or3A_153 = arith.constant 0.000000e+00 : f32
      %reduce_or3A_154 = arith.cmpf ogt, %reduce_or3A_152, %reduce_or3A_153 : f32
      %convert_element_type3A_155 = arith.extui %reduce_or3A_154 : i1 to i32
      %shift_left3A = arith.shli %convert_element_type3A_155, %scan3A_122 : i32
      %or3A = arith.ori %scan3A_123, %shift_left3A : i32
      scf.yield %or3A : i32
    }
    %scan3A_80 = arith.constant 8 : i32
    %jit3A_81 = arith.constant 0 : i32
    %select_n3A_82 = arith.select %ne3A_71, %scan3A_79, %jit3A_81 : i32
    %dma_wait3A_83 = tpu.memref_slice %arg4[%multiple_of3A, %multiple_of3A_63] : memref<64x100000xf32, #tpu.memory_space<hbm>> -> memref<8x14080xf32, #tpu.memory_space<hbm>>
    %dma_wait3A_84 = tpu.memref_slice %arg4[%multiple_of3A, %multiple_of3A_63] : memref<64x100000xf32, #tpu.memory_space<hbm>> -> memref<8x14080xf32, #tpu.memory_space<hbm>>
    tpu.wait_dma2 semaphore(%arg11 : memref<!tpu.dma_semaphore, #tpu.memory_space<semaphore_mem>>) src(%dma_wait3A_84 : memref<8x14080xf32, #tpu.memory_space<hbm>>) dst(%arg7 : memref<8x14080xf32, #tpu.memory_space<vmem>>)
    %dma_start3A_85 = tpu.memref_slice %arg5[%multiple_of3A, %multiple_of3A_63] : memref<64x100000xf32, #tpu.memory_space<hbm>> -> memref<8x14080xf32, #tpu.memory_space<hbm>>
    %dma_start3A_86 = tpu.memref_slice %arg5[%multiple_of3A, %multiple_of3A_63] : memref<64x100000xf32, #tpu.memory_space<hbm>> -> memref<8x14080xf32, #tpu.memory_space<hbm>>
    tpu.enqueue_dma source(%arg7 : memref<8x14080xf32, #tpu.memory_space<vmem>>) target(%dma_start3A_86 : memref<8x14080xf32, #tpu.memory_space<hbm>>) target_semaphore(%arg12 : memref<!tpu.dma_semaphore, #tpu.memory_space<semaphore_mem>>)
    %dma_wait3A_87 = tpu.memref_slice %arg5[%multiple_of3A, %multiple_of3A_63] : memref<64x100000xf32, #tpu.memory_space<hbm>> -> memref<8x14080xf32, #tpu.memory_space<hbm>>
    %dma_wait3A_88 = tpu.memref_slice %arg5[%multiple_of3A, %multiple_of3A_63] : memref<64x100000xf32, #tpu.memory_space<hbm>> -> memref<8x14080xf32, #tpu.memory_space<hbm>>
    tpu.wait_dma2 semaphore(%arg12 : memref<!tpu.dma_semaphore, #tpu.memory_space<semaphore_mem>>) src(%arg7 : memref<8x14080xf32, #tpu.memory_space<vmem>>) dst(%dma_wait3A_88 : memref<8x14080xf32, #tpu.memory_space<hbm>>)
    %add3A_89 = arith.constant 14080 : i32
    %add3A_90 = arith.addi %select_n3A_49, %add3A_89 : i32
    %multiple_of3A_91 = tpu.assume_multiple %add3A_90, 128 : i32
    %eq3A_92 = arith.constant 0 : i32
    %eq3A_93 = arith.cmpi eq, %select_n3A_30, %eq3A_92 : i32
    %convert_element_type3A_94 = arith.extui %eq3A_93 : i1 to i32
    %cond3A_95 = arith.constant 0 : i32
    %cond3A_96 = arith.cmpi ne, %convert_element_type3A_94, %cond3A_95 : i32
    scf.if %cond3A_96 {
      %dma_start3A_122 = arith.constant 0 : i32
      %dma_start3A_123 = arith.constant 0 : i32
      %dma_start3A_124 = tpu.memref_slice %arg7[%dma_start3A_122, %dma_start3A_123] : memref<8x14080xf32, #tpu.memory_space<vmem>> -> memref<8x11008xf32, #tpu.memory_space<vmem>>
      %dma_start3A_125 = tpu.memref_slice %arg4[%multiple_of3A, %multiple_of3A_91] : memref<64x100000xf32, #tpu.memory_space<hbm>> -> memref<8x11008xf32, #tpu.memory_space<hbm>>
      %dma_start3A_126 = arith.constant 0 : i32
      %dma_start3A_127 = arith.constant 0 : i32
      %dma_start3A_128 = tpu.memref_slice %arg7[%dma_start3A_126, %dma_start3A_127] : memref<8x14080xf32, #tpu.memory_space<vmem>> -> memref<8x11008xf32, #tpu.memory_space<vmem>>
      %dma_start3A_129 = tpu.memref_slice %arg4[%multiple_of3A, %multiple_of3A_91] : memref<64x100000xf32, #tpu.memory_space<hbm>> -> memref<8x11008xf32, #tpu.memory_space<hbm>>
      tpu.enqueue_dma source(%dma_start3A_129 : memref<8x11008xf32, #tpu.memory_space<hbm>>) target(%dma_start3A_128 : memref<8x11008xf32, #tpu.memory_space<vmem>>) target_semaphore(%arg11 : memref<!tpu.dma_semaphore, #tpu.memory_space<semaphore_mem>>)
    } else {
    }
    %ne3A_97 = arith.constant 0 : i32
    %ne3A_98 = arith.cmpi ne, %select_n3A_30, %ne3A_97 : i32
    %convert_element_type3A_99 = arith.extui %ne3A_98 : i1 to i32
    %cond3A_100 = arith.constant 0 : i32
    %cond3A_101 = arith.cmpi ne, %convert_element_type3A_99, %cond3A_100 : i32
    scf.if %cond3A_101 {
      %dma_start3A_122 = arith.constant 0 : i32
      %dma_start3A_123 = arith.constant 0 : i32
      %dma_start3A_124 = tpu.memref_slice %arg7[%dma_start3A_122, %dma_start3A_123] : memref<8x14080xf32, #tpu.memory_space<vmem>> -> memref<8x10880xf32, #tpu.memory_space<vmem>>
      %dma_start3A_125 = tpu.memref_slice %arg4[%multiple_of3A, %multiple_of3A_91] : memref<64x100000xf32, #tpu.memory_space<hbm>> -> memref<8x10880xf32, #tpu.memory_space<hbm>>
      %dma_start3A_126 = arith.constant 0 : i32
      %dma_start3A_127 = arith.constant 0 : i32
      %dma_start3A_128 = tpu.memref_slice %arg7[%dma_start3A_126, %dma_start3A_127] : memref<8x14080xf32, #tpu.memory_space<vmem>> -> memref<8x10880xf32, #tpu.memory_space<vmem>>
      %dma_start3A_129 = tpu.memref_slice %arg4[%multiple_of3A, %multiple_of3A_91] : memref<64x100000xf32, #tpu.memory_space<hbm>> -> memref<8x10880xf32, #tpu.memory_space<hbm>>
      tpu.enqueue_dma source(%dma_start3A_129 : memref<8x10880xf32, #tpu.memory_space<hbm>>) target(%dma_start3A_128 : memref<8x10880xf32, #tpu.memory_space<vmem>>) target_semaphore(%arg11 : memref<!tpu.dma_semaphore, #tpu.memory_space<semaphore_mem>>)
    } else {
    }
    %eq3A_102 = arith.constant 1 : i32
    %eq3A_103 = arith.cmpi eq, %select_n3A_30, %eq3A_102 : i32
    %convert_element_type3A_104 = arith.extui %eq3A_103 : i1 to i32
    %cond3A_105 = arith.constant 0 : i32
    %cond3A_106 = arith.cmpi ne, %convert_element_type3A_104, %cond3A_105 : i32
    scf.if %cond3A_106 {
      %dma_wait3A_122 = arith.constant 99968 : i32
      %dma_wait3A_123 = tpu.memref_slice %arg4[%multiple_of3A, %dma_wait3A_122] : memref<64x100000xf32, #tpu.memory_space<hbm>> -> memref<8x32xf32, #tpu.memory_space<hbm>>
      %dma_wait3A_124 = arith.constant 99968 : i32
      %dma_wait3A_125 = tpu.memref_slice %arg4[%multiple_of3A, %dma_wait3A_124] : memref<64x100000xf32, #tpu.memory_space<hbm>> -> memref<8x32xf32, #tpu.memory_space<hbm>>
      tpu.wait_dma2 semaphore(%arg13 : memref<!tpu.dma_semaphore, #tpu.memory_space<semaphore_mem>>) src(%dma_wait3A_125 : memref<8x32xf32, #tpu.memory_space<hbm>>) dst(%arg8 : memref<8x32xf32, #tpu.memory_space<vmem>>)
      %dma_start3A_126 = arith.constant 99968 : i32
      %dma_start3A_127 = tpu.memref_slice %arg5[%multiple_of3A, %dma_start3A_126] : memref<64x100000xf32, #tpu.memory_space<hbm>> -> memref<8x32xf32, #tpu.memory_space<hbm>>
      %dma_start3A_128 = arith.constant 99968 : i32
      %dma_start3A_129 = tpu.memref_slice %arg5[%multiple_of3A, %dma_start3A_128] : memref<64x100000xf32, #tpu.memory_space<hbm>> -> memref<8x32xf32, #tpu.memory_space<hbm>>
      tpu.enqueue_dma source(%arg8 : memref<8x32xf32, #tpu.memory_space<vmem>>) target(%dma_start3A_129 : memref<8x32xf32, #tpu.memory_space<hbm>>) target_semaphore(%arg13 : memref<!tpu.dma_semaphore, #tpu.memory_space<semaphore_mem>>)
      %dma_wait3A_130 = arith.constant 99968 : i32
      %dma_wait3A_131 = tpu.memref_slice %arg5[%multiple_of3A, %dma_wait3A_130] : memref<64x100000xf32, #tpu.memory_space<hbm>> -> memref<8x32xf32, #tpu.memory_space<hbm>>
      %dma_wait3A_132 = arith.constant 99968 : i32
      %dma_wait3A_133 = tpu.memref_slice %arg5[%multiple_of3A, %dma_wait3A_132] : memref<64x100000xf32, #tpu.memory_space<hbm>> -> memref<8x32xf32, #tpu.memory_space<hbm>>
      tpu.wait_dma2 semaphore(%arg13 : memref<!tpu.dma_semaphore, #tpu.memory_space<semaphore_mem>>) src(%arg8 : memref<8x32xf32, #tpu.memory_space<vmem>>) dst(%dma_wait3A_133 : memref<8x32xf32, #tpu.memory_space<hbm>>)
    } else {
    }
    %eq3A_107 = arith.constant 0 : i32
    %eq3A_108 = arith.cmpi eq, %select_n3A_30, %eq3A_107 : i32
    %convert_element_type3A_109 = arith.extui %eq3A_108 : i1 to i32
    %cond3A_110 = arith.constant 0 : i32
    %cond3A_111 = arith.cmpi ne, %convert_element_type3A_109, %cond3A_110 : i32
    scf.if %cond3A_111 {
      %dma_wait3A_122 = arith.constant 0 : i32
      %dma_wait3A_123 = arith.constant 0 : i32
      %dma_wait3A_124 = tpu.memref_slice %arg7[%dma_wait3A_122, %dma_wait3A_123] : memref<8x14080xf32, #tpu.memory_space<vmem>> -> memref<8x11008xf32, #tpu.memory_space<vmem>>
      %dma_wait3A_125 = tpu.memref_slice %arg4[%multiple_of3A, %multiple_of3A_91] : memref<64x100000xf32, #tpu.memory_space<hbm>> -> memref<8x11008xf32, #tpu.memory_space<hbm>>
      %dma_wait3A_126 = arith.constant 0 : i32
      %dma_wait3A_127 = arith.constant 0 : i32
      %dma_wait3A_128 = tpu.memref_slice %arg7[%dma_wait3A_126, %dma_wait3A_127] : memref<8x14080xf32, #tpu.memory_space<vmem>> -> memref<8x11008xf32, #tpu.memory_space<vmem>>
      %dma_wait3A_129 = tpu.memref_slice %arg4[%multiple_of3A, %multiple_of3A_91] : memref<64x100000xf32, #tpu.memory_space<hbm>> -> memref<8x11008xf32, #tpu.memory_space<hbm>>
      tpu.wait_dma2 semaphore(%arg11 : memref<!tpu.dma_semaphore, #tpu.memory_space<semaphore_mem>>) src(%dma_wait3A_129 : memref<8x11008xf32, #tpu.memory_space<hbm>>) dst(%dma_wait3A_128 : memref<8x11008xf32, #tpu.memory_space<vmem>>)
      %dma_start3A_130 = arith.constant 0 : i32
      %dma_start3A_131 = arith.constant 0 : i32
      %dma_start3A_132 = tpu.memref_slice %arg7[%dma_start3A_130, %dma_start3A_131] : memref<8x14080xf32, #tpu.memory_space<vmem>> -> memref<8x11008xf32, #tpu.memory_space<vmem>>
      %dma_start3A_133 = tpu.memref_slice %arg5[%multiple_of3A, %multiple_of3A_91] : memref<64x100000xf32, #tpu.memory_space<hbm>> -> memref<8x11008xf32, #tpu.memory_space<hbm>>
      %dma_start3A_134 = tpu.memref_slice %arg5[%multiple_of3A, %multiple_of3A_91] : memref<64x100000xf32, #tpu.memory_space<hbm>> -> memref<8x11008xf32, #tpu.memory_space<hbm>>
      %dma_start3A_135 = arith.constant 0 : i32
      %dma_start3A_136 = arith.constant 0 : i32
      %dma_start3A_137 = tpu.memref_slice %arg7[%dma_start3A_135, %dma_start3A_136] : memref<8x14080xf32, #tpu.memory_space<vmem>> -> memref<8x11008xf32, #tpu.memory_space<vmem>>
      tpu.enqueue_dma source(%dma_start3A_137 : memref<8x11008xf32, #tpu.memory_space<vmem>>) target(%dma_start3A_134 : memref<8x11008xf32, #tpu.memory_space<hbm>>) target_semaphore(%arg12 : memref<!tpu.dma_semaphore, #tpu.memory_space<semaphore_mem>>)
      %dma_wait3A_138 = arith.constant 0 : i32
      %dma_wait3A_139 = arith.constant 0 : i32
      %dma_wait3A_140 = tpu.memref_slice %arg7[%dma_wait3A_138, %dma_wait3A_139] : memref<8x14080xf32, #tpu.memory_space<vmem>> -> memref<8x11008xf32, #tpu.memory_space<vmem>>
      %dma_wait3A_141 = tpu.memref_slice %arg5[%multiple_of3A, %multiple_of3A_91] : memref<64x100000xf32, #tpu.memory_space<hbm>> -> memref<8x11008xf32, #tpu.memory_space<hbm>>
      %dma_wait3A_142 = tpu.memref_slice %arg5[%multiple_of3A, %multiple_of3A_91] : memref<64x100000xf32, #tpu.memory_space<hbm>> -> memref<8x11008xf32, #tpu.memory_space<hbm>>
      %dma_wait3A_143 = arith.constant 0 : i32
      %dma_wait3A_144 = arith.constant 0 : i32
      %dma_wait3A_145 = tpu.memref_slice %arg7[%dma_wait3A_143, %dma_wait3A_144] : memref<8x14080xf32, #tpu.memory_space<vmem>> -> memref<8x11008xf32, #tpu.memory_space<vmem>>
      tpu.wait_dma2 semaphore(%arg12 : memref<!tpu.dma_semaphore, #tpu.memory_space<semaphore_mem>>) src(%dma_wait3A_145 : memref<8x11008xf32, #tpu.memory_space<vmem>>) dst(%dma_wait3A_142 : memref<8x11008xf32, #tpu.memory_space<hbm>>)
    } else {
    }
    %ne3A_112 = arith.constant 0 : i32
    %ne3A_113 = arith.cmpi ne, %select_n3A_30, %ne3A_112 : i32
    %convert_element_type3A_114 = arith.extui %ne3A_113 : i1 to i32
    %cond3A_115 = arith.constant 0 : i32
    %cond3A_116 = arith.cmpi ne, %convert_element_type3A_114, %cond3A_115 : i32
    scf.if %cond3A_116 {
      %dma_wait3A_122 = arith.constant 0 : i32
      %dma_wait3A_123 = arith.constant 0 : i32
      %dma_wait3A_124 = tpu.memref_slice %arg7[%dma_wait3A_122, %dma_wait3A_123] : memref<8x14080xf32, #tpu.memory_space<vmem>> -> memref<8x10880xf32, #tpu.memory_space<vmem>>
      %dma_wait3A_125 = tpu.memref_slice %arg4[%multiple_of3A, %multiple_of3A_91] : memref<64x100000xf32, #tpu.memory_space<hbm>> -> memref<8x10880xf32, #tpu.memory_space<hbm>>
      %dma_wait3A_126 = arith.constant 0 : i32
      %dma_wait3A_127 = arith.constant 0 : i32
      %dma_wait3A_128 = tpu.memref_slice %arg7[%dma_wait3A_126, %dma_wait3A_127] : memref<8x14080xf32, #tpu.memory_space<vmem>> -> memref<8x10880xf32, #tpu.memory_space<vmem>>
      %dma_wait3A_129 = tpu.memref_slice %arg4[%multiple_of3A, %multiple_of3A_91] : memref<64x100000xf32, #tpu.memory_space<hbm>> -> memref<8x10880xf32, #tpu.memory_space<hbm>>
      tpu.wait_dma2 semaphore(%arg11 : memref<!tpu.dma_semaphore, #tpu.memory_space<semaphore_mem>>) src(%dma_wait3A_129 : memref<8x10880xf32, #tpu.memory_space<hbm>>) dst(%dma_wait3A_128 : memref<8x10880xf32, #tpu.memory_space<vmem>>)
      %dma_start3A_130 = arith.constant 0 : i32
      %dma_start3A_131 = arith.constant 0 : i32
      %dma_start3A_132 = tpu.memref_slice %arg7[%dma_start3A_130, %dma_start3A_131] : memref<8x14080xf32, #tpu.memory_space<vmem>> -> memref<8x10880xf32, #tpu.memory_space<vmem>>
      %dma_start3A_133 = tpu.memref_slice %arg5[%multiple_of3A, %multiple_of3A_91] : memref<64x100000xf32, #tpu.memory_space<hbm>> -> memref<8x10880xf32, #tpu.memory_space<hbm>>
      %dma_start3A_134 = tpu.memref_slice %arg5[%multiple_of3A, %multiple_of3A_91] : memref<64x100000xf32, #tpu.memory_space<hbm>> -> memref<8x10880xf32, #tpu.memory_space<hbm>>
      %dma_start3A_135 = arith.constant 0 : i32
      %dma_start3A_136 = arith.constant 0 : i32
      %dma_start3A_137 = tpu.memref_slice %arg7[%dma_start3A_135, %dma_start3A_136] : memref<8x14080xf32, #tpu.memory_space<vmem>> -> memref<8x10880xf32, #tpu.memory_space<vmem>>
      tpu.enqueue_dma source(%dma_start3A_137 : memref<8x10880xf32, #tpu.memory_space<vmem>>) target(%dma_start3A_134 : memref<8x10880xf32, #tpu.memory_space<hbm>>) target_semaphore(%arg12 : memref<!tpu.dma_semaphore, #tpu.memory_space<semaphore_mem>>)
      %dma_wait3A_138 = arith.constant 0 : i32
      %dma_wait3A_139 = arith.constant 0 : i32
      %dma_wait3A_140 = tpu.memref_slice %arg7[%dma_wait3A_138, %dma_wait3A_139] : memref<8x14080xf32, #tpu.memory_space<vmem>> -> memref<8x10880xf32, #tpu.memory_space<vmem>>
      %dma_wait3A_141 = tpu.memref_slice %arg5[%multiple_of3A, %multiple_of3A_91] : memref<64x100000xf32, #tpu.memory_space<hbm>> -> memref<8x10880xf32, #tpu.memory_space<hbm>>
      %dma_wait3A_142 = tpu.memref_slice %arg5[%multiple_of3A, %multiple_of3A_91] : memref<64x100000xf32, #tpu.memory_space<hbm>> -> memref<8x10880xf32, #tpu.memory_space<hbm>>
      %dma_wait3A_143 = arith.constant 0 : i32
      %dma_wait3A_144 = arith.constant 0 : i32
      %dma_wait3A_145 = tpu.memref_slice %arg7[%dma_wait3A_143, %dma_wait3A_144] : memref<8x14080xf32, #tpu.memory_space<vmem>> -> memref<8x10880xf32, #tpu.memory_space<vmem>>
      tpu.wait_dma2 semaphore(%arg12 : memref<!tpu.dma_semaphore, #tpu.memory_space<semaphore_mem>>) src(%dma_wait3A_145 : memref<8x10880xf32, #tpu.memory_space<vmem>>) dst(%dma_wait3A_142 : memref<8x10880xf32, #tpu.memory_space<hbm>>)
    } else {
    }
    %ne3A_117 = arith.constant 0 : i32
    %ne3A_118 = arith.cmpi ne, %select_n3A_82, %ne3A_117 : i32
    %convert_element_type3A_119 = arith.extui %ne3A_118 : i1 to i32
    %cond3A_120 = arith.constant 0 : i32
    %cond3A_121 = arith.cmpi ne, %convert_element_type3A_119, %cond3A_120 : i32
    scf.if %cond3A_121 {
      %scan3A_122 = arith.constant 0 : i32
      %scan3A_123 = arith.constant 0 : i32
      %scan3A_124 = arith.constant 8 : i32
      %scan3A_125 = arith.addi %scan3A_123, %scan3A_124 : i32
      %scan3A_126 = arith.constant 1 : i32
      scf.for %scan3A_128 = %scan3A_123 to %scan3A_125 step %scan3A_126  : i32 {
        %broadcast_in_dim3A_129 = arith.constant 0 : i32
        %broadcast_in_dim3A_130 = vector.broadcast %broadcast_in_dim3A_129 : i32 to vector<16xi32>
        %add3A_131 = vector.broadcast %scan3A_128 : i32 to vector<16xi32>
        %add3A_132 = arith.addi %broadcast_in_dim3A_130, %add3A_131 : vector<16xi32>
        %shift_right_arithmetic3A = arith.shrsi %select_n3A_82, %scan3A_128 : i32
        %and3A_133 = arith.constant 1 : i32
        %and3A_134 = arith.andi %shift_right_arithmetic3A, %and3A_133 : i32
        %ne3A_135 = arith.constant 0 : i32
        %ne3A_136 = arith.cmpi ne, %and3A_134, %ne3A_135 : i32
        %convert_element_type3A_137 = arith.extui %ne3A_136 : i1 to i32
        %cond3A_138 = arith.constant 0 : i32
        %cond3A_139 = arith.cmpi ne, %convert_element_type3A_137, %cond3A_138 : i32
        scf.if %cond3A_139 {
          %broadcast_in_dim3A_140 = arith.constant 2046 : i32
          %broadcast_in_dim3A_141 = vector.broadcast %broadcast_in_dim3A_140 : i32 to vector<16xi32>
          %gather3A = tpu.vector_load_idx %arg6[%add3A_132, %broadcast_in_dim3A_141] : memref<8x2048xi32, #tpu.memory_space<vmem>>[vector<16xi32>, vector<16xi32>], vector<16xi32>,
          %slice3A_142 = vector.extract_strided_slice %gather3A {offsets = [0], sizes = [1], strides = [1]} : vector<16xi32> to vector<1xi32>
          %squeeze3A_143 = vector.extract %slice3A_142[0] : i32 from vector<1xi32>
          %broadcast_in_dim3A_144 = arith.constant 2047 : i32
          %broadcast_in_dim3A_145 = vector.broadcast %broadcast_in_dim3A_144 : i32 to vector<16xi32>
          %gather3A_146 = tpu.vector_load_idx %arg6[%add3A_132, %broadcast_in_dim3A_145] : memref<8x2048xi32, #tpu.memory_space<vmem>>[vector<16xi32>, vector<16xi32>], vector<16xi32>,
          %slice3A_147 = vector.extract_strided_slice %gather3A_146 {offsets = [0], sizes = [1], strides = [1]} : vector<16xi32> to vector<1xi32>
          %squeeze3A_148 = vector.extract %slice3A_147[0] : i32 from vector<1xi32>
          %scan3A_149 = arith.constant 0 : i32
          %scan3A_150 = arith.constant 0 : i32
          %scan3A_151 = arith.constant 128 : i32
          %scan3A_152 = arith.addi %scan3A_150, %scan3A_151 : i32
          %scan3A_153 = arith.constant 1 : i32
          scf.for %scan3A_155 = %scan3A_150 to %scan3A_152 step %scan3A_153  : i32 {
            %mul3A_156 = arith.constant 16 : i32
            %mul3A_157 = arith.muli %scan3A_155, %mul3A_156 : i32
            %add3A_158 = vector.broadcast %mul3A_157 : i32 to vector<16xi32>
            %add3A_159 = arith.addi %iota3A, %add3A_158 : vector<16xi32>
            %gather3A_160 = tpu.vector_load_idx %arg6[%add3A_132, %add3A_159] : memref<8x2048xi32, #tpu.memory_space<vmem>>[vector<16xi32>, vector<16xi32>], vector<16xi32>,
            %add3A_161 = arith.constant 1 : i32
            %add3A_162 = vector.broadcast %add3A_161 : i32 to vector<16xi32>
            %add3A_163 = arith.addi %add3A_159, %add3A_162 : vector<16xi32>
            %min3A = arith.constant 2047 : i32
            %min3A_164 = vector.broadcast %min3A : i32 to vector<16xi32>
            %min3A_165 = arith.minsi %add3A_163, %min3A_164 : vector<16xi32>
            %gather3A_166 = tpu.vector_load_idx %arg6[%add3A_132, %min3A_165] : memref<8x2048xi32, #tpu.memory_space<vmem>>[vector<16xi32>, vector<16xi32>], vector<16xi32>,
            %add3A_167 = arith.constant 2 : i32
            %add3A_168 = vector.broadcast %add3A_167 : i32 to vector<16xi32>
            %add3A_169 = arith.addi %add3A_159, %add3A_168 : vector<16xi32>
            %min3A_170 = arith.constant 2047 : i32
            %min3A_171 = vector.broadcast %min3A_170 : i32 to vector<16xi32>
            %min3A_172 = arith.minsi %add3A_169, %min3A_171 : vector<16xi32>
            %gather3A_173 = tpu.vector_load_idx %arg6[%add3A_132, %min3A_172] : memref<8x2048xi32, #tpu.memory_space<vmem>>[vector<16xi32>, vector<16xi32>], vector<16xi32>,
            %ge3A = vector.broadcast %select_n3A_49 : i32 to vector<16xi32>
            %ge3A_174 = arith.cmpi sge, %gather3A_173, %ge3A : vector<16xi32>
            %lt3A_175 = vector.broadcast %select_n3A_62 : i32 to vector<16xi32>
            %lt3A_176 = arith.cmpi slt, %gather3A_173, %lt3A_175 : vector<16xi32>
            %and3A_177 = arith.andi %ge3A_174, %lt3A_176 : vector<16xi1>
            %eq3A_178 = arith.constant 1 : i32
            %eq3A_179 = arith.cmpi eq, %select_n3A_30, %eq3A_178 : i32
            %ge3A_180 = arith.constant 99968 : i32
            %ge3A_181 = vector.broadcast %ge3A_180 : i32 to vector<16xi32>
            %ge3A_182 = arith.cmpi sge, %gather3A_173, %ge3A_181 : vector<16xi32>
            %and3A_183 = vector.broadcast %eq3A_179 : i1 to vector<16xi1>
            %and3A_184 = arith.andi %and3A_183, %ge3A_182 : vector<16xi1>
            %or3A = arith.ori %and3A_177, %and3A_184 : vector<16xi1>
            %lt3A_185 = arith.constant 2046 : i32
            %lt3A_186 = vector.broadcast %lt3A_185 : i32 to vector<16xi32>
            %lt3A_187 = arith.cmpi slt, %add3A_159, %lt3A_186 : vector<16xi32>
            %eq3A_188 = vector.broadcast %squeeze3A_143 : i32 to vector<16xi32>
            %eq3A_189 = arith.cmpi eq, %gather3A_160, %eq3A_188 : vector<16xi32>
            %and3A_190 = arith.andi %lt3A_187, %eq3A_189 : vector<16xi1>
            %eq3A_191 = vector.broadcast %squeeze3A_148 : i32 to vector<16xi32>
            %eq3A_192 = arith.cmpi eq, %gather3A_166, %eq3A_191 : vector<16xi32>
            %and3A_193 = arith.andi %and3A_190, %eq3A_192 : vector<16xi1>
            %and3A_194 = arith.andi %and3A_193, %or3A : vector<16xi1>
            %convert_element_type3A_195 = arith.extui %and3A_194 : vector<16xi1> to vector<16xi32>
            %reduce_or3A = arith.constant 1.000000e+00 : f32
            %reduce_or3A_196 = arith.constant 0.000000e+00 : f32
            %reduce_or3A_197 = vector.broadcast %reduce_or3A : f32 to vector<16xf32>
            %reduce_or3A_198 = vector.broadcast %reduce_or3A_196 : f32 to vector<16xf32>
            %reduce_or3A_199 = arith.select %and3A_194, %reduce_or3A_197, %reduce_or3A_198 : vector<16xi1>, vector<16xf32>
            %reduce_or3A_200 = arith.constant true
            %reduce_or3A_201 = vector.broadcast %reduce_or3A_200 : i1 to vector<16xi1>
            %reduce_or3A_202 = tpu.scan <max>, %reduce_or3A_199 masked %reduce_or3A_201 : vector<16xf32>, vector<16xi1> -> vector<16xf32>
            %reduce_or3A_203 = vector.extract %reduce_or3A_202[15] : f32 from vector<16xf32>
            %reduce_or3A_204 = arith.constant 0.000000e+00 : f32
            %reduce_or3A_205 = arith.cmpf ogt, %reduce_or3A_203, %reduce_or3A_204 : f32
            %convert_element_type3A_206 = arith.extui %reduce_or3A_205 : i1 to i32
            %cond3A_207 = arith.constant 0 : i32
            %cond3A_208 = arith.cmpi ne, %convert_element_type3A_206, %cond3A_207 : i32
            scf.if %cond3A_208 {
              %slice3A_209 = vector.extract_strided_slice %gather3A_173 {offsets = [0], sizes = [1], strides = [1]} : vector<16xi32> to vector<1xi32>
              %squeeze3A_210 = vector.extract %slice3A_209[0] : i32 from vector<1xi32>
              %slice3A_211 = vector.extract_strided_slice %convert_element_type3A_195 {offsets = [0], sizes = [1], strides = [1]} : vector<16xi32> to vector<1xi32>
              %squeeze3A_212 = vector.extract %slice3A_211[0] : i32 from vector<1xi32>
              %ne3A_213 = arith.constant 0 : i32
              %ne3A_214 = arith.cmpi ne, %squeeze3A_212, %ne3A_213 : i32
              %convert_element_type3A_215 = arith.extui %ne3A_214 : i1 to i32
              %cond3A_216 = arith.constant 0 : i32
              %cond3A_217 = arith.cmpi ne, %convert_element_type3A_215, %cond3A_216 : i32
              scf.if %cond3A_217 {
                %ge3A_353 = arith.constant 99968 : i32
                %ge3A_354 = arith.cmpi sge, %squeeze3A_210, %ge3A_353 : i32
                %not3A = arith.constant true
                %not3A_355 = arith.xori %ge3A_354, %not3A : i1
                %convert_element_type3A_356 = arith.extui %not3A_355 : i1 to i32
                %cond3A_357 = arith.constant 0 : i32
                %cond3A_358 = arith.cmpi ne, %convert_element_type3A_356, %cond3A_357 : i32
                scf.if %cond3A_358 {
                  %shift_right_arithmetic3A_362 = arith.constant 7 : i32
                  %shift_right_arithmetic3A_363 = arith.shrsi %squeeze3A_210, %shift_right_arithmetic3A_362 : i32
                  %shift_left3A = arith.constant 7 : i32
                  %shift_left3A_364 = arith.shli %shift_right_arithmetic3A_363, %shift_left3A : i32
                  %multiple_of3A_365 = tpu.assume_multiple %shift_left3A_364, 128 : i32
                  %dma_start3A_366 = arith.constant 0 : i32
                  %dma_start3A_367 = arith.constant 0 : i32
                  %dma_start3A_368 = tpu.memref_slice %arg7[%dma_start3A_366, %dma_start3A_367] : memref<8x14080xf32, #tpu.memory_space<vmem>> -> memref<8x128xf32, #tpu.memory_space<vmem>>
                  %dma_start3A_369 = tpu.memref_slice %arg5[%multiple_of3A, %multiple_of3A_365] : memref<64x100000xf32, #tpu.memory_space<hbm>> -> memref<8x128xf32, #tpu.memory_space<hbm>>
                  %dma_start3A_370 = arith.constant 0 : i32
                  %dma_start3A_371 = arith.constant 0 : i32
                  %dma_start3A_372 = tpu.memref_slice %arg7[%dma_start3A_370, %dma_start3A_371] : memref<8x14080xf32, #tpu.memory_space<vmem>> -> memref<8x128xf32, #tpu.memory_space<vmem>>
                  %dma_start3A_373 = tpu.memref_slice %arg5[%multiple_of3A, %multiple_of3A_365] : memref<64x100000xf32, #tpu.memory_space<hbm>> -> memref<8x128xf32, #tpu.memory_space<hbm>>
                  tpu.enqueue_dma source(%dma_start3A_373 : memref<8x128xf32, #tpu.memory_space<hbm>>) target(%dma_start3A_372 : memref<8x128xf32, #tpu.memory_space<vmem>>) target_semaphore(%arg13 : memref<!tpu.dma_semaphore, #tpu.memory_space<semaphore_mem>>)
                  %dma_wait3A_374 = arith.constant 0 : i32
                  %dma_wait3A_375 = arith.constant 0 : i32
                  %dma_wait3A_376 = tpu.memref_slice %arg7[%dma_wait3A_374, %dma_wait3A_375] : memref<8x14080xf32, #tpu.memory_space<vmem>> -> memref<8x128xf32, #tpu.memory_space<vmem>>
                  %dma_wait3A_377 = tpu.memref_slice %arg5[%multiple_of3A, %multiple_of3A_365] : memref<64x100000xf32, #tpu.memory_space<hbm>> -> memref<8x128xf32, #tpu.memory_space<hbm>>
                  %dma_wait3A_378 = arith.constant 0 : i32
                  %dma_wait3A_379 = arith.constant 0 : i32
                  %dma_wait3A_380 = tpu.memref_slice %arg7[%dma_wait3A_378, %dma_wait3A_379] : memref<8x14080xf32, #tpu.memory_space<vmem>> -> memref<8x128xf32, #tpu.memory_space<vmem>>
                  %dma_wait3A_381 = tpu.memref_slice %arg5[%multiple_of3A, %multiple_of3A_365] : memref<64x100000xf32, #tpu.memory_space<hbm>> -> memref<8x128xf32, #tpu.memory_space<hbm>>
                  tpu.wait_dma2 semaphore(%arg13 : memref<!tpu.dma_semaphore, #tpu.memory_space<semaphore_mem>>) src(%dma_wait3A_381 : memref<8x128xf32, #tpu.memory_space<hbm>>) dst(%dma_wait3A_380 : memref<8x128xf32, #tpu.memory_space<vmem>>)
                  %broadcast_in_dim3A_382 = arith.constant 0 : i32
                  %broadcast_in_dim3A_383 = vector.broadcast %broadcast_in_dim3A_382 : i32 to vector<16xi32>
                  %add3A_384 = vector.broadcast %scan3A_128 : i32 to vector<16xi32>
                  %add3A_385 = arith.addi %broadcast_in_dim3A_383, %add3A_384 : vector<16xi32>
                  %broadcast_in_dim3A_386 = arith.constant 0 : i32
                  %broadcast_in_dim3A_387 = vector.broadcast %broadcast_in_dim3A_386 : i32 to vector<16xi32>
                  %sub3A_388 = arith.subi %squeeze3A_210, %multiple_of3A_365 : i32
                  %add3A_389 = vector.broadcast %sub3A_388 : i32 to vector<16xi32>
                  %add3A_390 = arith.addi %broadcast_in_dim3A_387, %add3A_389 : vector<16xi32>
                  %eq3A_391 = arith.constant 0 : i32
                  %eq3A_392 = vector.broadcast %eq3A_391 : i32 to vector<16xi32>
                  %eq3A_393 = arith.cmpi eq, %iota3A, %eq3A_392 : vector<16xi32>
                  %scatter3A = arith.constant 0 : i32
                  %scatter3A_394 = arith.constant 0 : i32
                  %scatter3A_395 = tpu.memref_slice %arg7[%scatter3A, %scatter3A_394] : memref<8x14080xf32, #tpu.memory_space<vmem>> -> memref<8x128xf32, #tpu.memory_space<vmem>>
                  tpu.vector_store_idx %scatter3A_395[%add3A_385, %add3A_390], %broadcast_in_dim3A_33 masked %eq3A_393 : memref<8x128xf32, #tpu.memory_space<vmem>>[vector<16xi32>, vector<16xi32>], vector<16xf32>, vector<16xi1>
                  %dma_start3A_396 = arith.constant 0 : i32
                  %dma_start3A_397 = arith.constant 0 : i32
                  %dma_start3A_398 = tpu.memref_slice %arg7[%dma_start3A_396, %dma_start3A_397] : memref<8x14080xf32, #tpu.memory_space<vmem>> -> memref<8x128xf32, #tpu.memory_space<vmem>>
                  %dma_start3A_399 = tpu.memref_slice %arg5[%multiple_of3A, %multiple_of3A_365] : memref<64x100000xf32, #tpu.memory_space<hbm>> -> memref<8x128xf32, #tpu.memory_space<hbm>>
                  %dma_start3A_400 = tpu.memref_slice %arg5[%multiple_of3A, %multiple_of3A_365] : memref<64x100000xf32, #tpu.memory_space<hbm>> -> memref<8x128xf32, #tpu.memory_space<hbm>>
                  %dma_start3A_401 = arith.constant 0 : i32
                  %dma_start3A_402 = arith.constant 0 : i32
                  %dma_start3A_403 = tpu.memref_slice %arg7[%dma_start3A_401, %dma_start3A_402] : memref<8x14080xf32, #tpu.memory_space<vmem>> -> memref<8x128xf32, #tpu.memory_space<vmem>>
                  tpu.enqueue_dma source(%dma_start3A_403 : memref<8x128xf32, #tpu.memory_space<vmem>>) target(%dma_start3A_400 : memref<8x128xf32, #tpu.memory_space<hbm>>) target_semaphore(%arg13 : memref<!tpu.dma_semaphore, #tpu.memory_space<semaphore_mem>>)
                  %dma_wait3A_404 = arith.constant 0 : i32
                  %dma_wait3A_405 = arith.constant 0 : i32
                  %dma_wait3A_406 = tpu.memref_slice %arg7[%dma_wait3A_404, %dma_wait3A_405] : memref<8x14080xf32, #tpu.memory_space<vmem>> -> memref<8x128xf32, #tpu.memory_space<vmem>>
                  %dma_wait3A_407 = tpu.memref_slice %arg5[%multiple_of3A, %multiple_of3A_365] : memref<64x100000xf32, #tpu.memory_space<hbm>> -> memref<8x128xf32, #tpu.memory_space<hbm>>
                  %dma_wait3A_408 = tpu.memref_slice %arg5[%multiple_of3A, %multiple_of3A_365] : memref<64x100000xf32, #tpu.memory_space<hbm>> -> memref<8x128xf32, #tpu.memory_space<hbm>>
                  %dma_wait3A_409 = arith.constant 0 : i32
                  %dma_wait3A_410 = arith.constant 0 : i32
                  %dma_wait3A_411 = tpu.memref_slice %arg7[%dma_wait3A_409, %dma_wait3A_410] : memref<8x14080xf32, #tpu.memory_space<vmem>> -> memref<8x128xf32, #tpu.memory_space<vmem>>
                  tpu.wait_dma2 semaphore(%arg13 : memref<!tpu.dma_semaphore, #tpu.memory_space<semaphore_mem>>) src(%dma_wait3A_411 : memref<8x128xf32, #tpu.memory_space<vmem>>) dst(%dma_wait3A_408 : memref<8x128xf32, #tpu.memory_space<hbm>>)
                } else {
                }
                %convert_element_type3A_359 = arith.extui %ge3A_354 : i1 to i32
                %cond3A_360 = arith.constant 0 : i32
                %cond3A_361 = arith.cmpi ne, %convert_element_type3A_359, %cond3A_360 : i32
                scf.if %cond3A_361 {
                  %dma_start3A_362 = arith.constant 99968 : i32
                  %dma_start3A_363 = tpu.memref_slice %arg5[%multiple_of3A, %dma_start3A_362] : memref<64x100000xf32, #tpu.memory_space<hbm>> -> memref<8x32xf32, #tpu.memory_space<hbm>>
                  %dma_start3A_364 = arith.constant 99968 : i32
                  %dma_start3A_365 = tpu.memref_slice %arg5[%multiple_of3A, %dma_start3A_364] : memref<64x100000xf32, #tpu.memory_space<hbm>> -> memref<8x32xf32, #tpu.memory_space<hbm>>
                  tpu.enqueue_dma source(%dma_start3A_365 : memref<8x32xf32, #tpu.memory_space<hbm>>) target(%arg8 : memref<8x32xf32, #tpu.memory_space<vmem>>) target_semaphore(%arg13 : memref<!tpu.dma_semaphore, #tpu.memory_space<semaphore_mem>>)
                  %dma_wait3A_366 = arith.constant 99968 : i32
                  %dma_wait3A_367 = tpu.memref_slice %arg5[%multiple_of3A, %dma_wait3A_366] : memref<64x100000xf32, #tpu.memory_space<hbm>> -> memref<8x32xf32, #tpu.memory_space<hbm>>
                  %dma_wait3A_368 = arith.constant 99968 : i32
                  %dma_wait3A_369 = tpu.memref_slice %arg5[%multiple_of3A, %dma_wait3A_368] : memref<64x100000xf32, #tpu.memory_space<hbm>> -> memref<8x32xf32, #tpu.memory_space<hbm>>
                  tpu.wait_dma2 semaphore(%arg13 : memref<!tpu.dma_semaphore, #tpu.memory_space<semaphore_mem>>) src(%dma_wait3A_369 : memref<8x32xf32, #tpu.memory_space<hbm>>) dst(%arg8 : memref<8x32xf32, #tpu.memory_space<vmem>>)
                  %broadcast_in_dim3A_370 = arith.constant 0 : i32
                  %broadcast_in_dim3A_371 = vector.broadcast %broadcast_in_dim3A_370 : i32 to vector<16xi32>
                  %add3A_372 = vector.broadcast %scan3A_128 : i32 to vector<16xi32>
                  %add3A_373 = arith.addi %broadcast_in_dim3A_371, %add3A_372 : vector<16xi32>
                  %broadcast_in_dim3A_374 = arith.constant 0 : i32
                  %broadcast_in_dim3A_375 = vector.broadcast %broadcast_in_dim3A_374 : i32 to vector<16xi32>
                  %sub3A_376 = arith.constant 99968 : i32
                  %sub3A_377 = arith.subi %squeeze3A_210, %sub3A_376 : i32
                  %add3A_378 = vector.broadcast %sub3A_377 : i32 to vector<16xi32>
                  %add3A_379 = arith.addi %broadcast_in_dim3A_375, %add3A_378 : vector<16xi32>
                  %eq3A_380 = arith.constant 0 : i32
                  %eq3A_381 = vector.broadcast %eq3A_380 : i32 to vector<16xi32>
                  %eq3A_382 = arith.cmpi eq, %iota3A, %eq3A_381 : vector<16xi32>
                  tpu.vector_store_idx %arg8[%add3A_373, %add3A_379], %broadcast_in_dim3A_33 masked %eq3A_382 : memref<8x32xf32, #tpu.memory_space<vmem>>[vector<16xi32>, vector<16xi32>], vector<16xf32>, vector<16xi1>
                  %dma_start3A_383 = arith.constant 99968 : i32
                  %dma_start3A_384 = tpu.memref_slice %arg5[%multiple_of3A, %dma_start3A_383] : memref<64x100000xf32, #tpu.memory_space<hbm>> -> memref<8x32xf32, #tpu.memory_space<hbm>>
                  %dma_start3A_385 = arith.constant 99968 : i32
                  %dma_start3A_386 = tpu.memref_slice %arg5[%multiple_of3A, %dma_start3A_385] : memref<64x100000xf32, #tpu.memory_space<hbm>> -> memref<8x32xf32, #tpu.memory_space<hbm>>
                  tpu.enqueue_dma source(%arg8 : memref<8x32xf32, #tpu.memory_space<vmem>>) target(%dma_start3A_386 : memref<8x32xf32, #tpu.memory_space<hbm>>) target_semaphore(%arg13 : memref<!tpu.dma_semaphore, #tpu.memory_space<semaphore_mem>>)
                  %dma_wait3A_387 = arith.constant 99968 : i32
                  %dma_wait3A_388 = tpu.memref_slice %arg5[%multiple_of3A, %dma_wait3A_387] : memref<64x100000xf32, #tpu.memory_space<hbm>> -> memref<8x32xf32, #tpu.memory_space<hbm>>
                  %dma_wait3A_389 = arith.constant 99968 : i32
                  %dma_wait3A_390 = tpu.memref_slice %arg5[%multiple_of3A, %dma_wait3A_389] : memref<64x100000xf32, #tpu.memory_space<hbm>> -> memref<8x32xf32, #tpu.memory_space<hbm>>
                  tpu.wait_dma2 semaphore(%arg13 : memref<!tpu.dma_semaphore, #tpu.memory_space<semaphore_mem>>) src(%arg8 : memref<8x32xf32, #tpu.memory_space<vmem>>) dst(%dma_wait3A_390 : memref<8x32xf32, #tpu.memory_space<hbm>>)
                } else {
                }
              } else {
              }
              %slice3A_218 = vector.extract_strided_slice %gather3A_173 {offsets = [1], sizes = [1], strides = [1]} : vector<16xi32> to vector<1xi32>
              %squeeze3A_219 = vector.extract %slice3A_218[0] : i32 from vector<1xi32>
              %slice3A_220 = vector.extract_strided_slice %convert_element_type3A_195 {offsets = [1], sizes = [1], strides = [1]} : vector<16xi32> to vector<1xi32>
              %squeeze3A_221 = vector.extract %slice3A_220[0] : i32 from vector<1xi32>
              %ne3A_222 = arith.constant 0 : i32
              %ne3A_223 = arith.cmpi ne, %squeeze3A_221, %ne3A_222 : i32
              %convert_element_type3A_224 = arith.extui %ne3A_223 : i1 to i32
              %cond3A_225 = arith.constant 0 : i32
              %cond3A_226 = arith.cmpi ne, %convert_element_type3A_224, %cond3A_225 : i32
              scf.if %cond3A_226 {
                %ge3A_353 = arith.constant 99968 : i32
                %ge3A_354 = arith.cmpi sge, %squeeze3A_219, %ge3A_353 : i32
                %not3A = arith.constant true
                %not3A_355 = arith.xori %ge3A_354, %not3A : i1
                %convert_element_type3A_356 = arith.extui %not3A_355 : i1 to i32
                %cond3A_357 = arith.constant 0 : i32
                %cond3A_358 = arith.cmpi ne, %convert_element_type3A_356, %cond3A_357 : i32
                scf.if %cond3A_358 {
                  %shift_right_arithmetic3A_362 = arith.constant 7 : i32
                  %shift_right_arithmetic3A_363 = arith.shrsi %squeeze3A_219, %shift_right_arithmetic3A_362 : i32
                  %shift_left3A = arith.constant 7 : i32
                  %shift_left3A_364 = arith.shli %shift_right_arithmetic3A_363, %shift_left3A : i32
                  %multiple_of3A_365 = tpu.assume_multiple %shift_left3A_364, 128 : i32
                  %dma_start3A_366 = arith.constant 0 : i32
                  %dma_start3A_367 = arith.constant 0 : i32
                  %dma_start3A_368 = tpu.memref_slice %arg7[%dma_start3A_366, %dma_start3A_367] : memref<8x14080xf32, #tpu.memory_space<vmem>> -> memref<8x128xf32, #tpu.memory_space<vmem>>
                  %dma_start3A_369 = tpu.memref_slice %arg5[%multiple_of3A, %multiple_of3A_365] : memref<64x100000xf32, #tpu.memory_space<hbm>> -> memref<8x128xf32, #tpu.memory_space<hbm>>
                  %dma_start3A_370 = arith.constant 0 : i32
                  %dma_start3A_371 = arith.constant 0 : i32
                  %dma_start3A_372 = tpu.memref_slice %arg7[%dma_start3A_370, %dma_start3A_371] : memref<8x14080xf32, #tpu.memory_space<vmem>> -> memref<8x128xf32, #tpu.memory_space<vmem>>
                  %dma_start3A_373 = tpu.memref_slice %arg5[%multiple_of3A, %multiple_of3A_365] : memref<64x100000xf32, #tpu.memory_space<hbm>> -> memref<8x128xf32, #tpu.memory_space<hbm>>
                  tpu.enqueue_dma source(%dma_start3A_373 : memref<8x128xf32, #tpu.memory_space<hbm>>) target(%dma_start3A_372 : memref<8x128xf32, #tpu.memory_space<vmem>>) target_semaphore(%arg13 : memref<!tpu.dma_semaphore, #tpu.memory_space<semaphore_mem>>)
                  %dma_wait3A_374 = arith.constant 0 : i32
                  %dma_wait3A_375 = arith.constant 0 : i32
                  %dma_wait3A_376 = tpu.memref_slice %arg7[%dma_wait3A_374, %dma_wait3A_375] : memref<8x14080xf32, #tpu.memory_space<vmem>> -> memref<8x128xf32, #tpu.memory_space<vmem>>
                  %dma_wait3A_377 = tpu.memref_slice %arg5[%multiple_of3A, %multiple_of3A_365] : memref<64x100000xf32, #tpu.memory_space<hbm>> -> memref<8x128xf32, #tpu.memory_space<hbm>>
                  %dma_wait3A_378 = arith.constant 0 : i32
                  %dma_wait3A_379 = arith.constant 0 : i32
                  %dma_wait3A_380 = tpu.memref_slice %arg7[%dma_wait3A_378, %dma_wait3A_379] : memref<8x14080xf32, #tpu.memory_space<vmem>> -> memref<8x128xf32, #tpu.memory_space<vmem>>
                  %dma_wait3A_381 = tpu.memref_slice %arg5[%multiple_of3A, %multiple_of3A_365] : memref<64x100000xf32, #tpu.memory_space<hbm>> -> memref<8x128xf32, #tpu.memory_space<hbm>>
                  tpu.wait_dma2 semaphore(%arg13 : memref<!tpu.dma_semaphore, #tpu.memory_space<semaphore_mem>>) src(%dma_wait3A_381 : memref<8x128xf32, #tpu.memory_space<hbm>>) dst(%dma_wait3A_380 : memref<8x128xf32, #tpu.memory_space<vmem>>)
                  %broadcast_in_dim3A_382 = arith.constant 0 : i32
                  %broadcast_in_dim3A_383 = vector.broadcast %broadcast_in_dim3A_382 : i32 to vector<16xi32>
                  %add3A_384 = vector.broadcast %scan3A_128 : i32 to vector<16xi32>
                  %add3A_385 = arith.addi %broadcast_in_dim3A_383, %add3A_384 : vector<16xi32>
                  %broadcast_in_dim3A_386 = arith.constant 0 : i32
                  %broadcast_in_dim3A_387 = vector.broadcast %broadcast_in_dim3A_386 : i32 to vector<16xi32>
                  %sub3A_388 = arith.subi %squeeze3A_219, %multiple_of3A_365 : i32
                  %add3A_389 = vector.broadcast %sub3A_388 : i32 to vector<16xi32>
                  %add3A_390 = arith.addi %broadcast_in_dim3A_387, %add3A_389 : vector<16xi32>
                  %eq3A_391 = arith.constant 0 : i32
                  %eq3A_392 = vector.broadcast %eq3A_391 : i32 to vector<16xi32>
                  %eq3A_393 = arith.cmpi eq, %iota3A, %eq3A_392 : vector<16xi32>
                  %scatter3A = arith.constant 0 : i32
                  %scatter3A_394 = arith.constant 0 : i32
                  %scatter3A_395 = tpu.memref_slice %arg7[%scatter3A, %scatter3A_394] : memref<8x14080xf32, #tpu.memory_space<vmem>> -> memref<8x128xf32, #tpu.memory_space<vmem>>
                  tpu.vector_store_idx %scatter3A_395[%add3A_385, %add3A_390], %broadcast_in_dim3A_33 masked %eq3A_393 : memref<8x128xf32, #tpu.memory_space<vmem>>[vector<16xi32>, vector<16xi32>], vector<16xf32>, vector<16xi1>
                  %dma_start3A_396 = arith.constant 0 : i32
                  %dma_start3A_397 = arith.constant 0 : i32
                  %dma_start3A_398 = tpu.memref_slice %arg7[%dma_start3A_396, %dma_start3A_397] : memref<8x14080xf32, #tpu.memory_space<vmem>> -> memref<8x128xf32, #tpu.memory_space<vmem>>
                  %dma_start3A_399 = tpu.memref_slice %arg5[%multiple_of3A, %multiple_of3A_365] : memref<64x100000xf32, #tpu.memory_space<hbm>> -> memref<8x128xf32, #tpu.memory_space<hbm>>
                  %dma_start3A_400 = tpu.memref_slice %arg5[%multiple_of3A, %multiple_of3A_365] : memref<64x100000xf32, #tpu.memory_space<hbm>> -> memref<8x128xf32, #tpu.memory_space<hbm>>
                  %dma_start3A_401 = arith.constant 0 : i32
                  %dma_start3A_402 = arith.constant 0 : i32
                  %dma_start3A_403 = tpu.memref_slice %arg7[%dma_start3A_401, %dma_start3A_402] : memref<8x14080xf32, #tpu.memory_space<vmem>> -> memref<8x128xf32, #tpu.memory_space<vmem>>
                  tpu.enqueue_dma source(%dma_start3A_403 : memref<8x128xf32, #tpu.memory_space<vmem>>) target(%dma_start3A_400 : memref<8x128xf32, #tpu.memory_space<hbm>>) target_semaphore(%arg13 : memref<!tpu.dma_semaphore, #tpu.memory_space<semaphore_mem>>)
                  %dma_wait3A_404 = arith.constant 0 : i32
                  %dma_wait3A_405 = arith.constant 0 : i32
                  %dma_wait3A_406 = tpu.memref_slice %arg7[%dma_wait3A_404, %dma_wait3A_405] : memref<8x14080xf32, #tpu.memory_space<vmem>> -> memref<8x128xf32, #tpu.memory_space<vmem>>
                  %dma_wait3A_407 = tpu.memref_slice %arg5[%multiple_of3A, %multiple_of3A_365] : memref<64x100000xf32, #tpu.memory_space<hbm>> -> memref<8x128xf32, #tpu.memory_space<hbm>>
                  %dma_wait3A_408 = tpu.memref_slice %arg5[%multiple_of3A, %multiple_of3A_365] : memref<64x100000xf32, #tpu.memory_space<hbm>> -> memref<8x128xf32, #tpu.memory_space<hbm>>
                  %dma_wait3A_409 = arith.constant 0 : i32
                  %dma_wait3A_410 = arith.constant 0 : i32
                  %dma_wait3A_411 = tpu.memref_slice %arg7[%dma_wait3A_409, %dma_wait3A_410] : memref<8x14080xf32, #tpu.memory_space<vmem>> -> memref<8x128xf32, #tpu.memory_space<vmem>>
                  tpu.wait_dma2 semaphore(%arg13 : memref<!tpu.dma_semaphore, #tpu.memory_space<semaphore_mem>>) src(%dma_wait3A_411 : memref<8x128xf32, #tpu.memory_space<vmem>>) dst(%dma_wait3A_408 : memref<8x128xf32, #tpu.memory_space<hbm>>)
                } else {
                }
                %convert_element_type3A_359 = arith.extui %ge3A_354 : i1 to i32
                %cond3A_360 = arith.constant 0 : i32
                %cond3A_361 = arith.cmpi ne, %convert_element_type3A_359, %cond3A_360 : i32
                scf.if %cond3A_361 {
                  %dma_start3A_362 = arith.constant 99968 : i32
                  %dma_start3A_363 = tpu.memref_slice %arg5[%multiple_of3A, %dma_start3A_362] : memref<64x100000xf32, #tpu.memory_space<hbm>> -> memref<8x32xf32, #tpu.memory_space<hbm>>
                  %dma_start3A_364 = arith.constant 99968 : i32
                  %dma_start3A_365 = tpu.memref_slice %arg5[%multiple_of3A, %dma_start3A_364] : memref<64x100000xf32, #tpu.memory_space<hbm>> -> memref<8x32xf32, #tpu.memory_space<hbm>>
                  tpu.enqueue_dma source(%dma_start3A_365 : memref<8x32xf32, #tpu.memory_space<hbm>>) target(%arg8 : memref<8x32xf32, #tpu.memory_space<vmem>>) target_semaphore(%arg13 : memref<!tpu.dma_semaphore, #tpu.memory_space<semaphore_mem>>)
                  %dma_wait3A_366 = arith.constant 99968 : i32
                  %dma_wait3A_367 = tpu.memref_slice %arg5[%multiple_of3A, %dma_wait3A_366] : memref<64x100000xf32, #tpu.memory_space<hbm>> -> memref<8x32xf32, #tpu.memory_space<hbm>>
                  %dma_wait3A_368 = arith.constant 99968 : i32
                  %dma_wait3A_369 = tpu.memref_slice %arg5[%multiple_of3A, %dma_wait3A_368] : memref<64x100000xf32, #tpu.memory_space<hbm>> -> memref<8x32xf32, #tpu.memory_space<hbm>>
                  tpu.wait_dma2 semaphore(%arg13 : memref<!tpu.dma_semaphore, #tpu.memory_space<semaphore_mem>>) src(%dma_wait3A_369 : memref<8x32xf32, #tpu.memory_space<hbm>>) dst(%arg8 : memref<8x32xf32, #tpu.memory_space<vmem>>)
                  %broadcast_in_dim3A_370 = arith.constant 0 : i32
                  %broadcast_in_dim3A_371 = vector.broadcast %broadcast_in_dim3A_370 : i32 to vector<16xi32>
                  %add3A_372 = vector.broadcast %scan3A_128 : i32 to vector<16xi32>
                  %add3A_373 = arith.addi %broadcast_in_dim3A_371, %add3A_372 : vector<16xi32>
                  %broadcast_in_dim3A_374 = arith.constant 0 : i32
                  %broadcast_in_dim3A_375 = vector.broadcast %broadcast_in_dim3A_374 : i32 to vector<16xi32>
                  %sub3A_376 = arith.constant 99968 : i32
                  %sub3A_377 = arith.subi %squeeze3A_219, %sub3A_376 : i32
                  %add3A_378 = vector.broadcast %sub3A_377 : i32 to vector<16xi32>
                  %add3A_379 = arith.addi %broadcast_in_dim3A_375, %add3A_378 : vector<16xi32>
                  %eq3A_380 = arith.constant 0 : i32
                  %eq3A_381 = vector.broadcast %eq3A_380 : i32 to vector<16xi32>
                  %eq3A_382 = arith.cmpi eq, %iota3A, %eq3A_381 : vector<16xi32>
                  tpu.vector_store_idx %arg8[%add3A_373, %add3A_379], %broadcast_in_dim3A_33 masked %eq3A_382 : memref<8x32xf32, #tpu.memory_space<vmem>>[vector<16xi32>, vector<16xi32>], vector<16xf32>, vector<16xi1>
                  %dma_start3A_383 = arith.constant 99968 : i32
                  %dma_start3A_384 = tpu.memref_slice %arg5[%multiple_of3A, %dma_start3A_383] : memref<64x100000xf32, #tpu.memory_space<hbm>> -> memref<8x32xf32, #tpu.memory_space<hbm>>
                  %dma_start3A_385 = arith.constant 99968 : i32
                  %dma_start3A_386 = tpu.memref_slice %arg5[%multiple_of3A, %dma_start3A_385] : memref<64x100000xf32, #tpu.memory_space<hbm>> -> memref<8x32xf32, #tpu.memory_space<hbm>>
                  tpu.enqueue_dma source(%arg8 : memref<8x32xf32, #tpu.memory_space<vmem>>) target(%dma_start3A_386 : memref<8x32xf32, #tpu.memory_space<hbm>>) target_semaphore(%arg13 : memref<!tpu.dma_semaphore, #tpu.memory_space<semaphore_mem>>)
                  %dma_wait3A_387 = arith.constant 99968 : i32
                  %dma_wait3A_388 = tpu.memref_slice %arg5[%multiple_of3A, %dma_wait3A_387] : memref<64x100000xf32, #tpu.memory_space<hbm>> -> memref<8x32xf32, #tpu.memory_space<hbm>>
                  %dma_wait3A_389 = arith.constant 99968 : i32
                  %dma_wait3A_390 = tpu.memref_slice %arg5[%multiple_of3A, %dma_wait3A_389] : memref<64x100000xf32, #tpu.memory_space<hbm>> -> memref<8x32xf32, #tpu.memory_space<hbm>>
                  tpu.wait_dma2 semaphore(%arg13 : memref<!tpu.dma_semaphore, #tpu.memory_space<semaphore_mem>>) src(%arg8 : memref<8x32xf32, #tpu.memory_space<vmem>>) dst(%dma_wait3A_390 : memref<8x32xf32, #tpu.memory_space<hbm>>)
                } else {
                }
              } else {
              }
              %slice3A_227 = vector.extract_strided_slice %gather3A_173 {offsets = [2], sizes = [1], strides = [1]} : vector<16xi32> to vector<1xi32>
              %squeeze3A_228 = vector.extract %slice3A_227[0] : i32 from vector<1xi32>
              %slice3A_229 = vector.extract_strided_slice %convert_element_type3A_195 {offsets = [2], sizes = [1], strides = [1]} : vector<16xi32> to vector<1xi32>
              %squeeze3A_230 = vector.extract %slice3A_229[0] : i32 from vector<1xi32>
              %ne3A_231 = arith.constant 0 : i32
              %ne3A_232 = arith.cmpi ne, %squeeze3A_230, %ne3A_231 : i32
              %convert_element_type3A_233 = arith.extui %ne3A_232 : i1 to i32
              %cond3A_234 = arith.constant 0 : i32
              %cond3A_235 = arith.cmpi ne, %convert_element_type3A_233, %cond3A_234 : i32
              scf.if %cond3A_235 {
                %ge3A_353 = arith.constant 99968 : i32
                %ge3A_354 = arith.cmpi sge, %squeeze3A_228, %ge3A_353 : i32
                %not3A = arith.constant true
                %not3A_355 = arith.xori %ge3A_354, %not3A : i1
                %convert_element_type3A_356 = arith.extui %not3A_355 : i1 to i32
                %cond3A_357 = arith.constant 0 : i32
                %cond3A_358 = arith.cmpi ne, %convert_element_type3A_356, %cond3A_357 : i32
                scf.if %cond3A_358 {
                  %shift_right_arithmetic3A_362 = arith.constant 7 : i32
                  %shift_right_arithmetic3A_363 = arith.shrsi %squeeze3A_228, %shift_right_arithmetic3A_362 : i32
                  %shift_left3A = arith.constant 7 : i32
                  %shift_left3A_364 = arith.shli %shift_right_arithmetic3A_363, %shift_left3A : i32
                  %multiple_of3A_365 = tpu.assume_multiple %shift_left3A_364, 128 : i32
                  %dma_start3A_366 = arith.constant 0 : i32
                  %dma_start3A_367 = arith.constant 0 : i32
                  %dma_start3A_368 = tpu.memref_slice %arg7[%dma_start3A_366, %dma_start3A_367] : memref<8x14080xf32, #tpu.memory_space<vmem>> -> memref<8x128xf32, #tpu.memory_space<vmem>>
                  %dma_start3A_369 = tpu.memref_slice %arg5[%multiple_of3A, %multiple_of3A_365] : memref<64x100000xf32, #tpu.memory_space<hbm>> -> memref<8x128xf32, #tpu.memory_space<hbm>>
                  %dma_start3A_370 = arith.constant 0 : i32
                  %dma_start3A_371 = arith.constant 0 : i32
                  %dma_start3A_372 = tpu.memref_slice %arg7[%dma_start3A_370, %dma_start3A_371] : memref<8x14080xf32, #tpu.memory_space<vmem>> -> memref<8x128xf32, #tpu.memory_space<vmem>>
                  %dma_start3A_373 = tpu.memref_slice %arg5[%multiple_of3A, %multiple_of3A_365] : memref<64x100000xf32, #tpu.memory_space<hbm>> -> memref<8x128xf32, #tpu.memory_space<hbm>>
                  tpu.enqueue_dma source(%dma_start3A_373 : memref<8x128xf32, #tpu.memory_space<hbm>>) target(%dma_start3A_372 : memref<8x128xf32, #tpu.memory_space<vmem>>) target_semaphore(%arg13 : memref<!tpu.dma_semaphore, #tpu.memory_space<semaphore_mem>>)
                  %dma_wait3A_374 = arith.constant 0 : i32
                  %dma_wait3A_375 = arith.constant 0 : i32
                  %dma_wait3A_376 = tpu.memref_slice %arg7[%dma_wait3A_374, %dma_wait3A_375] : memref<8x14080xf32, #tpu.memory_space<vmem>> -> memref<8x128xf32, #tpu.memory_space<vmem>>
                  %dma_wait3A_377 = tpu.memref_slice %arg5[%multiple_of3A, %multiple_of3A_365] : memref<64x100000xf32, #tpu.memory_space<hbm>> -> memref<8x128xf32, #tpu.memory_space<hbm>>
                  %dma_wait3A_378 = arith.constant 0 : i32
                  %dma_wait3A_379 = arith.constant 0 : i32
                  %dma_wait3A_380 = tpu.memref_slice %arg7[%dma_wait3A_378, %dma_wait3A_379] : memref<8x14080xf32, #tpu.memory_space<vmem>> -> memref<8x128xf32, #tpu.memory_space<vmem>>
                  %dma_wait3A_381 = tpu.memref_slice %arg5[%multiple_of3A, %multiple_of3A_365] : memref<64x100000xf32, #tpu.memory_space<hbm>> -> memref<8x128xf32, #tpu.memory_space<hbm>>
                  tpu.wait_dma2 semaphore(%arg13 : memref<!tpu.dma_semaphore, #tpu.memory_space<semaphore_mem>>) src(%dma_wait3A_381 : memref<8x128xf32, #tpu.memory_space<hbm>>) dst(%dma_wait3A_380 : memref<8x128xf32, #tpu.memory_space<vmem>>)
                  %broadcast_in_dim3A_382 = arith.constant 0 : i32
                  %broadcast_in_dim3A_383 = vector.broadcast %broadcast_in_dim3A_382 : i32 to vector<16xi32>
                  %add3A_384 = vector.broadcast %scan3A_128 : i32 to vector<16xi32>
                  %add3A_385 = arith.addi %broadcast_in_dim3A_383, %add3A_384 : vector<16xi32>
                  %broadcast_in_dim3A_386 = arith.constant 0 : i32
                  %broadcast_in_dim3A_387 = vector.broadcast %broadcast_in_dim3A_386 : i32 to vector<16xi32>
                  %sub3A_388 = arith.subi %squeeze3A_228, %multiple_of3A_365 : i32
                  %add3A_389 = vector.broadcast %sub3A_388 : i32 to vector<16xi32>
                  %add3A_390 = arith.addi %broadcast_in_dim3A_387, %add3A_389 : vector<16xi32>
                  %eq3A_391 = arith.constant 0 : i32
                  %eq3A_392 = vector.broadcast %eq3A_391 : i32 to vector<16xi32>
                  %eq3A_393 = arith.cmpi eq, %iota3A, %eq3A_392 : vector<16xi32>
                  %scatter3A = arith.constant 0 : i32
                  %scatter3A_394 = arith.constant 0 : i32
                  %scatter3A_395 = tpu.memref_slice %arg7[%scatter3A, %scatter3A_394] : memref<8x14080xf32, #tpu.memory_space<vmem>> -> memref<8x128xf32, #tpu.memory_space<vmem>>
                  tpu.vector_store_idx %scatter3A_395[%add3A_385, %add3A_390], %broadcast_in_dim3A_33 masked %eq3A_393 : memref<8x128xf32, #tpu.memory_space<vmem>>[vector<16xi32>, vector<16xi32>], vector<16xf32>, vector<16xi1>
                  %dma_start3A_396 = arith.constant 0 : i32
                  %dma_start3A_397 = arith.constant 0 : i32
                  %dma_start3A_398 = tpu.memref_slice %arg7[%dma_start3A_396, %dma_start3A_397] : memref<8x14080xf32, #tpu.memory_space<vmem>> -> memref<8x128xf32, #tpu.memory_space<vmem>>
                  %dma_start3A_399 = tpu.memref_slice %arg5[%multiple_of3A, %multiple_of3A_365] : memref<64x100000xf32, #tpu.memory_space<hbm>> -> memref<8x128xf32, #tpu.memory_space<hbm>>
                  %dma_start3A_400 = tpu.memref_slice %arg5[%multiple_of3A, %multiple_of3A_365] : memref<64x100000xf32, #tpu.memory_space<hbm>> -> memref<8x128xf32, #tpu.memory_space<hbm>>
                  %dma_start3A_401 = arith.constant 0 : i32
                  %dma_start3A_402 = arith.constant 0 : i32
                  %dma_start3A_403 = tpu.memref_slice %arg7[%dma_start3A_401, %dma_start3A_402] : memref<8x14080xf32, #tpu.memory_space<vmem>> -> memref<8x128xf32, #tpu.memory_space<vmem>>
                  tpu.enqueue_dma source(%dma_start3A_403 : memref<8x128xf32, #tpu.memory_space<vmem>>) target(%dma_start3A_400 : memref<8x128xf32, #tpu.memory_space<hbm>>) target_semaphore(%arg13 : memref<!tpu.dma_semaphore, #tpu.memory_space<semaphore_mem>>)
                  %dma_wait3A_404 = arith.constant 0 : i32
                  %dma_wait3A_405 = arith.constant 0 : i32
                  %dma_wait3A_406 = tpu.memref_slice %arg7[%dma_wait3A_404, %dma_wait3A_405] : memref<8x14080xf32, #tpu.memory_space<vmem>> -> memref<8x128xf32, #tpu.memory_space<vmem>>
                  %dma_wait3A_407 = tpu.memref_slice %arg5[%multiple_of3A, %multiple_of3A_365] : memref<64x100000xf32, #tpu.memory_space<hbm>> -> memref<8x128xf32, #tpu.memory_space<hbm>>
                  %dma_wait3A_408 = tpu.memref_slice %arg5[%multiple_of3A, %multiple_of3A_365] : memref<64x100000xf32, #tpu.memory_space<hbm>> -> memref<8x128xf32, #tpu.memory_space<hbm>>
                  %dma_wait3A_409 = arith.constant 0 : i32
                  %dma_wait3A_410 = arith.constant 0 : i32
                  %dma_wait3A_411 = tpu.memref_slice %arg7[%dma_wait3A_409, %dma_wait3A_410] : memref<8x14080xf32, #tpu.memory_space<vmem>> -> memref<8x128xf32, #tpu.memory_space<vmem>>
                  tpu.wait_dma2 semaphore(%arg13 : memref<!tpu.dma_semaphore, #tpu.memory_space<semaphore_mem>>) src(%dma_wait3A_411 : memref<8x128xf32, #tpu.memory_space<vmem>>) dst(%dma_wait3A_408 : memref<8x128xf32, #tpu.memory_space<hbm>>)
                } else {
                }
                %convert_element_type3A_359 = arith.extui %ge3A_354 : i1 to i32
                %cond3A_360 = arith.constant 0 : i32
                %cond3A_361 = arith.cmpi ne, %convert_element_type3A_359, %cond3A_360 : i32
                scf.if %cond3A_361 {
                  %dma_start3A_362 = arith.constant 99968 : i32
                  %dma_start3A_363 = tpu.memref_slice %arg5[%multiple_of3A, %dma_start3A_362] : memref<64x100000xf32, #tpu.memory_space<hbm>> -> memref<8x32xf32, #tpu.memory_space<hbm>>
                  %dma_start3A_364 = arith.constant 99968 : i32
                  %dma_start3A_365 = tpu.memref_slice %arg5[%multiple_of3A, %dma_start3A_364] : memref<64x100000xf32, #tpu.memory_space<hbm>> -> memref<8x32xf32, #tpu.memory_space<hbm>>
                  tpu.enqueue_dma source(%dma_start3A_365 : memref<8x32xf32, #tpu.memory_space<hbm>>) target(%arg8 : memref<8x32xf32, #tpu.memory_space<vmem>>) target_semaphore(%arg13 : memref<!tpu.dma_semaphore, #tpu.memory_space<semaphore_mem>>)
                  %dma_wait3A_366 = arith.constant 99968 : i32
                  %dma_wait3A_367 = tpu.memref_slice %arg5[%multiple_of3A, %dma_wait3A_366] : memref<64x100000xf32, #tpu.memory_space<hbm>> -> memref<8x32xf32, #tpu.memory_space<hbm>>
                  %dma_wait3A_368 = arith.constant 99968 : i32
                  %dma_wait3A_369 = tpu.memref_slice %arg5[%multiple_of3A, %dma_wait3A_368] : memref<64x100000xf32, #tpu.memory_space<hbm>> -> memref<8x32xf32, #tpu.memory_space<hbm>>
                  tpu.wait_dma2 semaphore(%arg13 : memref<!tpu.dma_semaphore, #tpu.memory_space<semaphore_mem>>) src(%dma_wait3A_369 : memref<8x32xf32, #tpu.memory_space<hbm>>) dst(%arg8 : memref<8x32xf32, #tpu.memory_space<vmem>>)
                  %broadcast_in_dim3A_370 = arith.constant 0 : i32
                  %broadcast_in_dim3A_371 = vector.broadcast %broadcast_in_dim3A_370 : i32 to vector<16xi32>
                  %add3A_372 = vector.broadcast %scan3A_128 : i32 to vector<16xi32>
                  %add3A_373 = arith.addi %broadcast_in_dim3A_371, %add3A_372 : vector<16xi32>
                  %broadcast_in_dim3A_374 = arith.constant 0 : i32
                  %broadcast_in_dim3A_375 = vector.broadcast %broadcast_in_dim3A_374 : i32 to vector<16xi32>
                  %sub3A_376 = arith.constant 99968 : i32
                  %sub3A_377 = arith.subi %squeeze3A_228, %sub3A_376 : i32
                  %add3A_378 = vector.broadcast %sub3A_377 : i32 to vector<16xi32>
                  %add3A_379 = arith.addi %broadcast_in_dim3A_375, %add3A_378 : vector<16xi32>
                  %eq3A_380 = arith.constant 0 : i32
                  %eq3A_381 = vector.broadcast %eq3A_380 : i32 to vector<16xi32>
                  %eq3A_382 = arith.cmpi eq, %iota3A, %eq3A_381 : vector<16xi32>
                  tpu.vector_store_idx %arg8[%add3A_373, %add3A_379], %broadcast_in_dim3A_33 masked %eq3A_382 : memref<8x32xf32, #tpu.memory_space<vmem>>[vector<16xi32>, vector<16xi32>], vector<16xf32>, vector<16xi1>
                  %dma_start3A_383 = arith.constant 99968 : i32
                  %dma_start3A_384 = tpu.memref_slice %arg5[%multiple_of3A, %dma_start3A_383] : memref<64x100000xf32, #tpu.memory_space<hbm>> -> memref<8x32xf32, #tpu.memory_space<hbm>>
                  %dma_start3A_385 = arith.constant 99968 : i32
                  %dma_start3A_386 = tpu.memref_slice %arg5[%multiple_of3A, %dma_start3A_385] : memref<64x100000xf32, #tpu.memory_space<hbm>> -> memref<8x32xf32, #tpu.memory_space<hbm>>
                  tpu.enqueue_dma source(%arg8 : memref<8x32xf32, #tpu.memory_space<vmem>>) target(%dma_start3A_386 : memref<8x32xf32, #tpu.memory_space<hbm>>) target_semaphore(%arg13 : memref<!tpu.dma_semaphore, #tpu.memory_space<semaphore_mem>>)
                  %dma_wait3A_387 = arith.constant 99968 : i32
                  %dma_wait3A_388 = tpu.memref_slice %arg5[%multiple_of3A, %dma_wait3A_387] : memref<64x100000xf32, #tpu.memory_space<hbm>> -> memref<8x32xf32, #tpu.memory_space<hbm>>
                  %dma_wait3A_389 = arith.constant 99968 : i32
                  %dma_wait3A_390 = tpu.memref_slice %arg5[%multiple_of3A, %dma_wait3A_389] : memref<64x100000xf32, #tpu.memory_space<hbm>> -> memref<8x32xf32, #tpu.memory_space<hbm>>
                  tpu.wait_dma2 semaphore(%arg13 : memref<!tpu.dma_semaphore, #tpu.memory_space<semaphore_mem>>) src(%arg8 : memref<8x32xf32, #tpu.memory_space<vmem>>) dst(%dma_wait3A_390 : memref<8x32xf32, #tpu.memory_space<hbm>>)
                } else {
                }
              } else {
              }
              %slice3A_236 = vector.extract_strided_slice %gather3A_173 {offsets = [3], sizes = [1], strides = [1]} : vector<16xi32> to vector<1xi32>
              %squeeze3A_237 = vector.extract %slice3A_236[0] : i32 from vector<1xi32>
              %slice3A_238 = vector.extract_strided_slice %convert_element_type3A_195 {offsets = [3], sizes = [1], strides = [1]} : vector<16xi32> to vector<1xi32>
              %squeeze3A_239 = vector.extract %slice3A_238[0] : i32 from vector<1xi32>
              %ne3A_240 = arith.constant 0 : i32
              %ne3A_241 = arith.cmpi ne, %squeeze3A_239, %ne3A_240 : i32
              %convert_element_type3A_242 = arith.extui %ne3A_241 : i1 to i32
              %cond3A_243 = arith.constant 0 : i32
              %cond3A_244 = arith.cmpi ne, %convert_element_type3A_242, %cond3A_243 : i32
              scf.if %cond3A_244 {
                %ge3A_353 = arith.constant 99968 : i32
                %ge3A_354 = arith.cmpi sge, %squeeze3A_237, %ge3A_353 : i32
                %not3A = arith.constant true
                %not3A_355 = arith.xori %ge3A_354, %not3A : i1
                %convert_element_type3A_356 = arith.extui %not3A_355 : i1 to i32
                %cond3A_357 = arith.constant 0 : i32
                %cond3A_358 = arith.cmpi ne, %convert_element_type3A_356, %cond3A_357 : i32
                scf.if %cond3A_358 {
                  %shift_right_arithmetic3A_362 = arith.constant 7 : i32
                  %shift_right_arithmetic3A_363 = arith.shrsi %squeeze3A_237, %shift_right_arithmetic3A_362 : i32
                  %shift_left3A = arith.constant 7 : i32
                  %shift_left3A_364 = arith.shli %shift_right_arithmetic3A_363, %shift_left3A : i32
                  %multiple_of3A_365 = tpu.assume_multiple %shift_left3A_364, 128 : i32
                  %dma_start3A_366 = arith.constant 0 : i32
                  %dma_start3A_367 = arith.constant 0 : i32
                  %dma_start3A_368 = tpu.memref_slice %arg7[%dma_start3A_366, %dma_start3A_367] : memref<8x14080xf32, #tpu.memory_space<vmem>> -> memref<8x128xf32, #tpu.memory_space<vmem>>
                  %dma_start3A_369 = tpu.memref_slice %arg5[%multiple_of3A, %multiple_of3A_365] : memref<64x100000xf32, #tpu.memory_space<hbm>> -> memref<8x128xf32, #tpu.memory_space<hbm>>
                  %dma_start3A_370 = arith.constant 0 : i32
                  %dma_start3A_371 = arith.constant 0 : i32
                  %dma_start3A_372 = tpu.memref_slice %arg7[%dma_start3A_370, %dma_start3A_371] : memref<8x14080xf32, #tpu.memory_space<vmem>> -> memref<8x128xf32, #tpu.memory_space<vmem>>
                  %dma_start3A_373 = tpu.memref_slice %arg5[%multiple_of3A, %multiple_of3A_365] : memref<64x100000xf32, #tpu.memory_space<hbm>> -> memref<8x128xf32, #tpu.memory_space<hbm>>
                  tpu.enqueue_dma source(%dma_start3A_373 : memref<8x128xf32, #tpu.memory_space<hbm>>) target(%dma_start3A_372 : memref<8x128xf32, #tpu.memory_space<vmem>>) target_semaphore(%arg13 : memref<!tpu.dma_semaphore, #tpu.memory_space<semaphore_mem>>)
                  %dma_wait3A_374 = arith.constant 0 : i32
                  %dma_wait3A_375 = arith.constant 0 : i32
                  %dma_wait3A_376 = tpu.memref_slice %arg7[%dma_wait3A_374, %dma_wait3A_375] : memref<8x14080xf32, #tpu.memory_space<vmem>> -> memref<8x128xf32, #tpu.memory_space<vmem>>
                  %dma_wait3A_377 = tpu.memref_slice %arg5[%multiple_of3A, %multiple_of3A_365] : memref<64x100000xf32, #tpu.memory_space<hbm>> -> memref<8x128xf32, #tpu.memory_space<hbm>>
                  %dma_wait3A_378 = arith.constant 0 : i32
                  %dma_wait3A_379 = arith.constant 0 : i32
                  %dma_wait3A_380 = tpu.memref_slice %arg7[%dma_wait3A_378, %dma_wait3A_379] : memref<8x14080xf32, #tpu.memory_space<vmem>> -> memref<8x128xf32, #tpu.memory_space<vmem>>
                  %dma_wait3A_381 = tpu.memref_slice %arg5[%multiple_of3A, %multiple_of3A_365] : memref<64x100000xf32, #tpu.memory_space<hbm>> -> memref<8x128xf32, #tpu.memory_space<hbm>>
                  tpu.wait_dma2 semaphore(%arg13 : memref<!tpu.dma_semaphore, #tpu.memory_space<semaphore_mem>>) src(%dma_wait3A_381 : memref<8x128xf32, #tpu.memory_space<hbm>>) dst(%dma_wait3A_380 : memref<8x128xf32, #tpu.memory_space<vmem>>)
                  %broadcast_in_dim3A_382 = arith.constant 0 : i32
                  %broadcast_in_dim3A_383 = vector.broadcast %broadcast_in_dim3A_382 : i32 to vector<16xi32>
                  %add3A_384 = vector.broadcast %scan3A_128 : i32 to vector<16xi32>
                  %add3A_385 = arith.addi %broadcast_in_dim3A_383, %add3A_384 : vector<16xi32>
                  %broadcast_in_dim3A_386 = arith.constant 0 : i32
                  %broadcast_in_dim3A_387 = vector.broadcast %broadcast_in_dim3A_386 : i32 to vector<16xi32>
                  %sub3A_388 = arith.subi %squeeze3A_237, %multiple_of3A_365 : i32
                  %add3A_389 = vector.broadcast %sub3A_388 : i32 to vector<16xi32>
                  %add3A_390 = arith.addi %broadcast_in_dim3A_387, %add3A_389 : vector<16xi32>
                  %eq3A_391 = arith.constant 0 : i32
                  %eq3A_392 = vector.broadcast %eq3A_391 : i32 to vector<16xi32>
                  %eq3A_393 = arith.cmpi eq, %iota3A, %eq3A_392 : vector<16xi32>
                  %scatter3A = arith.constant 0 : i32
                  %scatter3A_394 = arith.constant 0 : i32
                  %scatter3A_395 = tpu.memref_slice %arg7[%scatter3A, %scatter3A_394] : memref<8x14080xf32, #tpu.memory_space<vmem>> -> memref<8x128xf32, #tpu.memory_space<vmem>>
                  tpu.vector_store_idx %scatter3A_395[%add3A_385, %add3A_390], %broadcast_in_dim3A_33 masked %eq3A_393 : memref<8x128xf32, #tpu.memory_space<vmem>>[vector<16xi32>, vector<16xi32>], vector<16xf32>, vector<16xi1>
                  %dma_start3A_396 = arith.constant 0 : i32
                  %dma_start3A_397 = arith.constant 0 : i32
                  %dma_start3A_398 = tpu.memref_slice %arg7[%dma_start3A_396, %dma_start3A_397] : memref<8x14080xf32, #tpu.memory_space<vmem>> -> memref<8x128xf32, #tpu.memory_space<vmem>>
                  %dma_start3A_399 = tpu.memref_slice %arg5[%multiple_of3A, %multiple_of3A_365] : memref<64x100000xf32, #tpu.memory_space<hbm>> -> memref<8x128xf32, #tpu.memory_space<hbm>>
                  %dma_start3A_400 = tpu.memref_slice %arg5[%multiple_of3A, %multiple_of3A_365] : memref<64x100000xf32, #tpu.memory_space<hbm>> -> memref<8x128xf32, #tpu.memory_space<hbm>>
                  %dma_start3A_401 = arith.constant 0 : i32
                  %dma_start3A_402 = arith.constant 0 : i32
                  %dma_start3A_403 = tpu.memref_slice %arg7[%dma_start3A_401, %dma_start3A_402] : memref<8x14080xf32, #tpu.memory_space<vmem>> -> memref<8x128xf32, #tpu.memory_space<vmem>>
                  tpu.enqueue_dma source(%dma_start3A_403 : memref<8x128xf32, #tpu.memory_space<vmem>>) target(%dma_start3A_400 : memref<8x128xf32, #tpu.memory_space<hbm>>) target_semaphore(%arg13 : memref<!tpu.dma_semaphore, #tpu.memory_space<semaphore_mem>>)
                  %dma_wait3A_404 = arith.constant 0 : i32
                  %dma_wait3A_405 = arith.constant 0 : i32
                  %dma_wait3A_406 = tpu.memref_slice %arg7[%dma_wait3A_404, %dma_wait3A_405] : memref<8x14080xf32, #tpu.memory_space<vmem>> -> memref<8x128xf32, #tpu.memory_space<vmem>>
                  %dma_wait3A_407 = tpu.memref_slice %arg5[%multiple_of3A, %multiple_of3A_365] : memref<64x100000xf32, #tpu.memory_space<hbm>> -> memref<8x128xf32, #tpu.memory_space<hbm>>
                  %dma_wait3A_408 = tpu.memref_slice %arg5[%multiple_of3A, %multiple_of3A_365] : memref<64x100000xf32, #tpu.memory_space<hbm>> -> memref<8x128xf32, #tpu.memory_space<hbm>>
                  %dma_wait3A_409 = arith.constant 0 : i32
                  %dma_wait3A_410 = arith.constant 0 : i32
                  %dma_wait3A_411 = tpu.memref_slice %arg7[%dma_wait3A_409, %dma_wait3A_410] : memref<8x14080xf32, #tpu.memory_space<vmem>> -> memref<8x128xf32, #tpu.memory_space<vmem>>
                  tpu.wait_dma2 semaphore(%arg13 : memref<!tpu.dma_semaphore, #tpu.memory_space<semaphore_mem>>) src(%dma_wait3A_411 : memref<8x128xf32, #tpu.memory_space<vmem>>) dst(%dma_wait3A_408 : memref<8x128xf32, #tpu.memory_space<hbm>>)
                } else {
                }
                %convert_element_type3A_359 = arith.extui %ge3A_354 : i1 to i32
                %cond3A_360 = arith.constant 0 : i32
                %cond3A_361 = arith.cmpi ne, %convert_element_type3A_359, %cond3A_360 : i32
                scf.if %cond3A_361 {
                  %dma_start3A_362 = arith.constant 99968 : i32
                  %dma_start3A_363 = tpu.memref_slice %arg5[%multiple_of3A, %dma_start3A_362] : memref<64x100000xf32, #tpu.memory_space<hbm>> -> memref<8x32xf32, #tpu.memory_space<hbm>>
                  %dma_start3A_364 = arith.constant 99968 : i32
                  %dma_start3A_365 = tpu.memref_slice %arg5[%multiple_of3A, %dma_start3A_364] : memref<64x100000xf32, #tpu.memory_space<hbm>> -> memref<8x32xf32, #tpu.memory_space<hbm>>
                  tpu.enqueue_dma source(%dma_start3A_365 : memref<8x32xf32, #tpu.memory_space<hbm>>) target(%arg8 : memref<8x32xf32, #tpu.memory_space<vmem>>) target_semaphore(%arg13 : memref<!tpu.dma_semaphore, #tpu.memory_space<semaphore_mem>>)
                  %dma_wait3A_366 = arith.constant 99968 : i32
                  %dma_wait3A_367 = tpu.memref_slice %arg5[%multiple_of3A, %dma_wait3A_366] : memref<64x100000xf32, #tpu.memory_space<hbm>> -> memref<8x32xf32, #tpu.memory_space<hbm>>
                  %dma_wait3A_368 = arith.constant 99968 : i32
                  %dma_wait3A_369 = tpu.memref_slice %arg5[%multiple_of3A, %dma_wait3A_368] : memref<64x100000xf32, #tpu.memory_space<hbm>> -> memref<8x32xf32, #tpu.memory_space<hbm>>
                  tpu.wait_dma2 semaphore(%arg13 : memref<!tpu.dma_semaphore, #tpu.memory_space<semaphore_mem>>) src(%dma_wait3A_369 : memref<8x32xf32, #tpu.memory_space<hbm>>) dst(%arg8 : memref<8x32xf32, #tpu.memory_space<vmem>>)
                  %broadcast_in_dim3A_370 = arith.constant 0 : i32
                  %broadcast_in_dim3A_371 = vector.broadcast %broadcast_in_dim3A_370 : i32 to vector<16xi32>
                  %add3A_372 = vector.broadcast %scan3A_128 : i32 to vector<16xi32>
                  %add3A_373 = arith.addi %broadcast_in_dim3A_371, %add3A_372 : vector<16xi32>
                  %broadcast_in_dim3A_374 = arith.constant 0 : i32
                  %broadcast_in_dim3A_375 = vector.broadcast %broadcast_in_dim3A_374 : i32 to vector<16xi32>
                  %sub3A_376 = arith.constant 99968 : i32
                  %sub3A_377 = arith.subi %squeeze3A_237, %sub3A_376 : i32
                  %add3A_378 = vector.broadcast %sub3A_377 : i32 to vector<16xi32>
                  %add3A_379 = arith.addi %broadcast_in_dim3A_375, %add3A_378 : vector<16xi32>
                  %eq3A_380 = arith.constant 0 : i32
                  %eq3A_381 = vector.broadcast %eq3A_380 : i32 to vector<16xi32>
                  %eq3A_382 = arith.cmpi eq, %iota3A, %eq3A_381 : vector<16xi32>
                  tpu.vector_store_idx %arg8[%add3A_373, %add3A_379], %broadcast_in_dim3A_33 masked %eq3A_382 : memref<8x32xf32, #tpu.memory_space<vmem>>[vector<16xi32>, vector<16xi32>], vector<16xf32>, vector<16xi1>
                  %dma_start3A_383 = arith.constant 99968 : i32
                  %dma_start3A_384 = tpu.memref_slice %arg5[%multiple_of3A, %dma_start3A_383] : memref<64x100000xf32, #tpu.memory_space<hbm>> -> memref<8x32xf32, #tpu.memory_space<hbm>>
                  %dma_start3A_385 = arith.constant 99968 : i32
                  %dma_start3A_386 = tpu.memref_slice %arg5[%multiple_of3A, %dma_start3A_385] : memref<64x100000xf32, #tpu.memory_space<hbm>> -> memref<8x32xf32, #tpu.memory_space<hbm>>
                  tpu.enqueue_dma source(%arg8 : memref<8x32xf32, #tpu.memory_space<vmem>>) target(%dma_start3A_386 : memref<8x32xf32, #tpu.memory_space<hbm>>) target_semaphore(%arg13 : memref<!tpu.dma_semaphore, #tpu.memory_space<semaphore_mem>>)
                  %dma_wait3A_387 = arith.constant 99968 : i32
                  %dma_wait3A_388 = tpu.memref_slice %arg5[%multiple_of3A, %dma_wait3A_387] : memref<64x100000xf32, #tpu.memory_space<hbm>> -> memref<8x32xf32, #tpu.memory_space<hbm>>
                  %dma_wait3A_389 = arith.constant 99968 : i32
                  %dma_wait3A_390 = tpu.memref_slice %arg5[%multiple_of3A, %dma_wait3A_389] : memref<64x100000xf32, #tpu.memory_space<hbm>> -> memref<8x32xf32, #tpu.memory_space<hbm>>
                  tpu.wait_dma2 semaphore(%arg13 : memref<!tpu.dma_semaphore, #tpu.memory_space<semaphore_mem>>) src(%arg8 : memref<8x32xf32, #tpu.memory_space<vmem>>) dst(%dma_wait3A_390 : memref<8x32xf32, #tpu.memory_space<hbm>>)
                } else {
                }
              } else {
              }
              %slice3A_245 = vector.extract_strided_slice %gather3A_173 {offsets = [4], sizes = [1], strides = [1]} : vector<16xi32> to vector<1xi32>
              %squeeze3A_246 = vector.extract %slice3A_245[0] : i32 from vector<1xi32>
              %slice3A_247 = vector.extract_strided_slice %convert_element_type3A_195 {offsets = [4], sizes = [1], strides = [1]} : vector<16xi32> to vector<1xi32>
              %squeeze3A_248 = vector.extract %slice3A_247[0] : i32 from vector<1xi32>
              %ne3A_249 = arith.constant 0 : i32
              %ne3A_250 = arith.cmpi ne, %squeeze3A_248, %ne3A_249 : i32
              %convert_element_type3A_251 = arith.extui %ne3A_250 : i1 to i32
              %cond3A_252 = arith.constant 0 : i32
              %cond3A_253 = arith.cmpi ne, %convert_element_type3A_251, %cond3A_252 : i32
              scf.if %cond3A_253 {
                %ge3A_353 = arith.constant 99968 : i32
                %ge3A_354 = arith.cmpi sge, %squeeze3A_246, %ge3A_353 : i32
                %not3A = arith.constant true
                %not3A_355 = arith.xori %ge3A_354, %not3A : i1
                %convert_element_type3A_356 = arith.extui %not3A_355 : i1 to i32
                %cond3A_357 = arith.constant 0 : i32
                %cond3A_358 = arith.cmpi ne, %convert_element_type3A_356, %cond3A_357 : i32
                scf.if %cond3A_358 {
                  %shift_right_arithmetic3A_362 = arith.constant 7 : i32
                  %shift_right_arithmetic3A_363 = arith.shrsi %squeeze3A_246, %shift_right_arithmetic3A_362 : i32
                  %shift_left3A = arith.constant 7 : i32
                  %shift_left3A_364 = arith.shli %shift_right_arithmetic3A_363, %shift_left3A : i32
                  %multiple_of3A_365 = tpu.assume_multiple %shift_left3A_364, 128 : i32
                  %dma_start3A_366 = arith.constant 0 : i32
                  %dma_start3A_367 = arith.constant 0 : i32
                  %dma_start3A_368 = tpu.memref_slice %arg7[%dma_start3A_366, %dma_start3A_367] : memref<8x14080xf32, #tpu.memory_space<vmem>> -> memref<8x128xf32, #tpu.memory_space<vmem>>
                  %dma_start3A_369 = tpu.memref_slice %arg5[%multiple_of3A, %multiple_of3A_365] : memref<64x100000xf32, #tpu.memory_space<hbm>> -> memref<8x128xf32, #tpu.memory_space<hbm>>
                  %dma_start3A_370 = arith.constant 0 : i32
                  %dma_start3A_371 = arith.constant 0 : i32
                  %dma_start3A_372 = tpu.memref_slice %arg7[%dma_start3A_370, %dma_start3A_371] : memref<8x14080xf32, #tpu.memory_space<vmem>> -> memref<8x128xf32, #tpu.memory_space<vmem>>
                  %dma_start3A_373 = tpu.memref_slice %arg5[%multiple_of3A, %multiple_of3A_365] : memref<64x100000xf32, #tpu.memory_space<hbm>> -> memref<8x128xf32, #tpu.memory_space<hbm>>
                  tpu.enqueue_dma source(%dma_start3A_373 : memref<8x128xf32, #tpu.memory_space<hbm>>) target(%dma_start3A_372 : memref<8x128xf32, #tpu.memory_space<vmem>>) target_semaphore(%arg13 : memref<!tpu.dma_semaphore, #tpu.memory_space<semaphore_mem>>)
                  %dma_wait3A_374 = arith.constant 0 : i32
                  %dma_wait3A_375 = arith.constant 0 : i32
                  %dma_wait3A_376 = tpu.memref_slice %arg7[%dma_wait3A_374, %dma_wait3A_375] : memref<8x14080xf32, #tpu.memory_space<vmem>> -> memref<8x128xf32, #tpu.memory_space<vmem>>
                  %dma_wait3A_377 = tpu.memref_slice %arg5[%multiple_of3A, %multiple_of3A_365] : memref<64x100000xf32, #tpu.memory_space<hbm>> -> memref<8x128xf32, #tpu.memory_space<hbm>>
                  %dma_wait3A_378 = arith.constant 0 : i32
                  %dma_wait3A_379 = arith.constant 0 : i32
                  %dma_wait3A_380 = tpu.memref_slice %arg7[%dma_wait3A_378, %dma_wait3A_379] : memref<8x14080xf32, #tpu.memory_space<vmem>> -> memref<8x128xf32, #tpu.memory_space<vmem>>
                  %dma_wait3A_381 = tpu.memref_slice %arg5[%multiple_of3A, %multiple_of3A_365] : memref<64x100000xf32, #tpu.memory_space<hbm>> -> memref<8x128xf32, #tpu.memory_space<hbm>>
                  tpu.wait_dma2 semaphore(%arg13 : memref<!tpu.dma_semaphore, #tpu.memory_space<semaphore_mem>>) src(%dma_wait3A_381 : memref<8x128xf32, #tpu.memory_space<hbm>>) dst(%dma_wait3A_380 : memref<8x128xf32, #tpu.memory_space<vmem>>)
                  %broadcast_in_dim3A_382 = arith.constant 0 : i32
                  %broadcast_in_dim3A_383 = vector.broadcast %broadcast_in_dim3A_382 : i32 to vector<16xi32>
                  %add3A_384 = vector.broadcast %scan3A_128 : i32 to vector<16xi32>
                  %add3A_385 = arith.addi %broadcast_in_dim3A_383, %add3A_384 : vector<16xi32>
                  %broadcast_in_dim3A_386 = arith.constant 0 : i32
                  %broadcast_in_dim3A_387 = vector.broadcast %broadcast_in_dim3A_386 : i32 to vector<16xi32>
                  %sub3A_388 = arith.subi %squeeze3A_246, %multiple_of3A_365 : i32
                  %add3A_389 = vector.broadcast %sub3A_388 : i32 to vector<16xi32>
                  %add3A_390 = arith.addi %broadcast_in_dim3A_387, %add3A_389 : vector<16xi32>
                  %eq3A_391 = arith.constant 0 : i32
                  %eq3A_392 = vector.broadcast %eq3A_391 : i32 to vector<16xi32>
                  %eq3A_393 = arith.cmpi eq, %iota3A, %eq3A_392 : vector<16xi32>
                  %scatter3A = arith.constant 0 : i32
                  %scatter3A_394 = arith.constant 0 : i32
                  %scatter3A_395 = tpu.memref_slice %arg7[%scatter3A, %scatter3A_394] : memref<8x14080xf32, #tpu.memory_space<vmem>> -> memref<8x128xf32, #tpu.memory_space<vmem>>
                  tpu.vector_store_idx %scatter3A_395[%add3A_385, %add3A_390], %broadcast_in_dim3A_33 masked %eq3A_393 : memref<8x128xf32, #tpu.memory_space<vmem>>[vector<16xi32>, vector<16xi32>], vector<16xf32>, vector<16xi1>
                  %dma_start3A_396 = arith.constant 0 : i32
                  %dma_start3A_397 = arith.constant 0 : i32
                  %dma_start3A_398 = tpu.memref_slice %arg7[%dma_start3A_396, %dma_start3A_397] : memref<8x14080xf32, #tpu.memory_space<vmem>> -> memref<8x128xf32, #tpu.memory_space<vmem>>
                  %dma_start3A_399 = tpu.memref_slice %arg5[%multiple_of3A, %multiple_of3A_365] : memref<64x100000xf32, #tpu.memory_space<hbm>> -> memref<8x128xf32, #tpu.memory_space<hbm>>
                  %dma_start3A_400 = tpu.memref_slice %arg5[%multiple_of3A, %multiple_of3A_365] : memref<64x100000xf32, #tpu.memory_space<hbm>> -> memref<8x128xf32, #tpu.memory_space<hbm>>
                  %dma_start3A_401 = arith.constant 0 : i32
                  %dma_start3A_402 = arith.constant 0 : i32
                  %dma_start3A_403 = tpu.memref_slice %arg7[%dma_start3A_401, %dma_start3A_402] : memref<8x14080xf32, #tpu.memory_space<vmem>> -> memref<8x128xf32, #tpu.memory_space<vmem>>
                  tpu.enqueue_dma source(%dma_start3A_403 : memref<8x128xf32, #tpu.memory_space<vmem>>) target(%dma_start3A_400 : memref<8x128xf32, #tpu.memory_space<hbm>>) target_semaphore(%arg13 : memref<!tpu.dma_semaphore, #tpu.memory_space<semaphore_mem>>)
                  %dma_wait3A_404 = arith.constant 0 : i32
                  %dma_wait3A_405 = arith.constant 0 : i32
                  %dma_wait3A_406 = tpu.memref_slice %arg7[%dma_wait3A_404, %dma_wait3A_405] : memref<8x14080xf32, #tpu.memory_space<vmem>> -> memref<8x128xf32, #tpu.memory_space<vmem>>
                  %dma_wait3A_407 = tpu.memref_slice %arg5[%multiple_of3A, %multiple_of3A_365] : memref<64x100000xf32, #tpu.memory_space<hbm>> -> memref<8x128xf32, #tpu.memory_space<hbm>>
                  %dma_wait3A_408 = tpu.memref_slice %arg5[%multiple_of3A, %multiple_of3A_365] : memref<64x100000xf32, #tpu.memory_space<hbm>> -> memref<8x128xf32, #tpu.memory_space<hbm>>
                  %dma_wait3A_409 = arith.constant 0 : i32
                  %dma_wait3A_410 = arith.constant 0 : i32
                  %dma_wait3A_411 = tpu.memref_slice %arg7[%dma_wait3A_409, %dma_wait3A_410] : memref<8x14080xf32, #tpu.memory_space<vmem>> -> memref<8x128xf32, #tpu.memory_space<vmem>>
                  tpu.wait_dma2 semaphore(%arg13 : memref<!tpu.dma_semaphore, #tpu.memory_space<semaphore_mem>>) src(%dma_wait3A_411 : memref<8x128xf32, #tpu.memory_space<vmem>>) dst(%dma_wait3A_408 : memref<8x128xf32, #tpu.memory_space<hbm>>)
                } else {
                }
                %convert_element_type3A_359 = arith.extui %ge3A_354 : i1 to i32
                %cond3A_360 = arith.constant 0 : i32
                %cond3A_361 = arith.cmpi ne, %convert_element_type3A_359, %cond3A_360 : i32
                scf.if %cond3A_361 {
                  %dma_start3A_362 = arith.constant 99968 : i32
                  %dma_start3A_363 = tpu.memref_slice %arg5[%multiple_of3A, %dma_start3A_362] : memref<64x100000xf32, #tpu.memory_space<hbm>> -> memref<8x32xf32, #tpu.memory_space<hbm>>
                  %dma_start3A_364 = arith.constant 99968 : i32
                  %dma_start3A_365 = tpu.memref_slice %arg5[%multiple_of3A, %dma_start3A_364] : memref<64x100000xf32, #tpu.memory_space<hbm>> -> memref<8x32xf32, #tpu.memory_space<hbm>>
                  tpu.enqueue_dma source(%dma_start3A_365 : memref<8x32xf32, #tpu.memory_space<hbm>>) target(%arg8 : memref<8x32xf32, #tpu.memory_space<vmem>>) target_semaphore(%arg13 : memref<!tpu.dma_semaphore, #tpu.memory_space<semaphore_mem>>)
                  %dma_wait3A_366 = arith.constant 99968 : i32
                  %dma_wait3A_367 = tpu.memref_slice %arg5[%multiple_of3A, %dma_wait3A_366] : memref<64x100000xf32, #tpu.memory_space<hbm>> -> memref<8x32xf32, #tpu.memory_space<hbm>>
                  %dma_wait3A_368 = arith.constant 99968 : i32
                  %dma_wait3A_369 = tpu.memref_slice %arg5[%multiple_of3A, %dma_wait3A_368] : memref<64x100000xf32, #tpu.memory_space<hbm>> -> memref<8x32xf32, #tpu.memory_space<hbm>>
                  tpu.wait_dma2 semaphore(%arg13 : memref<!tpu.dma_semaphore, #tpu.memory_space<semaphore_mem>>) src(%dma_wait3A_369 : memref<8x32xf32, #tpu.memory_space<hbm>>) dst(%arg8 : memref<8x32xf32, #tpu.memory_space<vmem>>)
                  %broadcast_in_dim3A_370 = arith.constant 0 : i32
                  %broadcast_in_dim3A_371 = vector.broadcast %broadcast_in_dim3A_370 : i32 to vector<16xi32>
                  %add3A_372 = vector.broadcast %scan3A_128 : i32 to vector<16xi32>
                  %add3A_373 = arith.addi %broadcast_in_dim3A_371, %add3A_372 : vector<16xi32>
                  %broadcast_in_dim3A_374 = arith.constant 0 : i32
                  %broadcast_in_dim3A_375 = vector.broadcast %broadcast_in_dim3A_374 : i32 to vector<16xi32>
                  %sub3A_376 = arith.constant 99968 : i32
                  %sub3A_377 = arith.subi %squeeze3A_246, %sub3A_376 : i32
                  %add3A_378 = vector.broadcast %sub3A_377 : i32 to vector<16xi32>
                  %add3A_379 = arith.addi %broadcast_in_dim3A_375, %add3A_378 : vector<16xi32>
                  %eq3A_380 = arith.constant 0 : i32
                  %eq3A_381 = vector.broadcast %eq3A_380 : i32 to vector<16xi32>
                  %eq3A_382 = arith.cmpi eq, %iota3A, %eq3A_381 : vector<16xi32>
                  tpu.vector_store_idx %arg8[%add3A_373, %add3A_379], %broadcast_in_dim3A_33 masked %eq3A_382 : memref<8x32xf32, #tpu.memory_space<vmem>>[vector<16xi32>, vector<16xi32>], vector<16xf32>, vector<16xi1>
                  %dma_start3A_383 = arith.constant 99968 : i32
                  %dma_start3A_384 = tpu.memref_slice %arg5[%multiple_of3A, %dma_start3A_383] : memref<64x100000xf32, #tpu.memory_space<hbm>> -> memref<8x32xf32, #tpu.memory_space<hbm>>
                  %dma_start3A_385 = arith.constant 99968 : i32
                  %dma_start3A_386 = tpu.memref_slice %arg5[%multiple_of3A, %dma_start3A_385] : memref<64x100000xf32, #tpu.memory_space<hbm>> -> memref<8x32xf32, #tpu.memory_space<hbm>>
                  tpu.enqueue_dma source(%arg8 : memref<8x32xf32, #tpu.memory_space<vmem>>) target(%dma_start3A_386 : memref<8x32xf32, #tpu.memory_space<hbm>>) target_semaphore(%arg13 : memref<!tpu.dma_semaphore, #tpu.memory_space<semaphore_mem>>)
                  %dma_wait3A_387 = arith.constant 99968 : i32
                  %dma_wait3A_388 = tpu.memref_slice %arg5[%multiple_of3A, %dma_wait3A_387] : memref<64x100000xf32, #tpu.memory_space<hbm>> -> memref<8x32xf32, #tpu.memory_space<hbm>>
                  %dma_wait3A_389 = arith.constant 99968 : i32
                  %dma_wait3A_390 = tpu.memref_slice %arg5[%multiple_of3A, %dma_wait3A_389] : memref<64x100000xf32, #tpu.memory_space<hbm>> -> memref<8x32xf32, #tpu.memory_space<hbm>>
                  tpu.wait_dma2 semaphore(%arg13 : memref<!tpu.dma_semaphore, #tpu.memory_space<semaphore_mem>>) src(%arg8 : memref<8x32xf32, #tpu.memory_space<vmem>>) dst(%dma_wait3A_390 : memref<8x32xf32, #tpu.memory_space<hbm>>)
                } else {
                }
              } else {
              }
              %slice3A_254 = vector.extract_strided_slice %gather3A_173 {offsets = [5], sizes = [1], strides = [1]} : vector<16xi32> to vector<1xi32>
              %squeeze3A_255 = vector.extract %slice3A_254[0] : i32 from vector<1xi32>
              %slice3A_256 = vector.extract_strided_slice %convert_element_type3A_195 {offsets = [5], sizes = [1], strides = [1]} : vector<16xi32> to vector<1xi32>
              %squeeze3A_257 = vector.extract %slice3A_256[0] : i32 from vector<1xi32>
              %ne3A_258 = arith.constant 0 : i32
              %ne3A_259 = arith.cmpi ne, %squeeze3A_257, %ne3A_258 : i32
              %convert_element_type3A_260 = arith.extui %ne3A_259 : i1 to i32
              %cond3A_261 = arith.constant 0 : i32
              %cond3A_262 = arith.cmpi ne, %convert_element_type3A_260, %cond3A_261 : i32
              scf.if %cond3A_262 {
                %ge3A_353 = arith.constant 99968 : i32
                %ge3A_354 = arith.cmpi sge, %squeeze3A_255, %ge3A_353 : i32
                %not3A = arith.constant true
                %not3A_355 = arith.xori %ge3A_354, %not3A : i1
                %convert_element_type3A_356 = arith.extui %not3A_355 : i1 to i32
                %cond3A_357 = arith.constant 0 : i32
                %cond3A_358 = arith.cmpi ne, %convert_element_type3A_356, %cond3A_357 : i32
                scf.if %cond3A_358 {
                  %shift_right_arithmetic3A_362 = arith.constant 7 : i32
                  %shift_right_arithmetic3A_363 = arith.shrsi %squeeze3A_255, %shift_right_arithmetic3A_362 : i32
                  %shift_left3A = arith.constant 7 : i32
                  %shift_left3A_364 = arith.shli %shift_right_arithmetic3A_363, %shift_left3A : i32
                  %multiple_of3A_365 = tpu.assume_multiple %shift_left3A_364, 128 : i32
                  %dma_start3A_366 = arith.constant 0 : i32
                  %dma_start3A_367 = arith.constant 0 : i32
                  %dma_start3A_368 = tpu.memref_slice %arg7[%dma_start3A_366, %dma_start3A_367] : memref<8x14080xf32, #tpu.memory_space<vmem>> -> memref<8x128xf32, #tpu.memory_space<vmem>>
                  %dma_start3A_369 = tpu.memref_slice %arg5[%multiple_of3A, %multiple_of3A_365] : memref<64x100000xf32, #tpu.memory_space<hbm>> -> memref<8x128xf32, #tpu.memory_space<hbm>>
                  %dma_start3A_370 = arith.constant 0 : i32
                  %dma_start3A_371 = arith.constant 0 : i32
                  %dma_start3A_372 = tpu.memref_slice %arg7[%dma_start3A_370, %dma_start3A_371] : memref<8x14080xf32, #tpu.memory_space<vmem>> -> memref<8x128xf32, #tpu.memory_space<vmem>>
                  %dma_start3A_373 = tpu.memref_slice %arg5[%multiple_of3A, %multiple_of3A_365] : memref<64x100000xf32, #tpu.memory_space<hbm>> -> memref<8x128xf32, #tpu.memory_space<hbm>>
                  tpu.enqueue_dma source(%dma_start3A_373 : memref<8x128xf32, #tpu.memory_space<hbm>>) target(%dma_start3A_372 : memref<8x128xf32, #tpu.memory_space<vmem>>) target_semaphore(%arg13 : memref<!tpu.dma_semaphore, #tpu.memory_space<semaphore_mem>>)
                  %dma_wait3A_374 = arith.constant 0 : i32
                  %dma_wait3A_375 = arith.constant 0 : i32
                  %dma_wait3A_376 = tpu.memref_slice %arg7[%dma_wait3A_374, %dma_wait3A_375] : memref<8x14080xf32, #tpu.memory_space<vmem>> -> memref<8x128xf32, #tpu.memory_space<vmem>>
                  %dma_wait3A_377 = tpu.memref_slice %arg5[%multiple_of3A, %multiple_of3A_365] : memref<64x100000xf32, #tpu.memory_space<hbm>> -> memref<8x128xf32, #tpu.memory_space<hbm>>
                  %dma_wait3A_378 = arith.constant 0 : i32
                  %dma_wait3A_379 = arith.constant 0 : i32
                  %dma_wait3A_380 = tpu.memref_slice %arg7[%dma_wait3A_378, %dma_wait3A_379] : memref<8x14080xf32, #tpu.memory_space<vmem>> -> memref<8x128xf32, #tpu.memory_space<vmem>>
                  %dma_wait3A_381 = tpu.memref_slice %arg5[%multiple_of3A, %multiple_of3A_365] : memref<64x100000xf32, #tpu.memory_space<hbm>> -> memref<8x128xf32, #tpu.memory_space<hbm>>
                  tpu.wait_dma2 semaphore(%arg13 : memref<!tpu.dma_semaphore, #tpu.memory_space<semaphore_mem>>) src(%dma_wait3A_381 : memref<8x128xf32, #tpu.memory_space<hbm>>) dst(%dma_wait3A_380 : memref<8x128xf32, #tpu.memory_space<vmem>>)
                  %broadcast_in_dim3A_382 = arith.constant 0 : i32
                  %broadcast_in_dim3A_383 = vector.broadcast %broadcast_in_dim3A_382 : i32 to vector<16xi32>
                  %add3A_384 = vector.broadcast %scan3A_128 : i32 to vector<16xi32>
                  %add3A_385 = arith.addi %broadcast_in_dim3A_383, %add3A_384 : vector<16xi32>
                  %broadcast_in_dim3A_386 = arith.constant 0 : i32
                  %broadcast_in_dim3A_387 = vector.broadcast %broadcast_in_dim3A_386 : i32 to vector<16xi32>
                  %sub3A_388 = arith.subi %squeeze3A_255, %multiple_of3A_365 : i32
                  %add3A_389 = vector.broadcast %sub3A_388 : i32 to vector<16xi32>
                  %add3A_390 = arith.addi %broadcast_in_dim3A_387, %add3A_389 : vector<16xi32>
                  %eq3A_391 = arith.constant 0 : i32
                  %eq3A_392 = vector.broadcast %eq3A_391 : i32 to vector<16xi32>
                  %eq3A_393 = arith.cmpi eq, %iota3A, %eq3A_392 : vector<16xi32>
                  %scatter3A = arith.constant 0 : i32
                  %scatter3A_394 = arith.constant 0 : i32
                  %scatter3A_395 = tpu.memref_slice %arg7[%scatter3A, %scatter3A_394] : memref<8x14080xf32, #tpu.memory_space<vmem>> -> memref<8x128xf32, #tpu.memory_space<vmem>>
                  tpu.vector_store_idx %scatter3A_395[%add3A_385, %add3A_390], %broadcast_in_dim3A_33 masked %eq3A_393 : memref<8x128xf32, #tpu.memory_space<vmem>>[vector<16xi32>, vector<16xi32>], vector<16xf32>, vector<16xi1>
                  %dma_start3A_396 = arith.constant 0 : i32
                  %dma_start3A_397 = arith.constant 0 : i32
                  %dma_start3A_398 = tpu.memref_slice %arg7[%dma_start3A_396, %dma_start3A_397] : memref<8x14080xf32, #tpu.memory_space<vmem>> -> memref<8x128xf32, #tpu.memory_space<vmem>>
                  %dma_start3A_399 = tpu.memref_slice %arg5[%multiple_of3A, %multiple_of3A_365] : memref<64x100000xf32, #tpu.memory_space<hbm>> -> memref<8x128xf32, #tpu.memory_space<hbm>>
                  %dma_start3A_400 = tpu.memref_slice %arg5[%multiple_of3A, %multiple_of3A_365] : memref<64x100000xf32, #tpu.memory_space<hbm>> -> memref<8x128xf32, #tpu.memory_space<hbm>>
                  %dma_start3A_401 = arith.constant 0 : i32
                  %dma_start3A_402 = arith.constant 0 : i32
                  %dma_start3A_403 = tpu.memref_slice %arg7[%dma_start3A_401, %dma_start3A_402] : memref<8x14080xf32, #tpu.memory_space<vmem>> -> memref<8x128xf32, #tpu.memory_space<vmem>>
                  tpu.enqueue_dma source(%dma_start3A_403 : memref<8x128xf32, #tpu.memory_space<vmem>>) target(%dma_start3A_400 : memref<8x128xf32, #tpu.memory_space<hbm>>) target_semaphore(%arg13 : memref<!tpu.dma_semaphore, #tpu.memory_space<semaphore_mem>>)
                  %dma_wait3A_404 = arith.constant 0 : i32
                  %dma_wait3A_405 = arith.constant 0 : i32
                  %dma_wait3A_406 = tpu.memref_slice %arg7[%dma_wait3A_404, %dma_wait3A_405] : memref<8x14080xf32, #tpu.memory_space<vmem>> -> memref<8x128xf32, #tpu.memory_space<vmem>>
                  %dma_wait3A_407 = tpu.memref_slice %arg5[%multiple_of3A, %multiple_of3A_365] : memref<64x100000xf32, #tpu.memory_space<hbm>> -> memref<8x128xf32, #tpu.memory_space<hbm>>
                  %dma_wait3A_408 = tpu.memref_slice %arg5[%multiple_of3A, %multiple_of3A_365] : memref<64x100000xf32, #tpu.memory_space<hbm>> -> memref<8x128xf32, #tpu.memory_space<hbm>>
                  %dma_wait3A_409 = arith.constant 0 : i32
                  %dma_wait3A_410 = arith.constant 0 : i32
                  %dma_wait3A_411 = tpu.memref_slice %arg7[%dma_wait3A_409, %dma_wait3A_410] : memref<8x14080xf32, #tpu.memory_space<vmem>> -> memref<8x128xf32, #tpu.memory_space<vmem>>
                  tpu.wait_dma2 semaphore(%arg13 : memref<!tpu.dma_semaphore, #tpu.memory_space<semaphore_mem>>) src(%dma_wait3A_411 : memref<8x128xf32, #tpu.memory_space<vmem>>) dst(%dma_wait3A_408 : memref<8x128xf32, #tpu.memory_space<hbm>>)
                } else {
                }
                %convert_element_type3A_359 = arith.extui %ge3A_354 : i1 to i32
                %cond3A_360 = arith.constant 0 : i32
                %cond3A_361 = arith.cmpi ne, %convert_element_type3A_359, %cond3A_360 : i32
                scf.if %cond3A_361 {
                  %dma_start3A_362 = arith.constant 99968 : i32
                  %dma_start3A_363 = tpu.memref_slice %arg5[%multiple_of3A, %dma_start3A_362] : memref<64x100000xf32, #tpu.memory_space<hbm>> -> memref<8x32xf32, #tpu.memory_space<hbm>>
                  %dma_start3A_364 = arith.constant 99968 : i32
                  %dma_start3A_365 = tpu.memref_slice %arg5[%multiple_of3A, %dma_start3A_364] : memref<64x100000xf32, #tpu.memory_space<hbm>> -> memref<8x32xf32, #tpu.memory_space<hbm>>
                  tpu.enqueue_dma source(%dma_start3A_365 : memref<8x32xf32, #tpu.memory_space<hbm>>) target(%arg8 : memref<8x32xf32, #tpu.memory_space<vmem>>) target_semaphore(%arg13 : memref<!tpu.dma_semaphore, #tpu.memory_space<semaphore_mem>>)
                  %dma_wait3A_366 = arith.constant 99968 : i32
                  %dma_wait3A_367 = tpu.memref_slice %arg5[%multiple_of3A, %dma_wait3A_366] : memref<64x100000xf32, #tpu.memory_space<hbm>> -> memref<8x32xf32, #tpu.memory_space<hbm>>
                  %dma_wait3A_368 = arith.constant 99968 : i32
                  %dma_wait3A_369 = tpu.memref_slice %arg5[%multiple_of3A, %dma_wait3A_368] : memref<64x100000xf32, #tpu.memory_space<hbm>> -> memref<8x32xf32, #tpu.memory_space<hbm>>
                  tpu.wait_dma2 semaphore(%arg13 : memref<!tpu.dma_semaphore, #tpu.memory_space<semaphore_mem>>) src(%dma_wait3A_369 : memref<8x32xf32, #tpu.memory_space<hbm>>) dst(%arg8 : memref<8x32xf32, #tpu.memory_space<vmem>>)
                  %broadcast_in_dim3A_370 = arith.constant 0 : i32
                  %broadcast_in_dim3A_371 = vector.broadcast %broadcast_in_dim3A_370 : i32 to vector<16xi32>
                  %add3A_372 = vector.broadcast %scan3A_128 : i32 to vector<16xi32>
                  %add3A_373 = arith.addi %broadcast_in_dim3A_371, %add3A_372 : vector<16xi32>
                  %broadcast_in_dim3A_374 = arith.constant 0 : i32
                  %broadcast_in_dim3A_375 = vector.broadcast %broadcast_in_dim3A_374 : i32 to vector<16xi32>
                  %sub3A_376 = arith.constant 99968 : i32
                  %sub3A_377 = arith.subi %squeeze3A_255, %sub3A_376 : i32
                  %add3A_378 = vector.broadcast %sub3A_377 : i32 to vector<16xi32>
                  %add3A_379 = arith.addi %broadcast_in_dim3A_375, %add3A_378 : vector<16xi32>
                  %eq3A_380 = arith.constant 0 : i32
                  %eq3A_381 = vector.broadcast %eq3A_380 : i32 to vector<16xi32>
                  %eq3A_382 = arith.cmpi eq, %iota3A, %eq3A_381 : vector<16xi32>
                  tpu.vector_store_idx %arg8[%add3A_373, %add3A_379], %broadcast_in_dim3A_33 masked %eq3A_382 : memref<8x32xf32, #tpu.memory_space<vmem>>[vector<16xi32>, vector<16xi32>], vector<16xf32>, vector<16xi1>
                  %dma_start3A_383 = arith.constant 99968 : i32
                  %dma_start3A_384 = tpu.memref_slice %arg5[%multiple_of3A, %dma_start3A_383] : memref<64x100000xf32, #tpu.memory_space<hbm>> -> memref<8x32xf32, #tpu.memory_space<hbm>>
                  %dma_start3A_385 = arith.constant 99968 : i32
                  %dma_start3A_386 = tpu.memref_slice %arg5[%multiple_of3A, %dma_start3A_385] : memref<64x100000xf32, #tpu.memory_space<hbm>> -> memref<8x32xf32, #tpu.memory_space<hbm>>
                  tpu.enqueue_dma source(%arg8 : memref<8x32xf32, #tpu.memory_space<vmem>>) target(%dma_start3A_386 : memref<8x32xf32, #tpu.memory_space<hbm>>) target_semaphore(%arg13 : memref<!tpu.dma_semaphore, #tpu.memory_space<semaphore_mem>>)
                  %dma_wait3A_387 = arith.constant 99968 : i32
                  %dma_wait3A_388 = tpu.memref_slice %arg5[%multiple_of3A, %dma_wait3A_387] : memref<64x100000xf32, #tpu.memory_space<hbm>> -> memref<8x32xf32, #tpu.memory_space<hbm>>
                  %dma_wait3A_389 = arith.constant 99968 : i32
                  %dma_wait3A_390 = tpu.memref_slice %arg5[%multiple_of3A, %dma_wait3A_389] : memref<64x100000xf32, #tpu.memory_space<hbm>> -> memref<8x32xf32, #tpu.memory_space<hbm>>
                  tpu.wait_dma2 semaphore(%arg13 : memref<!tpu.dma_semaphore, #tpu.memory_space<semaphore_mem>>) src(%arg8 : memref<8x32xf32, #tpu.memory_space<vmem>>) dst(%dma_wait3A_390 : memref<8x32xf32, #tpu.memory_space<hbm>>)
                } else {
                }
              } else {
              }
              %slice3A_263 = vector.extract_strided_slice %gather3A_173 {offsets = [6], sizes = [1], strides = [1]} : vector<16xi32> to vector<1xi32>
              %squeeze3A_264 = vector.extract %slice3A_263[0] : i32 from vector<1xi32>
              %slice3A_265 = vector.extract_strided_slice %convert_element_type3A_195 {offsets = [6], sizes = [1], strides = [1]} : vector<16xi32> to vector<1xi32>
              %squeeze3A_266 = vector.extract %slice3A_265[0] : i32 from vector<1xi32>
              %ne3A_267 = arith.constant 0 : i32
              %ne3A_268 = arith.cmpi ne, %squeeze3A_266, %ne3A_267 : i32
              %convert_element_type3A_269 = arith.extui %ne3A_268 : i1 to i32
              %cond3A_270 = arith.constant 0 : i32
              %cond3A_271 = arith.cmpi ne, %convert_element_type3A_269, %cond3A_270 : i32
              scf.if %cond3A_271 {
                %ge3A_353 = arith.constant 99968 : i32
                %ge3A_354 = arith.cmpi sge, %squeeze3A_264, %ge3A_353 : i32
                %not3A = arith.constant true
                %not3A_355 = arith.xori %ge3A_354, %not3A : i1
                %convert_element_type3A_356 = arith.extui %not3A_355 : i1 to i32
                %cond3A_357 = arith.constant 0 : i32
                %cond3A_358 = arith.cmpi ne, %convert_element_type3A_356, %cond3A_357 : i32
                scf.if %cond3A_358 {
                  %shift_right_arithmetic3A_362 = arith.constant 7 : i32
                  %shift_right_arithmetic3A_363 = arith.shrsi %squeeze3A_264, %shift_right_arithmetic3A_362 : i32
                  %shift_left3A = arith.constant 7 : i32
                  %shift_left3A_364 = arith.shli %shift_right_arithmetic3A_363, %shift_left3A : i32
                  %multiple_of3A_365 = tpu.assume_multiple %shift_left3A_364, 128 : i32
                  %dma_start3A_366 = arith.constant 0 : i32
                  %dma_start3A_367 = arith.constant 0 : i32
                  %dma_start3A_368 = tpu.memref_slice %arg7[%dma_start3A_366, %dma_start3A_367] : memref<8x14080xf32, #tpu.memory_space<vmem>> -> memref<8x128xf32, #tpu.memory_space<vmem>>
                  %dma_start3A_369 = tpu.memref_slice %arg5[%multiple_of3A, %multiple_of3A_365] : memref<64x100000xf32, #tpu.memory_space<hbm>> -> memref<8x128xf32, #tpu.memory_space<hbm>>
                  %dma_start3A_370 = arith.constant 0 : i32
                  %dma_start3A_371 = arith.constant 0 : i32
                  %dma_start3A_372 = tpu.memref_slice %arg7[%dma_start3A_370, %dma_start3A_371] : memref<8x14080xf32, #tpu.memory_space<vmem>> -> memref<8x128xf32, #tpu.memory_space<vmem>>
                  %dma_start3A_373 = tpu.memref_slice %arg5[%multiple_of3A, %multiple_of3A_365] : memref<64x100000xf32, #tpu.memory_space<hbm>> -> memref<8x128xf32, #tpu.memory_space<hbm>>
                  tpu.enqueue_dma source(%dma_start3A_373 : memref<8x128xf32, #tpu.memory_space<hbm>>) target(%dma_start3A_372 : memref<8x128xf32, #tpu.memory_space<vmem>>) target_semaphore(%arg13 : memref<!tpu.dma_semaphore, #tpu.memory_space<semaphore_mem>>)
                  %dma_wait3A_374 = arith.constant 0 : i32
                  %dma_wait3A_375 = arith.constant 0 : i32
                  %dma_wait3A_376 = tpu.memref_slice %arg7[%dma_wait3A_374, %dma_wait3A_375] : memref<8x14080xf32, #tpu.memory_space<vmem>> -> memref<8x128xf32, #tpu.memory_space<vmem>>
                  %dma_wait3A_377 = tpu.memref_slice %arg5[%multiple_of3A, %multiple_of3A_365] : memref<64x100000xf32, #tpu.memory_space<hbm>> -> memref<8x128xf32, #tpu.memory_space<hbm>>
                  %dma_wait3A_378 = arith.constant 0 : i32
                  %dma_wait3A_379 = arith.constant 0 : i32
                  %dma_wait3A_380 = tpu.memref_slice %arg7[%dma_wait3A_378, %dma_wait3A_379] : memref<8x14080xf32, #tpu.memory_space<vmem>> -> memref<8x128xf32, #tpu.memory_space<vmem>>
                  %dma_wait3A_381 = tpu.memref_slice %arg5[%multiple_of3A, %multiple_of3A_365] : memref<64x100000xf32, #tpu.memory_space<hbm>> -> memref<8x128xf32, #tpu.memory_space<hbm>>
                  tpu.wait_dma2 semaphore(%arg13 : memref<!tpu.dma_semaphore, #tpu.memory_space<semaphore_mem>>) src(%dma_wait3A_381 : memref<8x128xf32, #tpu.memory_space<hbm>>) dst(%dma_wait3A_380 : memref<8x128xf32, #tpu.memory_space<vmem>>)
                  %broadcast_in_dim3A_382 = arith.constant 0 : i32
                  %broadcast_in_dim3A_383 = vector.broadcast %broadcast_in_dim3A_382 : i32 to vector<16xi32>
                  %add3A_384 = vector.broadcast %scan3A_128 : i32 to vector<16xi32>
                  %add3A_385 = arith.addi %broadcast_in_dim3A_383, %add3A_384 : vector<16xi32>
                  %broadcast_in_dim3A_386 = arith.constant 0 : i32
                  %broadcast_in_dim3A_387 = vector.broadcast %broadcast_in_dim3A_386 : i32 to vector<16xi32>
                  %sub3A_388 = arith.subi %squeeze3A_264, %multiple_of3A_365 : i32
                  %add3A_389 = vector.broadcast %sub3A_388 : i32 to vector<16xi32>
                  %add3A_390 = arith.addi %broadcast_in_dim3A_387, %add3A_389 : vector<16xi32>
                  %eq3A_391 = arith.constant 0 : i32
                  %eq3A_392 = vector.broadcast %eq3A_391 : i32 to vector<16xi32>
                  %eq3A_393 = arith.cmpi eq, %iota3A, %eq3A_392 : vector<16xi32>
                  %scatter3A = arith.constant 0 : i32
                  %scatter3A_394 = arith.constant 0 : i32
                  %scatter3A_395 = tpu.memref_slice %arg7[%scatter3A, %scatter3A_394] : memref<8x14080xf32, #tpu.memory_space<vmem>> -> memref<8x128xf32, #tpu.memory_space<vmem>>
                  tpu.vector_store_idx %scatter3A_395[%add3A_385, %add3A_390], %broadcast_in_dim3A_33 masked %eq3A_393 : memref<8x128xf32, #tpu.memory_space<vmem>>[vector<16xi32>, vector<16xi32>], vector<16xf32>, vector<16xi1>
                  %dma_start3A_396 = arith.constant 0 : i32
                  %dma_start3A_397 = arith.constant 0 : i32
                  %dma_start3A_398 = tpu.memref_slice %arg7[%dma_start3A_396, %dma_start3A_397] : memref<8x14080xf32, #tpu.memory_space<vmem>> -> memref<8x128xf32, #tpu.memory_space<vmem>>
                  %dma_start3A_399 = tpu.memref_slice %arg5[%multiple_of3A, %multiple_of3A_365] : memref<64x100000xf32, #tpu.memory_space<hbm>> -> memref<8x128xf32, #tpu.memory_space<hbm>>
                  %dma_start3A_400 = tpu.memref_slice %arg5[%multiple_of3A, %multiple_of3A_365] : memref<64x100000xf32, #tpu.memory_space<hbm>> -> memref<8x128xf32, #tpu.memory_space<hbm>>
                  %dma_start3A_401 = arith.constant 0 : i32
                  %dma_start3A_402 = arith.constant 0 : i32
                  %dma_start3A_403 = tpu.memref_slice %arg7[%dma_start3A_401, %dma_start3A_402] : memref<8x14080xf32, #tpu.memory_space<vmem>> -> memref<8x128xf32, #tpu.memory_space<vmem>>
                  tpu.enqueue_dma source(%dma_start3A_403 : memref<8x128xf32, #tpu.memory_space<vmem>>) target(%dma_start3A_400 : memref<8x128xf32, #tpu.memory_space<hbm>>) target_semaphore(%arg13 : memref<!tpu.dma_semaphore, #tpu.memory_space<semaphore_mem>>)
                  %dma_wait3A_404 = arith.constant 0 : i32
                  %dma_wait3A_405 = arith.constant 0 : i32
                  %dma_wait3A_406 = tpu.memref_slice %arg7[%dma_wait3A_404, %dma_wait3A_405] : memref<8x14080xf32, #tpu.memory_space<vmem>> -> memref<8x128xf32, #tpu.memory_space<vmem>>
                  %dma_wait3A_407 = tpu.memref_slice %arg5[%multiple_of3A, %multiple_of3A_365] : memref<64x100000xf32, #tpu.memory_space<hbm>> -> memref<8x128xf32, #tpu.memory_space<hbm>>
                  %dma_wait3A_408 = tpu.memref_slice %arg5[%multiple_of3A, %multiple_of3A_365] : memref<64x100000xf32, #tpu.memory_space<hbm>> -> memref<8x128xf32, #tpu.memory_space<hbm>>
                  %dma_wait3A_409 = arith.constant 0 : i32
                  %dma_wait3A_410 = arith.constant 0 : i32
                  %dma_wait3A_411 = tpu.memref_slice %arg7[%dma_wait3A_409, %dma_wait3A_410] : memref<8x14080xf32, #tpu.memory_space<vmem>> -> memref<8x128xf32, #tpu.memory_space<vmem>>
                  tpu.wait_dma2 semaphore(%arg13 : memref<!tpu.dma_semaphore, #tpu.memory_space<semaphore_mem>>) src(%dma_wait3A_411 : memref<8x128xf32, #tpu.memory_space<vmem>>) dst(%dma_wait3A_408 : memref<8x128xf32, #tpu.memory_space<hbm>>)
                } else {
                }
                %convert_element_type3A_359 = arith.extui %ge3A_354 : i1 to i32
                %cond3A_360 = arith.constant 0 : i32
                %cond3A_361 = arith.cmpi ne, %convert_element_type3A_359, %cond3A_360 : i32
                scf.if %cond3A_361 {
                  %dma_start3A_362 = arith.constant 99968 : i32
                  %dma_start3A_363 = tpu.memref_slice %arg5[%multiple_of3A, %dma_start3A_362] : memref<64x100000xf32, #tpu.memory_space<hbm>> -> memref<8x32xf32, #tpu.memory_space<hbm>>
                  %dma_start3A_364 = arith.constant 99968 : i32
                  %dma_start3A_365 = tpu.memref_slice %arg5[%multiple_of3A, %dma_start3A_364] : memref<64x100000xf32, #tpu.memory_space<hbm>> -> memref<8x32xf32, #tpu.memory_space<hbm>>
                  tpu.enqueue_dma source(%dma_start3A_365 : memref<8x32xf32, #tpu.memory_space<hbm>>) target(%arg8 : memref<8x32xf32, #tpu.memory_space<vmem>>) target_semaphore(%arg13 : memref<!tpu.dma_semaphore, #tpu.memory_space<semaphore_mem>>)
                  %dma_wait3A_366 = arith.constant 99968 : i32
                  %dma_wait3A_367 = tpu.memref_slice %arg5[%multiple_of3A, %dma_wait3A_366] : memref<64x100000xf32, #tpu.memory_space<hbm>> -> memref<8x32xf32, #tpu.memory_space<hbm>>
                  %dma_wait3A_368 = arith.constant 99968 : i32
                  %dma_wait3A_369 = tpu.memref_slice %arg5[%multiple_of3A, %dma_wait3A_368] : memref<64x100000xf32, #tpu.memory_space<hbm>> -> memref<8x32xf32, #tpu.memory_space<hbm>>
                  tpu.wait_dma2 semaphore(%arg13 : memref<!tpu.dma_semaphore, #tpu.memory_space<semaphore_mem>>) src(%dma_wait3A_369 : memref<8x32xf32, #tpu.memory_space<hbm>>) dst(%arg8 : memref<8x32xf32, #tpu.memory_space<vmem>>)
                  %broadcast_in_dim3A_370 = arith.constant 0 : i32
                  %broadcast_in_dim3A_371 = vector.broadcast %broadcast_in_dim3A_370 : i32 to vector<16xi32>
                  %add3A_372 = vector.broadcast %scan3A_128 : i32 to vector<16xi32>
                  %add3A_373 = arith.addi %broadcast_in_dim3A_371, %add3A_372 : vector<16xi32>
                  %broadcast_in_dim3A_374 = arith.constant 0 : i32
                  %broadcast_in_dim3A_375 = vector.broadcast %broadcast_in_dim3A_374 : i32 to vector<16xi32>
                  %sub3A_376 = arith.constant 99968 : i32
                  %sub3A_377 = arith.subi %squeeze3A_264, %sub3A_376 : i32
                  %add3A_378 = vector.broadcast %sub3A_377 : i32 to vector<16xi32>
                  %add3A_379 = arith.addi %broadcast_in_dim3A_375, %add3A_378 : vector<16xi32>
                  %eq3A_380 = arith.constant 0 : i32
                  %eq3A_381 = vector.broadcast %eq3A_380 : i32 to vector<16xi32>
                  %eq3A_382 = arith.cmpi eq, %iota3A, %eq3A_381 : vector<16xi32>
                  tpu.vector_store_idx %arg8[%add3A_373, %add3A_379], %broadcast_in_dim3A_33 masked %eq3A_382 : memref<8x32xf32, #tpu.memory_space<vmem>>[vector<16xi32>, vector<16xi32>], vector<16xf32>, vector<16xi1>
                  %dma_start3A_383 = arith.constant 99968 : i32
                  %dma_start3A_384 = tpu.memref_slice %arg5[%multiple_of3A, %dma_start3A_383] : memref<64x100000xf32, #tpu.memory_space<hbm>> -> memref<8x32xf32, #tpu.memory_space<hbm>>
                  %dma_start3A_385 = arith.constant 99968 : i32
                  %dma_start3A_386 = tpu.memref_slice %arg5[%multiple_of3A, %dma_start3A_385] : memref<64x100000xf32, #tpu.memory_space<hbm>> -> memref<8x32xf32, #tpu.memory_space<hbm>>
                  tpu.enqueue_dma source(%arg8 : memref<8x32xf32, #tpu.memory_space<vmem>>) target(%dma_start3A_386 : memref<8x32xf32, #tpu.memory_space<hbm>>) target_semaphore(%arg13 : memref<!tpu.dma_semaphore, #tpu.memory_space<semaphore_mem>>)
                  %dma_wait3A_387 = arith.constant 99968 : i32
                  %dma_wait3A_388 = tpu.memref_slice %arg5[%multiple_of3A, %dma_wait3A_387] : memref<64x100000xf32, #tpu.memory_space<hbm>> -> memref<8x32xf32, #tpu.memory_space<hbm>>
                  %dma_wait3A_389 = arith.constant 99968 : i32
                  %dma_wait3A_390 = tpu.memref_slice %arg5[%multiple_of3A, %dma_wait3A_389] : memref<64x100000xf32, #tpu.memory_space<hbm>> -> memref<8x32xf32, #tpu.memory_space<hbm>>
                  tpu.wait_dma2 semaphore(%arg13 : memref<!tpu.dma_semaphore, #tpu.memory_space<semaphore_mem>>) src(%arg8 : memref<8x32xf32, #tpu.memory_space<vmem>>) dst(%dma_wait3A_390 : memref<8x32xf32, #tpu.memory_space<hbm>>)
                } else {
                }
              } else {
              }
              %slice3A_272 = vector.extract_strided_slice %gather3A_173 {offsets = [7], sizes = [1], strides = [1]} : vector<16xi32> to vector<1xi32>
              %squeeze3A_273 = vector.extract %slice3A_272[0] : i32 from vector<1xi32>
              %slice3A_274 = vector.extract_strided_slice %convert_element_type3A_195 {offsets = [7], sizes = [1], strides = [1]} : vector<16xi32> to vector<1xi32>
              %squeeze3A_275 = vector.extract %slice3A_274[0] : i32 from vector<1xi32>
              %ne3A_276 = arith.constant 0 : i32
              %ne3A_277 = arith.cmpi ne, %squeeze3A_275, %ne3A_276 : i32
              %convert_element_type3A_278 = arith.extui %ne3A_277 : i1 to i32
              %cond3A_279 = arith.constant 0 : i32
              %cond3A_280 = arith.cmpi ne, %convert_element_type3A_278, %cond3A_279 : i32
              scf.if %cond3A_280 {
                %ge3A_353 = arith.constant 99968 : i32
                %ge3A_354 = arith.cmpi sge, %squeeze3A_273, %ge3A_353 : i32
                %not3A = arith.constant true
                %not3A_355 = arith.xori %ge3A_354, %not3A : i1
                %convert_element_type3A_356 = arith.extui %not3A_355 : i1 to i32
                %cond3A_357 = arith.constant 0 : i32
                %cond3A_358 = arith.cmpi ne, %convert_element_type3A_356, %cond3A_357 : i32
                scf.if %cond3A_358 {
                  %shift_right_arithmetic3A_362 = arith.constant 7 : i32
                  %shift_right_arithmetic3A_363 = arith.shrsi %squeeze3A_273, %shift_right_arithmetic3A_362 : i32
                  %shift_left3A = arith.constant 7 : i32
                  %shift_left3A_364 = arith.shli %shift_right_arithmetic3A_363, %shift_left3A : i32
                  %multiple_of3A_365 = tpu.assume_multiple %shift_left3A_364, 128 : i32
                  %dma_start3A_366 = arith.constant 0 : i32
                  %dma_start3A_367 = arith.constant 0 : i32
                  %dma_start3A_368 = tpu.memref_slice %arg7[%dma_start3A_366, %dma_start3A_367] : memref<8x14080xf32, #tpu.memory_space<vmem>> -> memref<8x128xf32, #tpu.memory_space<vmem>>
                  %dma_start3A_369 = tpu.memref_slice %arg5[%multiple_of3A, %multiple_of3A_365] : memref<64x100000xf32, #tpu.memory_space<hbm>> -> memref<8x128xf32, #tpu.memory_space<hbm>>
                  %dma_start3A_370 = arith.constant 0 : i32
                  %dma_start3A_371 = arith.constant 0 : i32
                  %dma_start3A_372 = tpu.memref_slice %arg7[%dma_start3A_370, %dma_start3A_371] : memref<8x14080xf32, #tpu.memory_space<vmem>> -> memref<8x128xf32, #tpu.memory_space<vmem>>
                  %dma_start3A_373 = tpu.memref_slice %arg5[%multiple_of3A, %multiple_of3A_365] : memref<64x100000xf32, #tpu.memory_space<hbm>> -> memref<8x128xf32, #tpu.memory_space<hbm>>
                  tpu.enqueue_dma source(%dma_start3A_373 : memref<8x128xf32, #tpu.memory_space<hbm>>) target(%dma_start3A_372 : memref<8x128xf32, #tpu.memory_space<vmem>>) target_semaphore(%arg13 : memref<!tpu.dma_semaphore, #tpu.memory_space<semaphore_mem>>)
                  %dma_wait3A_374 = arith.constant 0 : i32
                  %dma_wait3A_375 = arith.constant 0 : i32
                  %dma_wait3A_376 = tpu.memref_slice %arg7[%dma_wait3A_374, %dma_wait3A_375] : memref<8x14080xf32, #tpu.memory_space<vmem>> -> memref<8x128xf32, #tpu.memory_space<vmem>>
                  %dma_wait3A_377 = tpu.memref_slice %arg5[%multiple_of3A, %multiple_of3A_365] : memref<64x100000xf32, #tpu.memory_space<hbm>> -> memref<8x128xf32, #tpu.memory_space<hbm>>
                  %dma_wait3A_378 = arith.constant 0 : i32
                  %dma_wait3A_379 = arith.constant 0 : i32
                  %dma_wait3A_380 = tpu.memref_slice %arg7[%dma_wait3A_378, %dma_wait3A_379] : memref<8x14080xf32, #tpu.memory_space<vmem>> -> memref<8x128xf32, #tpu.memory_space<vmem>>
                  %dma_wait3A_381 = tpu.memref_slice %arg5[%multiple_of3A, %multiple_of3A_365] : memref<64x100000xf32, #tpu.memory_space<hbm>> -> memref<8x128xf32, #tpu.memory_space<hbm>>
                  tpu.wait_dma2 semaphore(%arg13 : memref<!tpu.dma_semaphore, #tpu.memory_space<semaphore_mem>>) src(%dma_wait3A_381 : memref<8x128xf32, #tpu.memory_space<hbm>>) dst(%dma_wait3A_380 : memref<8x128xf32, #tpu.memory_space<vmem>>)
                  %broadcast_in_dim3A_382 = arith.constant 0 : i32
                  %broadcast_in_dim3A_383 = vector.broadcast %broadcast_in_dim3A_382 : i32 to vector<16xi32>
                  %add3A_384 = vector.broadcast %scan3A_128 : i32 to vector<16xi32>
                  %add3A_385 = arith.addi %broadcast_in_dim3A_383, %add3A_384 : vector<16xi32>
                  %broadcast_in_dim3A_386 = arith.constant 0 : i32
                  %broadcast_in_dim3A_387 = vector.broadcast %broadcast_in_dim3A_386 : i32 to vector<16xi32>
                  %sub3A_388 = arith.subi %squeeze3A_273, %multiple_of3A_365 : i32
                  %add3A_389 = vector.broadcast %sub3A_388 : i32 to vector<16xi32>
                  %add3A_390 = arith.addi %broadcast_in_dim3A_387, %add3A_389 : vector<16xi32>
                  %eq3A_391 = arith.constant 0 : i32
                  %eq3A_392 = vector.broadcast %eq3A_391 : i32 to vector<16xi32>
                  %eq3A_393 = arith.cmpi eq, %iota3A, %eq3A_392 : vector<16xi32>
                  %scatter3A = arith.constant 0 : i32
                  %scatter3A_394 = arith.constant 0 : i32
                  %scatter3A_395 = tpu.memref_slice %arg7[%scatter3A, %scatter3A_394] : memref<8x14080xf32, #tpu.memory_space<vmem>> -> memref<8x128xf32, #tpu.memory_space<vmem>>
                  tpu.vector_store_idx %scatter3A_395[%add3A_385, %add3A_390], %broadcast_in_dim3A_33 masked %eq3A_393 : memref<8x128xf32, #tpu.memory_space<vmem>>[vector<16xi32>, vector<16xi32>], vector<16xf32>, vector<16xi1>
                  %dma_start3A_396 = arith.constant 0 : i32
                  %dma_start3A_397 = arith.constant 0 : i32
                  %dma_start3A_398 = tpu.memref_slice %arg7[%dma_start3A_396, %dma_start3A_397] : memref<8x14080xf32, #tpu.memory_space<vmem>> -> memref<8x128xf32, #tpu.memory_space<vmem>>
                  %dma_start3A_399 = tpu.memref_slice %arg5[%multiple_of3A, %multiple_of3A_365] : memref<64x100000xf32, #tpu.memory_space<hbm>> -> memref<8x128xf32, #tpu.memory_space<hbm>>
                  %dma_start3A_400 = tpu.memref_slice %arg5[%multiple_of3A, %multiple_of3A_365] : memref<64x100000xf32, #tpu.memory_space<hbm>> -> memref<8x128xf32, #tpu.memory_space<hbm>>
                  %dma_start3A_401 = arith.constant 0 : i32
                  %dma_start3A_402 = arith.constant 0 : i32
                  %dma_start3A_403 = tpu.memref_slice %arg7[%dma_start3A_401, %dma_start3A_402] : memref<8x14080xf32, #tpu.memory_space<vmem>> -> memref<8x128xf32, #tpu.memory_space<vmem>>
                  tpu.enqueue_dma source(%dma_start3A_403 : memref<8x128xf32, #tpu.memory_space<vmem>>) target(%dma_start3A_400 : memref<8x128xf32, #tpu.memory_space<hbm>>) target_semaphore(%arg13 : memref<!tpu.dma_semaphore, #tpu.memory_space<semaphore_mem>>)
                  %dma_wait3A_404 = arith.constant 0 : i32
                  %dma_wait3A_405 = arith.constant 0 : i32
                  %dma_wait3A_406 = tpu.memref_slice %arg7[%dma_wait3A_404, %dma_wait3A_405] : memref<8x14080xf32, #tpu.memory_space<vmem>> -> memref<8x128xf32, #tpu.memory_space<vmem>>
                  %dma_wait3A_407 = tpu.memref_slice %arg5[%multiple_of3A, %multiple_of3A_365] : memref<64x100000xf32, #tpu.memory_space<hbm>> -> memref<8x128xf32, #tpu.memory_space<hbm>>
                  %dma_wait3A_408 = tpu.memref_slice %arg5[%multiple_of3A, %multiple_of3A_365] : memref<64x100000xf32, #tpu.memory_space<hbm>> -> memref<8x128xf32, #tpu.memory_space<hbm>>
                  %dma_wait3A_409 = arith.constant 0 : i32
                  %dma_wait3A_410 = arith.constant 0 : i32
                  %dma_wait3A_411 = tpu.memref_slice %arg7[%dma_wait3A_409, %dma_wait3A_410] : memref<8x14080xf32, #tpu.memory_space<vmem>> -> memref<8x128xf32, #tpu.memory_space<vmem>>
                  tpu.wait_dma2 semaphore(%arg13 : memref<!tpu.dma_semaphore, #tpu.memory_space<semaphore_mem>>) src(%dma_wait3A_411 : memref<8x128xf32, #tpu.memory_space<vmem>>) dst(%dma_wait3A_408 : memref<8x128xf32, #tpu.memory_space<hbm>>)
                } else {
                }
                %convert_element_type3A_359 = arith.extui %ge3A_354 : i1 to i32
                %cond3A_360 = arith.constant 0 : i32
                %cond3A_361 = arith.cmpi ne, %convert_element_type3A_359, %cond3A_360 : i32
                scf.if %cond3A_361 {
                  %dma_start3A_362 = arith.constant 99968 : i32
                  %dma_start3A_363 = tpu.memref_slice %arg5[%multiple_of3A, %dma_start3A_362] : memref<64x100000xf32, #tpu.memory_space<hbm>> -> memref<8x32xf32, #tpu.memory_space<hbm>>
                  %dma_start3A_364 = arith.constant 99968 : i32
                  %dma_start3A_365 = tpu.memref_slice %arg5[%multiple_of3A, %dma_start3A_364] : memref<64x100000xf32, #tpu.memory_space<hbm>> -> memref<8x32xf32, #tpu.memory_space<hbm>>
                  tpu.enqueue_dma source(%dma_start3A_365 : memref<8x32xf32, #tpu.memory_space<hbm>>) target(%arg8 : memref<8x32xf32, #tpu.memory_space<vmem>>) target_semaphore(%arg13 : memref<!tpu.dma_semaphore, #tpu.memory_space<semaphore_mem>>)
                  %dma_wait3A_366 = arith.constant 99968 : i32
                  %dma_wait3A_367 = tpu.memref_slice %arg5[%multiple_of3A, %dma_wait3A_366] : memref<64x100000xf32, #tpu.memory_space<hbm>> -> memref<8x32xf32, #tpu.memory_space<hbm>>
                  %dma_wait3A_368 = arith.constant 99968 : i32
                  %dma_wait3A_369 = tpu.memref_slice %arg5[%multiple_of3A, %dma_wait3A_368] : memref<64x100000xf32, #tpu.memory_space<hbm>> -> memref<8x32xf32, #tpu.memory_space<hbm>>
                  tpu.wait_dma2 semaphore(%arg13 : memref<!tpu.dma_semaphore, #tpu.memory_space<semaphore_mem>>) src(%dma_wait3A_369 : memref<8x32xf32, #tpu.memory_space<hbm>>) dst(%arg8 : memref<8x32xf32, #tpu.memory_space<vmem>>)
                  %broadcast_in_dim3A_370 = arith.constant 0 : i32
                  %broadcast_in_dim3A_371 = vector.broadcast %broadcast_in_dim3A_370 : i32 to vector<16xi32>
                  %add3A_372 = vector.broadcast %scan3A_128 : i32 to vector<16xi32>
                  %add3A_373 = arith.addi %broadcast_in_dim3A_371, %add3A_372 : vector<16xi32>
                  %broadcast_in_dim3A_374 = arith.constant 0 : i32
                  %broadcast_in_dim3A_375 = vector.broadcast %broadcast_in_dim3A_374 : i32 to vector<16xi32>
                  %sub3A_376 = arith.constant 99968 : i32
                  %sub3A_377 = arith.subi %squeeze3A_273, %sub3A_376 : i32
                  %add3A_378 = vector.broadcast %sub3A_377 : i32 to vector<16xi32>
                  %add3A_379 = arith.addi %broadcast_in_dim3A_375, %add3A_378 : vector<16xi32>
                  %eq3A_380 = arith.constant 0 : i32
                  %eq3A_381 = vector.broadcast %eq3A_380 : i32 to vector<16xi32>
                  %eq3A_382 = arith.cmpi eq, %iota3A, %eq3A_381 : vector<16xi32>
                  tpu.vector_store_idx %arg8[%add3A_373, %add3A_379], %broadcast_in_dim3A_33 masked %eq3A_382 : memref<8x32xf32, #tpu.memory_space<vmem>>[vector<16xi32>, vector<16xi32>], vector<16xf32>, vector<16xi1>
                  %dma_start3A_383 = arith.constant 99968 : i32
                  %dma_start3A_384 = tpu.memref_slice %arg5[%multiple_of3A, %dma_start3A_383] : memref<64x100000xf32, #tpu.memory_space<hbm>> -> memref<8x32xf32, #tpu.memory_space<hbm>>
                  %dma_start3A_385 = arith.constant 99968 : i32
                  %dma_start3A_386 = tpu.memref_slice %arg5[%multiple_of3A, %dma_start3A_385] : memref<64x100000xf32, #tpu.memory_space<hbm>> -> memref<8x32xf32, #tpu.memory_space<hbm>>
                  tpu.enqueue_dma source(%arg8 : memref<8x32xf32, #tpu.memory_space<vmem>>) target(%dma_start3A_386 : memref<8x32xf32, #tpu.memory_space<hbm>>) target_semaphore(%arg13 : memref<!tpu.dma_semaphore, #tpu.memory_space<semaphore_mem>>)
                  %dma_wait3A_387 = arith.constant 99968 : i32
                  %dma_wait3A_388 = tpu.memref_slice %arg5[%multiple_of3A, %dma_wait3A_387] : memref<64x100000xf32, #tpu.memory_space<hbm>> -> memref<8x32xf32, #tpu.memory_space<hbm>>
                  %dma_wait3A_389 = arith.constant 99968 : i32
                  %dma_wait3A_390 = tpu.memref_slice %arg5[%multiple_of3A, %dma_wait3A_389] : memref<64x100000xf32, #tpu.memory_space<hbm>> -> memref<8x32xf32, #tpu.memory_space<hbm>>
                  tpu.wait_dma2 semaphore(%arg13 : memref<!tpu.dma_semaphore, #tpu.memory_space<semaphore_mem>>) src(%arg8 : memref<8x32xf32, #tpu.memory_space<vmem>>) dst(%dma_wait3A_390 : memref<8x32xf32, #tpu.memory_space<hbm>>)
                } else {
                }
              } else {
              }
              %slice3A_281 = vector.extract_strided_slice %gather3A_173 {offsets = [8], sizes = [1], strides = [1]} : vector<16xi32> to vector<1xi32>
              %squeeze3A_282 = vector.extract %slice3A_281[0] : i32 from vector<1xi32>
              %slice3A_283 = vector.extract_strided_slice %convert_element_type3A_195 {offsets = [8], sizes = [1], strides = [1]} : vector<16xi32> to vector<1xi32>
              %squeeze3A_284 = vector.extract %slice3A_283[0] : i32 from vector<1xi32>
              %ne3A_285 = arith.constant 0 : i32
              %ne3A_286 = arith.cmpi ne, %squeeze3A_284, %ne3A_285 : i32
              %convert_element_type3A_287 = arith.extui %ne3A_286 : i1 to i32
              %cond3A_288 = arith.constant 0 : i32
              %cond3A_289 = arith.cmpi ne, %convert_element_type3A_287, %cond3A_288 : i32
              scf.if %cond3A_289 {
                %ge3A_353 = arith.constant 99968 : i32
                %ge3A_354 = arith.cmpi sge, %squeeze3A_282, %ge3A_353 : i32
                %not3A = arith.constant true
                %not3A_355 = arith.xori %ge3A_354, %not3A : i1
                %convert_element_type3A_356 = arith.extui %not3A_355 : i1 to i32
                %cond3A_357 = arith.constant 0 : i32
                %cond3A_358 = arith.cmpi ne, %convert_element_type3A_356, %cond3A_357 : i32
                scf.if %cond3A_358 {
                  %shift_right_arithmetic3A_362 = arith.constant 7 : i32
                  %shift_right_arithmetic3A_363 = arith.shrsi %squeeze3A_282, %shift_right_arithmetic3A_362 : i32
                  %shift_left3A = arith.constant 7 : i32
                  %shift_left3A_364 = arith.shli %shift_right_arithmetic3A_363, %shift_left3A : i32
                  %multiple_of3A_365 = tpu.assume_multiple %shift_left3A_364, 128 : i32
                  %dma_start3A_366 = arith.constant 0 : i32
                  %dma_start3A_367 = arith.constant 0 : i32
                  %dma_start3A_368 = tpu.memref_slice %arg7[%dma_start3A_366, %dma_start3A_367] : memref<8x14080xf32, #tpu.memory_space<vmem>> -> memref<8x128xf32, #tpu.memory_space<vmem>>
                  %dma_start3A_369 = tpu.memref_slice %arg5[%multiple_of3A, %multiple_of3A_365] : memref<64x100000xf32, #tpu.memory_space<hbm>> -> memref<8x128xf32, #tpu.memory_space<hbm>>
                  %dma_start3A_370 = arith.constant 0 : i32
                  %dma_start3A_371 = arith.constant 0 : i32
                  %dma_start3A_372 = tpu.memref_slice %arg7[%dma_start3A_370, %dma_start3A_371] : memref<8x14080xf32, #tpu.memory_space<vmem>> -> memref<8x128xf32, #tpu.memory_space<vmem>>
                  %dma_start3A_373 = tpu.memref_slice %arg5[%multiple_of3A, %multiple_of3A_365] : memref<64x100000xf32, #tpu.memory_space<hbm>> -> memref<8x128xf32, #tpu.memory_space<hbm>>
                  tpu.enqueue_dma source(%dma_start3A_373 : memref<8x128xf32, #tpu.memory_space<hbm>>) target(%dma_start3A_372 : memref<8x128xf32, #tpu.memory_space<vmem>>) target_semaphore(%arg13 : memref<!tpu.dma_semaphore, #tpu.memory_space<semaphore_mem>>)
                  %dma_wait3A_374 = arith.constant 0 : i32
                  %dma_wait3A_375 = arith.constant 0 : i32
                  %dma_wait3A_376 = tpu.memref_slice %arg7[%dma_wait3A_374, %dma_wait3A_375] : memref<8x14080xf32, #tpu.memory_space<vmem>> -> memref<8x128xf32, #tpu.memory_space<vmem>>
                  %dma_wait3A_377 = tpu.memref_slice %arg5[%multiple_of3A, %multiple_of3A_365] : memref<64x100000xf32, #tpu.memory_space<hbm>> -> memref<8x128xf32, #tpu.memory_space<hbm>>
                  %dma_wait3A_378 = arith.constant 0 : i32
                  %dma_wait3A_379 = arith.constant 0 : i32
                  %dma_wait3A_380 = tpu.memref_slice %arg7[%dma_wait3A_378, %dma_wait3A_379] : memref<8x14080xf32, #tpu.memory_space<vmem>> -> memref<8x128xf32, #tpu.memory_space<vmem>>
                  %dma_wait3A_381 = tpu.memref_slice %arg5[%multiple_of3A, %multiple_of3A_365] : memref<64x100000xf32, #tpu.memory_space<hbm>> -> memref<8x128xf32, #tpu.memory_space<hbm>>
                  tpu.wait_dma2 semaphore(%arg13 : memref<!tpu.dma_semaphore, #tpu.memory_space<semaphore_mem>>) src(%dma_wait3A_381 : memref<8x128xf32, #tpu.memory_space<hbm>>) dst(%dma_wait3A_380 : memref<8x128xf32, #tpu.memory_space<vmem>>)
                  %broadcast_in_dim3A_382 = arith.constant 0 : i32
                  %broadcast_in_dim3A_383 = vector.broadcast %broadcast_in_dim3A_382 : i32 to vector<16xi32>
                  %add3A_384 = vector.broadcast %scan3A_128 : i32 to vector<16xi32>
                  %add3A_385 = arith.addi %broadcast_in_dim3A_383, %add3A_384 : vector<16xi32>
                  %broadcast_in_dim3A_386 = arith.constant 0 : i32
                  %broadcast_in_dim3A_387 = vector.broadcast %broadcast_in_dim3A_386 : i32 to vector<16xi32>
                  %sub3A_388 = arith.subi %squeeze3A_282, %multiple_of3A_365 : i32
                  %add3A_389 = vector.broadcast %sub3A_388 : i32 to vector<16xi32>
                  %add3A_390 = arith.addi %broadcast_in_dim3A_387, %add3A_389 : vector<16xi32>
                  %eq3A_391 = arith.constant 0 : i32
                  %eq3A_392 = vector.broadcast %eq3A_391 : i32 to vector<16xi32>
                  %eq3A_393 = arith.cmpi eq, %iota3A, %eq3A_392 : vector<16xi32>
                  %scatter3A = arith.constant 0 : i32
                  %scatter3A_394 = arith.constant 0 : i32
                  %scatter3A_395 = tpu.memref_slice %arg7[%scatter3A, %scatter3A_394] : memref<8x14080xf32, #tpu.memory_space<vmem>> -> memref<8x128xf32, #tpu.memory_space<vmem>>
                  tpu.vector_store_idx %scatter3A_395[%add3A_385, %add3A_390], %broadcast_in_dim3A_33 masked %eq3A_393 : memref<8x128xf32, #tpu.memory_space<vmem>>[vector<16xi32>, vector<16xi32>], vector<16xf32>, vector<16xi1>
                  %dma_start3A_396 = arith.constant 0 : i32
                  %dma_start3A_397 = arith.constant 0 : i32
                  %dma_start3A_398 = tpu.memref_slice %arg7[%dma_start3A_396, %dma_start3A_397] : memref<8x14080xf32, #tpu.memory_space<vmem>> -> memref<8x128xf32, #tpu.memory_space<vmem>>
                  %dma_start3A_399 = tpu.memref_slice %arg5[%multiple_of3A, %multiple_of3A_365] : memref<64x100000xf32, #tpu.memory_space<hbm>> -> memref<8x128xf32, #tpu.memory_space<hbm>>
                  %dma_start3A_400 = tpu.memref_slice %arg5[%multiple_of3A, %multiple_of3A_365] : memref<64x100000xf32, #tpu.memory_space<hbm>> -> memref<8x128xf32, #tpu.memory_space<hbm>>
                  %dma_start3A_401 = arith.constant 0 : i32
                  %dma_start3A_402 = arith.constant 0 : i32
                  %dma_start3A_403 = tpu.memref_slice %arg7[%dma_start3A_401, %dma_start3A_402] : memref<8x14080xf32, #tpu.memory_space<vmem>> -> memref<8x128xf32, #tpu.memory_space<vmem>>
                  tpu.enqueue_dma source(%dma_start3A_403 : memref<8x128xf32, #tpu.memory_space<vmem>>) target(%dma_start3A_400 : memref<8x128xf32, #tpu.memory_space<hbm>>) target_semaphore(%arg13 : memref<!tpu.dma_semaphore, #tpu.memory_space<semaphore_mem>>)
                  %dma_wait3A_404 = arith.constant 0 : i32
                  %dma_wait3A_405 = arith.constant 0 : i32
                  %dma_wait3A_406 = tpu.memref_slice %arg7[%dma_wait3A_404, %dma_wait3A_405] : memref<8x14080xf32, #tpu.memory_space<vmem>> -> memref<8x128xf32, #tpu.memory_space<vmem>>
                  %dma_wait3A_407 = tpu.memref_slice %arg5[%multiple_of3A, %multiple_of3A_365] : memref<64x100000xf32, #tpu.memory_space<hbm>> -> memref<8x128xf32, #tpu.memory_space<hbm>>
                  %dma_wait3A_408 = tpu.memref_slice %arg5[%multiple_of3A, %multiple_of3A_365] : memref<64x100000xf32, #tpu.memory_space<hbm>> -> memref<8x128xf32, #tpu.memory_space<hbm>>
                  %dma_wait3A_409 = arith.constant 0 : i32
                  %dma_wait3A_410 = arith.constant 0 : i32
                  %dma_wait3A_411 = tpu.memref_slice %arg7[%dma_wait3A_409, %dma_wait3A_410] : memref<8x14080xf32, #tpu.memory_space<vmem>> -> memref<8x128xf32, #tpu.memory_space<vmem>>
                  tpu.wait_dma2 semaphore(%arg13 : memref<!tpu.dma_semaphore, #tpu.memory_space<semaphore_mem>>) src(%dma_wait3A_411 : memref<8x128xf32, #tpu.memory_space<vmem>>) dst(%dma_wait3A_408 : memref<8x128xf32, #tpu.memory_space<hbm>>)
                } else {
                }
                %convert_element_type3A_359 = arith.extui %ge3A_354 : i1 to i32
                %cond3A_360 = arith.constant 0 : i32
                %cond3A_361 = arith.cmpi ne, %convert_element_type3A_359, %cond3A_360 : i32
                scf.if %cond3A_361 {
                  %dma_start3A_362 = arith.constant 99968 : i32
                  %dma_start3A_363 = tpu.memref_slice %arg5[%multiple_of3A, %dma_start3A_362] : memref<64x100000xf32, #tpu.memory_space<hbm>> -> memref<8x32xf32, #tpu.memory_space<hbm>>
                  %dma_start3A_364 = arith.constant 99968 : i32
                  %dma_start3A_365 = tpu.memref_slice %arg5[%multiple_of3A, %dma_start3A_364] : memref<64x100000xf32, #tpu.memory_space<hbm>> -> memref<8x32xf32, #tpu.memory_space<hbm>>
                  tpu.enqueue_dma source(%dma_start3A_365 : memref<8x32xf32, #tpu.memory_space<hbm>>) target(%arg8 : memref<8x32xf32, #tpu.memory_space<vmem>>) target_semaphore(%arg13 : memref<!tpu.dma_semaphore, #tpu.memory_space<semaphore_mem>>)
                  %dma_wait3A_366 = arith.constant 99968 : i32
                  %dma_wait3A_367 = tpu.memref_slice %arg5[%multiple_of3A, %dma_wait3A_366] : memref<64x100000xf32, #tpu.memory_space<hbm>> -> memref<8x32xf32, #tpu.memory_space<hbm>>
                  %dma_wait3A_368 = arith.constant 99968 : i32
                  %dma_wait3A_369 = tpu.memref_slice %arg5[%multiple_of3A, %dma_wait3A_368] : memref<64x100000xf32, #tpu.memory_space<hbm>> -> memref<8x32xf32, #tpu.memory_space<hbm>>
                  tpu.wait_dma2 semaphore(%arg13 : memref<!tpu.dma_semaphore, #tpu.memory_space<semaphore_mem>>) src(%dma_wait3A_369 : memref<8x32xf32, #tpu.memory_space<hbm>>) dst(%arg8 : memref<8x32xf32, #tpu.memory_space<vmem>>)
                  %broadcast_in_dim3A_370 = arith.constant 0 : i32
                  %broadcast_in_dim3A_371 = vector.broadcast %broadcast_in_dim3A_370 : i32 to vector<16xi32>
                  %add3A_372 = vector.broadcast %scan3A_128 : i32 to vector<16xi32>
                  %add3A_373 = arith.addi %broadcast_in_dim3A_371, %add3A_372 : vector<16xi32>
                  %broadcast_in_dim3A_374 = arith.constant 0 : i32
                  %broadcast_in_dim3A_375 = vector.broadcast %broadcast_in_dim3A_374 : i32 to vector<16xi32>
                  %sub3A_376 = arith.constant 99968 : i32
                  %sub3A_377 = arith.subi %squeeze3A_282, %sub3A_376 : i32
                  %add3A_378 = vector.broadcast %sub3A_377 : i32 to vector<16xi32>
                  %add3A_379 = arith.addi %broadcast_in_dim3A_375, %add3A_378 : vector<16xi32>
                  %eq3A_380 = arith.constant 0 : i32
                  %eq3A_381 = vector.broadcast %eq3A_380 : i32 to vector<16xi32>
                  %eq3A_382 = arith.cmpi eq, %iota3A, %eq3A_381 : vector<16xi32>
                  tpu.vector_store_idx %arg8[%add3A_373, %add3A_379], %broadcast_in_dim3A_33 masked %eq3A_382 : memref<8x32xf32, #tpu.memory_space<vmem>>[vector<16xi32>, vector<16xi32>], vector<16xf32>, vector<16xi1>
                  %dma_start3A_383 = arith.constant 99968 : i32
                  %dma_start3A_384 = tpu.memref_slice %arg5[%multiple_of3A, %dma_start3A_383] : memref<64x100000xf32, #tpu.memory_space<hbm>> -> memref<8x32xf32, #tpu.memory_space<hbm>>
                  %dma_start3A_385 = arith.constant 99968 : i32
                  %dma_start3A_386 = tpu.memref_slice %arg5[%multiple_of3A, %dma_start3A_385] : memref<64x100000xf32, #tpu.memory_space<hbm>> -> memref<8x32xf32, #tpu.memory_space<hbm>>
                  tpu.enqueue_dma source(%arg8 : memref<8x32xf32, #tpu.memory_space<vmem>>) target(%dma_start3A_386 : memref<8x32xf32, #tpu.memory_space<hbm>>) target_semaphore(%arg13 : memref<!tpu.dma_semaphore, #tpu.memory_space<semaphore_mem>>)
                  %dma_wait3A_387 = arith.constant 99968 : i32
                  %dma_wait3A_388 = tpu.memref_slice %arg5[%multiple_of3A, %dma_wait3A_387] : memref<64x100000xf32, #tpu.memory_space<hbm>> -> memref<8x32xf32, #tpu.memory_space<hbm>>
                  %dma_wait3A_389 = arith.constant 99968 : i32
                  %dma_wait3A_390 = tpu.memref_slice %arg5[%multiple_of3A, %dma_wait3A_389] : memref<64x100000xf32, #tpu.memory_space<hbm>> -> memref<8x32xf32, #tpu.memory_space<hbm>>
                  tpu.wait_dma2 semaphore(%arg13 : memref<!tpu.dma_semaphore, #tpu.memory_space<semaphore_mem>>) src(%arg8 : memref<8x32xf32, #tpu.memory_space<vmem>>) dst(%dma_wait3A_390 : memref<8x32xf32, #tpu.memory_space<hbm>>)
                } else {
                }
              } else {
              }
              %slice3A_290 = vector.extract_strided_slice %gather3A_173 {offsets = [9], sizes = [1], strides = [1]} : vector<16xi32> to vector<1xi32>
              %squeeze3A_291 = vector.extract %slice3A_290[0] : i32 from vector<1xi32>
              %slice3A_292 = vector.extract_strided_slice %convert_element_type3A_195 {offsets = [9], sizes = [1], strides = [1]} : vector<16xi32> to vector<1xi32>
              %squeeze3A_293 = vector.extract %slice3A_292[0] : i32 from vector<1xi32>
              %ne3A_294 = arith.constant 0 : i32
              %ne3A_295 = arith.cmpi ne, %squeeze3A_293, %ne3A_294 : i32
              %convert_element_type3A_296 = arith.extui %ne3A_295 : i1 to i32
              %cond3A_297 = arith.constant 0 : i32
              %cond3A_298 = arith.cmpi ne, %convert_element_type3A_296, %cond3A_297 : i32
              scf.if %cond3A_298 {
                %ge3A_353 = arith.constant 99968 : i32
                %ge3A_354 = arith.cmpi sge, %squeeze3A_291, %ge3A_353 : i32
                %not3A = arith.constant true
                %not3A_355 = arith.xori %ge3A_354, %not3A : i1
                %convert_element_type3A_356 = arith.extui %not3A_355 : i1 to i32
                %cond3A_357 = arith.constant 0 : i32
                %cond3A_358 = arith.cmpi ne, %convert_element_type3A_356, %cond3A_357 : i32
                scf.if %cond3A_358 {
                  %shift_right_arithmetic3A_362 = arith.constant 7 : i32
                  %shift_right_arithmetic3A_363 = arith.shrsi %squeeze3A_291, %shift_right_arithmetic3A_362 : i32
                  %shift_left3A = arith.constant 7 : i32
                  %shift_left3A_364 = arith.shli %shift_right_arithmetic3A_363, %shift_left3A : i32
                  %multiple_of3A_365 = tpu.assume_multiple %shift_left3A_364, 128 : i32
                  %dma_start3A_366 = arith.constant 0 : i32
                  %dma_start3A_367 = arith.constant 0 : i32
                  %dma_start3A_368 = tpu.memref_slice %arg7[%dma_start3A_366, %dma_start3A_367] : memref<8x14080xf32, #tpu.memory_space<vmem>> -> memref<8x128xf32, #tpu.memory_space<vmem>>
                  %dma_start3A_369 = tpu.memref_slice %arg5[%multiple_of3A, %multiple_of3A_365] : memref<64x100000xf32, #tpu.memory_space<hbm>> -> memref<8x128xf32, #tpu.memory_space<hbm>>
                  %dma_start3A_370 = arith.constant 0 : i32
                  %dma_start3A_371 = arith.constant 0 : i32
                  %dma_start3A_372 = tpu.memref_slice %arg7[%dma_start3A_370, %dma_start3A_371] : memref<8x14080xf32, #tpu.memory_space<vmem>> -> memref<8x128xf32, #tpu.memory_space<vmem>>
                  %dma_start3A_373 = tpu.memref_slice %arg5[%multiple_of3A, %multiple_of3A_365] : memref<64x100000xf32, #tpu.memory_space<hbm>> -> memref<8x128xf32, #tpu.memory_space<hbm>>
                  tpu.enqueue_dma source(%dma_start3A_373 : memref<8x128xf32, #tpu.memory_space<hbm>>) target(%dma_start3A_372 : memref<8x128xf32, #tpu.memory_space<vmem>>) target_semaphore(%arg13 : memref<!tpu.dma_semaphore, #tpu.memory_space<semaphore_mem>>)
                  %dma_wait3A_374 = arith.constant 0 : i32
                  %dma_wait3A_375 = arith.constant 0 : i32
                  %dma_wait3A_376 = tpu.memref_slice %arg7[%dma_wait3A_374, %dma_wait3A_375] : memref<8x14080xf32, #tpu.memory_space<vmem>> -> memref<8x128xf32, #tpu.memory_space<vmem>>
                  %dma_wait3A_377 = tpu.memref_slice %arg5[%multiple_of3A, %multiple_of3A_365] : memref<64x100000xf32, #tpu.memory_space<hbm>> -> memref<8x128xf32, #tpu.memory_space<hbm>>
                  %dma_wait3A_378 = arith.constant 0 : i32
                  %dma_wait3A_379 = arith.constant 0 : i32
                  %dma_wait3A_380 = tpu.memref_slice %arg7[%dma_wait3A_378, %dma_wait3A_379] : memref<8x14080xf32, #tpu.memory_space<vmem>> -> memref<8x128xf32, #tpu.memory_space<vmem>>
                  %dma_wait3A_381 = tpu.memref_slice %arg5[%multiple_of3A, %multiple_of3A_365] : memref<64x100000xf32, #tpu.memory_space<hbm>> -> memref<8x128xf32, #tpu.memory_space<hbm>>
                  tpu.wait_dma2 semaphore(%arg13 : memref<!tpu.dma_semaphore, #tpu.memory_space<semaphore_mem>>) src(%dma_wait3A_381 : memref<8x128xf32, #tpu.memory_space<hbm>>) dst(%dma_wait3A_380 : memref<8x128xf32, #tpu.memory_space<vmem>>)
                  %broadcast_in_dim3A_382 = arith.constant 0 : i32
                  %broadcast_in_dim3A_383 = vector.broadcast %broadcast_in_dim3A_382 : i32 to vector<16xi32>
                  %add3A_384 = vector.broadcast %scan3A_128 : i32 to vector<16xi32>
                  %add3A_385 = arith.addi %broadcast_in_dim3A_383, %add3A_384 : vector<16xi32>
                  %broadcast_in_dim3A_386 = arith.constant 0 : i32
                  %broadcast_in_dim3A_387 = vector.broadcast %broadcast_in_dim3A_386 : i32 to vector<16xi32>
                  %sub3A_388 = arith.subi %squeeze3A_291, %multiple_of3A_365 : i32
                  %add3A_389 = vector.broadcast %sub3A_388 : i32 to vector<16xi32>
                  %add3A_390 = arith.addi %broadcast_in_dim3A_387, %add3A_389 : vector<16xi32>
                  %eq3A_391 = arith.constant 0 : i32
                  %eq3A_392 = vector.broadcast %eq3A_391 : i32 to vector<16xi32>
                  %eq3A_393 = arith.cmpi eq, %iota3A, %eq3A_392 : vector<16xi32>
                  %scatter3A = arith.constant 0 : i32
                  %scatter3A_394 = arith.constant 0 : i32
                  %scatter3A_395 = tpu.memref_slice %arg7[%scatter3A, %scatter3A_394] : memref<8x14080xf32, #tpu.memory_space<vmem>> -> memref<8x128xf32, #tpu.memory_space<vmem>>
                  tpu.vector_store_idx %scatter3A_395[%add3A_385, %add3A_390], %broadcast_in_dim3A_33 masked %eq3A_393 : memref<8x128xf32, #tpu.memory_space<vmem>>[vector<16xi32>, vector<16xi32>], vector<16xf32>, vector<16xi1>
                  %dma_start3A_396 = arith.constant 0 : i32
                  %dma_start3A_397 = arith.constant 0 : i32
                  %dma_start3A_398 = tpu.memref_slice %arg7[%dma_start3A_396, %dma_start3A_397] : memref<8x14080xf32, #tpu.memory_space<vmem>> -> memref<8x128xf32, #tpu.memory_space<vmem>>
                  %dma_start3A_399 = tpu.memref_slice %arg5[%multiple_of3A, %multiple_of3A_365] : memref<64x100000xf32, #tpu.memory_space<hbm>> -> memref<8x128xf32, #tpu.memory_space<hbm>>
                  %dma_start3A_400 = tpu.memref_slice %arg5[%multiple_of3A, %multiple_of3A_365] : memref<64x100000xf32, #tpu.memory_space<hbm>> -> memref<8x128xf32, #tpu.memory_space<hbm>>
                  %dma_start3A_401 = arith.constant 0 : i32
                  %dma_start3A_402 = arith.constant 0 : i32
                  %dma_start3A_403 = tpu.memref_slice %arg7[%dma_start3A_401, %dma_start3A_402] : memref<8x14080xf32, #tpu.memory_space<vmem>> -> memref<8x128xf32, #tpu.memory_space<vmem>>
                  tpu.enqueue_dma source(%dma_start3A_403 : memref<8x128xf32, #tpu.memory_space<vmem>>) target(%dma_start3A_400 : memref<8x128xf32, #tpu.memory_space<hbm>>) target_semaphore(%arg13 : memref<!tpu.dma_semaphore, #tpu.memory_space<semaphore_mem>>)
                  %dma_wait3A_404 = arith.constant 0 : i32
                  %dma_wait3A_405 = arith.constant 0 : i32
                  %dma_wait3A_406 = tpu.memref_slice %arg7[%dma_wait3A_404, %dma_wait3A_405] : memref<8x14080xf32, #tpu.memory_space<vmem>> -> memref<8x128xf32, #tpu.memory_space<vmem>>
                  %dma_wait3A_407 = tpu.memref_slice %arg5[%multiple_of3A, %multiple_of3A_365] : memref<64x100000xf32, #tpu.memory_space<hbm>> -> memref<8x128xf32, #tpu.memory_space<hbm>>
                  %dma_wait3A_408 = tpu.memref_slice %arg5[%multiple_of3A, %multiple_of3A_365] : memref<64x100000xf32, #tpu.memory_space<hbm>> -> memref<8x128xf32, #tpu.memory_space<hbm>>
                  %dma_wait3A_409 = arith.constant 0 : i32
                  %dma_wait3A_410 = arith.constant 0 : i32
                  %dma_wait3A_411 = tpu.memref_slice %arg7[%dma_wait3A_409, %dma_wait3A_410] : memref<8x14080xf32, #tpu.memory_space<vmem>> -> memref<8x128xf32, #tpu.memory_space<vmem>>
                  tpu.wait_dma2 semaphore(%arg13 : memref<!tpu.dma_semaphore, #tpu.memory_space<semaphore_mem>>) src(%dma_wait3A_411 : memref<8x128xf32, #tpu.memory_space<vmem>>) dst(%dma_wait3A_408 : memref<8x128xf32, #tpu.memory_space<hbm>>)
                } else {
                }
                %convert_element_type3A_359 = arith.extui %ge3A_354 : i1 to i32
                %cond3A_360 = arith.constant 0 : i32
                %cond3A_361 = arith.cmpi ne, %convert_element_type3A_359, %cond3A_360 : i32
                scf.if %cond3A_361 {
                  %dma_start3A_362 = arith.constant 99968 : i32
                  %dma_start3A_363 = tpu.memref_slice %arg5[%multiple_of3A, %dma_start3A_362] : memref<64x100000xf32, #tpu.memory_space<hbm>> -> memref<8x32xf32, #tpu.memory_space<hbm>>
                  %dma_start3A_364 = arith.constant 99968 : i32
                  %dma_start3A_365 = tpu.memref_slice %arg5[%multiple_of3A, %dma_start3A_364] : memref<64x100000xf32, #tpu.memory_space<hbm>> -> memref<8x32xf32, #tpu.memory_space<hbm>>
                  tpu.enqueue_dma source(%dma_start3A_365 : memref<8x32xf32, #tpu.memory_space<hbm>>) target(%arg8 : memref<8x32xf32, #tpu.memory_space<vmem>>) target_semaphore(%arg13 : memref<!tpu.dma_semaphore, #tpu.memory_space<semaphore_mem>>)
                  %dma_wait3A_366 = arith.constant 99968 : i32
                  %dma_wait3A_367 = tpu.memref_slice %arg5[%multiple_of3A, %dma_wait3A_366] : memref<64x100000xf32, #tpu.memory_space<hbm>> -> memref<8x32xf32, #tpu.memory_space<hbm>>
                  %dma_wait3A_368 = arith.constant 99968 : i32
                  %dma_wait3A_369 = tpu.memref_slice %arg5[%multiple_of3A, %dma_wait3A_368] : memref<64x100000xf32, #tpu.memory_space<hbm>> -> memref<8x32xf32, #tpu.memory_space<hbm>>
                  tpu.wait_dma2 semaphore(%arg13 : memref<!tpu.dma_semaphore, #tpu.memory_space<semaphore_mem>>) src(%dma_wait3A_369 : memref<8x32xf32, #tpu.memory_space<hbm>>) dst(%arg8 : memref<8x32xf32, #tpu.memory_space<vmem>>)
                  %broadcast_in_dim3A_370 = arith.constant 0 : i32
                  %broadcast_in_dim3A_371 = vector.broadcast %broadcast_in_dim3A_370 : i32 to vector<16xi32>
                  %add3A_372 = vector.broadcast %scan3A_128 : i32 to vector<16xi32>
                  %add3A_373 = arith.addi %broadcast_in_dim3A_371, %add3A_372 : vector<16xi32>
                  %broadcast_in_dim3A_374 = arith.constant 0 : i32
                  %broadcast_in_dim3A_375 = vector.broadcast %broadcast_in_dim3A_374 : i32 to vector<16xi32>
                  %sub3A_376 = arith.constant 99968 : i32
                  %sub3A_377 = arith.subi %squeeze3A_291, %sub3A_376 : i32
                  %add3A_378 = vector.broadcast %sub3A_377 : i32 to vector<16xi32>
                  %add3A_379 = arith.addi %broadcast_in_dim3A_375, %add3A_378 : vector<16xi32>
                  %eq3A_380 = arith.constant 0 : i32
                  %eq3A_381 = vector.broadcast %eq3A_380 : i32 to vector<16xi32>
                  %eq3A_382 = arith.cmpi eq, %iota3A, %eq3A_381 : vector<16xi32>
                  tpu.vector_store_idx %arg8[%add3A_373, %add3A_379], %broadcast_in_dim3A_33 masked %eq3A_382 : memref<8x32xf32, #tpu.memory_space<vmem>>[vector<16xi32>, vector<16xi32>], vector<16xf32>, vector<16xi1>
                  %dma_start3A_383 = arith.constant 99968 : i32
                  %dma_start3A_384 = tpu.memref_slice %arg5[%multiple_of3A, %dma_start3A_383] : memref<64x100000xf32, #tpu.memory_space<hbm>> -> memref<8x32xf32, #tpu.memory_space<hbm>>
                  %dma_start3A_385 = arith.constant 99968 : i32
                  %dma_start3A_386 = tpu.memref_slice %arg5[%multiple_of3A, %dma_start3A_385] : memref<64x100000xf32, #tpu.memory_space<hbm>> -> memref<8x32xf32, #tpu.memory_space<hbm>>
                  tpu.enqueue_dma source(%arg8 : memref<8x32xf32, #tpu.memory_space<vmem>>) target(%dma_start3A_386 : memref<8x32xf32, #tpu.memory_space<hbm>>) target_semaphore(%arg13 : memref<!tpu.dma_semaphore, #tpu.memory_space<semaphore_mem>>)
                  %dma_wait3A_387 = arith.constant 99968 : i32
                  %dma_wait3A_388 = tpu.memref_slice %arg5[%multiple_of3A, %dma_wait3A_387] : memref<64x100000xf32, #tpu.memory_space<hbm>> -> memref<8x32xf32, #tpu.memory_space<hbm>>
                  %dma_wait3A_389 = arith.constant 99968 : i32
                  %dma_wait3A_390 = tpu.memref_slice %arg5[%multiple_of3A, %dma_wait3A_389] : memref<64x100000xf32, #tpu.memory_space<hbm>> -> memref<8x32xf32, #tpu.memory_space<hbm>>
                  tpu.wait_dma2 semaphore(%arg13 : memref<!tpu.dma_semaphore, #tpu.memory_space<semaphore_mem>>) src(%arg8 : memref<8x32xf32, #tpu.memory_space<vmem>>) dst(%dma_wait3A_390 : memref<8x32xf32, #tpu.memory_space<hbm>>)
                } else {
                }
              } else {
              }
              %slice3A_299 = vector.extract_strided_slice %gather3A_173 {offsets = [10], sizes = [1], strides = [1]} : vector<16xi32> to vector<1xi32>
              %squeeze3A_300 = vector.extract %slice3A_299[0] : i32 from vector<1xi32>
              %slice3A_301 = vector.extract_strided_slice %convert_element_type3A_195 {offsets = [10], sizes = [1], strides = [1]} : vector<16xi32> to vector<1xi32>
              %squeeze3A_302 = vector.extract %slice3A_301[0] : i32 from vector<1xi32>
              %ne3A_303 = arith.constant 0 : i32
              %ne3A_304 = arith.cmpi ne, %squeeze3A_302, %ne3A_303 : i32
              %convert_element_type3A_305 = arith.extui %ne3A_304 : i1 to i32
              %cond3A_306 = arith.constant 0 : i32
              %cond3A_307 = arith.cmpi ne, %convert_element_type3A_305, %cond3A_306 : i32
              scf.if %cond3A_307 {
                %ge3A_353 = arith.constant 99968 : i32
                %ge3A_354 = arith.cmpi sge, %squeeze3A_300, %ge3A_353 : i32
                %not3A = arith.constant true
                %not3A_355 = arith.xori %ge3A_354, %not3A : i1
                %convert_element_type3A_356 = arith.extui %not3A_355 : i1 to i32
                %cond3A_357 = arith.constant 0 : i32
                %cond3A_358 = arith.cmpi ne, %convert_element_type3A_356, %cond3A_357 : i32
                scf.if %cond3A_358 {
                  %shift_right_arithmetic3A_362 = arith.constant 7 : i32
                  %shift_right_arithmetic3A_363 = arith.shrsi %squeeze3A_300, %shift_right_arithmetic3A_362 : i32
                  %shift_left3A = arith.constant 7 : i32
                  %shift_left3A_364 = arith.shli %shift_right_arithmetic3A_363, %shift_left3A : i32
                  %multiple_of3A_365 = tpu.assume_multiple %shift_left3A_364, 128 : i32
                  %dma_start3A_366 = arith.constant 0 : i32
                  %dma_start3A_367 = arith.constant 0 : i32
                  %dma_start3A_368 = tpu.memref_slice %arg7[%dma_start3A_366, %dma_start3A_367] : memref<8x14080xf32, #tpu.memory_space<vmem>> -> memref<8x128xf32, #tpu.memory_space<vmem>>
                  %dma_start3A_369 = tpu.memref_slice %arg5[%multiple_of3A, %multiple_of3A_365] : memref<64x100000xf32, #tpu.memory_space<hbm>> -> memref<8x128xf32, #tpu.memory_space<hbm>>
                  %dma_start3A_370 = arith.constant 0 : i32
                  %dma_start3A_371 = arith.constant 0 : i32
                  %dma_start3A_372 = tpu.memref_slice %arg7[%dma_start3A_370, %dma_start3A_371] : memref<8x14080xf32, #tpu.memory_space<vmem>> -> memref<8x128xf32, #tpu.memory_space<vmem>>
                  %dma_start3A_373 = tpu.memref_slice %arg5[%multiple_of3A, %multiple_of3A_365] : memref<64x100000xf32, #tpu.memory_space<hbm>> -> memref<8x128xf32, #tpu.memory_space<hbm>>
                  tpu.enqueue_dma source(%dma_start3A_373 : memref<8x128xf32, #tpu.memory_space<hbm>>) target(%dma_start3A_372 : memref<8x128xf32, #tpu.memory_space<vmem>>) target_semaphore(%arg13 : memref<!tpu.dma_semaphore, #tpu.memory_space<semaphore_mem>>)
                  %dma_wait3A_374 = arith.constant 0 : i32
                  %dma_wait3A_375 = arith.constant 0 : i32
                  %dma_wait3A_376 = tpu.memref_slice %arg7[%dma_wait3A_374, %dma_wait3A_375] : memref<8x14080xf32, #tpu.memory_space<vmem>> -> memref<8x128xf32, #tpu.memory_space<vmem>>
                  %dma_wait3A_377 = tpu.memref_slice %arg5[%multiple_of3A, %multiple_of3A_365] : memref<64x100000xf32, #tpu.memory_space<hbm>> -> memref<8x128xf32, #tpu.memory_space<hbm>>
                  %dma_wait3A_378 = arith.constant 0 : i32
                  %dma_wait3A_379 = arith.constant 0 : i32
                  %dma_wait3A_380 = tpu.memref_slice %arg7[%dma_wait3A_378, %dma_wait3A_379] : memref<8x14080xf32, #tpu.memory_space<vmem>> -> memref<8x128xf32, #tpu.memory_space<vmem>>
                  %dma_wait3A_381 = tpu.memref_slice %arg5[%multiple_of3A, %multiple_of3A_365] : memref<64x100000xf32, #tpu.memory_space<hbm>> -> memref<8x128xf32, #tpu.memory_space<hbm>>
                  tpu.wait_dma2 semaphore(%arg13 : memref<!tpu.dma_semaphore, #tpu.memory_space<semaphore_mem>>) src(%dma_wait3A_381 : memref<8x128xf32, #tpu.memory_space<hbm>>) dst(%dma_wait3A_380 : memref<8x128xf32, #tpu.memory_space<vmem>>)
                  %broadcast_in_dim3A_382 = arith.constant 0 : i32
                  %broadcast_in_dim3A_383 = vector.broadcast %broadcast_in_dim3A_382 : i32 to vector<16xi32>
                  %add3A_384 = vector.broadcast %scan3A_128 : i32 to vector<16xi32>
                  %add3A_385 = arith.addi %broadcast_in_dim3A_383, %add3A_384 : vector<16xi32>
                  %broadcast_in_dim3A_386 = arith.constant 0 : i32
                  %broadcast_in_dim3A_387 = vector.broadcast %broadcast_in_dim3A_386 : i32 to vector<16xi32>
                  %sub3A_388 = arith.subi %squeeze3A_300, %multiple_of3A_365 : i32
                  %add3A_389 = vector.broadcast %sub3A_388 : i32 to vector<16xi32>
                  %add3A_390 = arith.addi %broadcast_in_dim3A_387, %add3A_389 : vector<16xi32>
                  %eq3A_391 = arith.constant 0 : i32
                  %eq3A_392 = vector.broadcast %eq3A_391 : i32 to vector<16xi32>
                  %eq3A_393 = arith.cmpi eq, %iota3A, %eq3A_392 : vector<16xi32>
                  %scatter3A = arith.constant 0 : i32
                  %scatter3A_394 = arith.constant 0 : i32
                  %scatter3A_395 = tpu.memref_slice %arg7[%scatter3A, %scatter3A_394] : memref<8x14080xf32, #tpu.memory_space<vmem>> -> memref<8x128xf32, #tpu.memory_space<vmem>>
                  tpu.vector_store_idx %scatter3A_395[%add3A_385, %add3A_390], %broadcast_in_dim3A_33 masked %eq3A_393 : memref<8x128xf32, #tpu.memory_space<vmem>>[vector<16xi32>, vector<16xi32>], vector<16xf32>, vector<16xi1>
                  %dma_start3A_396 = arith.constant 0 : i32
                  %dma_start3A_397 = arith.constant 0 : i32
                  %dma_start3A_398 = tpu.memref_slice %arg7[%dma_start3A_396, %dma_start3A_397] : memref<8x14080xf32, #tpu.memory_space<vmem>> -> memref<8x128xf32, #tpu.memory_space<vmem>>
                  %dma_start3A_399 = tpu.memref_slice %arg5[%multiple_of3A, %multiple_of3A_365] : memref<64x100000xf32, #tpu.memory_space<hbm>> -> memref<8x128xf32, #tpu.memory_space<hbm>>
                  %dma_start3A_400 = tpu.memref_slice %arg5[%multiple_of3A, %multiple_of3A_365] : memref<64x100000xf32, #tpu.memory_space<hbm>> -> memref<8x128xf32, #tpu.memory_space<hbm>>
                  %dma_start3A_401 = arith.constant 0 : i32
                  %dma_start3A_402 = arith.constant 0 : i32
                  %dma_start3A_403 = tpu.memref_slice %arg7[%dma_start3A_401, %dma_start3A_402] : memref<8x14080xf32, #tpu.memory_space<vmem>> -> memref<8x128xf32, #tpu.memory_space<vmem>>
                  tpu.enqueue_dma source(%dma_start3A_403 : memref<8x128xf32, #tpu.memory_space<vmem>>) target(%dma_start3A_400 : memref<8x128xf32, #tpu.memory_space<hbm>>) target_semaphore(%arg13 : memref<!tpu.dma_semaphore, #tpu.memory_space<semaphore_mem>>)
                  %dma_wait3A_404 = arith.constant 0 : i32
                  %dma_wait3A_405 = arith.constant 0 : i32
                  %dma_wait3A_406 = tpu.memref_slice %arg7[%dma_wait3A_404, %dma_wait3A_405] : memref<8x14080xf32, #tpu.memory_space<vmem>> -> memref<8x128xf32, #tpu.memory_space<vmem>>
                  %dma_wait3A_407 = tpu.memref_slice %arg5[%multiple_of3A, %multiple_of3A_365] : memref<64x100000xf32, #tpu.memory_space<hbm>> -> memref<8x128xf32, #tpu.memory_space<hbm>>
                  %dma_wait3A_408 = tpu.memref_slice %arg5[%multiple_of3A, %multiple_of3A_365] : memref<64x100000xf32, #tpu.memory_space<hbm>> -> memref<8x128xf32, #tpu.memory_space<hbm>>
                  %dma_wait3A_409 = arith.constant 0 : i32
                  %dma_wait3A_410 = arith.constant 0 : i32
                  %dma_wait3A_411 = tpu.memref_slice %arg7[%dma_wait3A_409, %dma_wait3A_410] : memref<8x14080xf32, #tpu.memory_space<vmem>> -> memref<8x128xf32, #tpu.memory_space<vmem>>
                  tpu.wait_dma2 semaphore(%arg13 : memref<!tpu.dma_semaphore, #tpu.memory_space<semaphore_mem>>) src(%dma_wait3A_411 : memref<8x128xf32, #tpu.memory_space<vmem>>) dst(%dma_wait3A_408 : memref<8x128xf32, #tpu.memory_space<hbm>>)
                } else {
                }
                %convert_element_type3A_359 = arith.extui %ge3A_354 : i1 to i32
                %cond3A_360 = arith.constant 0 : i32
                %cond3A_361 = arith.cmpi ne, %convert_element_type3A_359, %cond3A_360 : i32
                scf.if %cond3A_361 {
                  %dma_start3A_362 = arith.constant 99968 : i32
                  %dma_start3A_363 = tpu.memref_slice %arg5[%multiple_of3A, %dma_start3A_362] : memref<64x100000xf32, #tpu.memory_space<hbm>> -> memref<8x32xf32, #tpu.memory_space<hbm>>
                  %dma_start3A_364 = arith.constant 99968 : i32
                  %dma_start3A_365 = tpu.memref_slice %arg5[%multiple_of3A, %dma_start3A_364] : memref<64x100000xf32, #tpu.memory_space<hbm>> -> memref<8x32xf32, #tpu.memory_space<hbm>>
                  tpu.enqueue_dma source(%dma_start3A_365 : memref<8x32xf32, #tpu.memory_space<hbm>>) target(%arg8 : memref<8x32xf32, #tpu.memory_space<vmem>>) target_semaphore(%arg13 : memref<!tpu.dma_semaphore, #tpu.memory_space<semaphore_mem>>)
                  %dma_wait3A_366 = arith.constant 99968 : i32
                  %dma_wait3A_367 = tpu.memref_slice %arg5[%multiple_of3A, %dma_wait3A_366] : memref<64x100000xf32, #tpu.memory_space<hbm>> -> memref<8x32xf32, #tpu.memory_space<hbm>>
                  %dma_wait3A_368 = arith.constant 99968 : i32
                  %dma_wait3A_369 = tpu.memref_slice %arg5[%multiple_of3A, %dma_wait3A_368] : memref<64x100000xf32, #tpu.memory_space<hbm>> -> memref<8x32xf32, #tpu.memory_space<hbm>>
                  tpu.wait_dma2 semaphore(%arg13 : memref<!tpu.dma_semaphore, #tpu.memory_space<semaphore_mem>>) src(%dma_wait3A_369 : memref<8x32xf32, #tpu.memory_space<hbm>>) dst(%arg8 : memref<8x32xf32, #tpu.memory_space<vmem>>)
                  %broadcast_in_dim3A_370 = arith.constant 0 : i32
                  %broadcast_in_dim3A_371 = vector.broadcast %broadcast_in_dim3A_370 : i32 to vector<16xi32>
                  %add3A_372 = vector.broadcast %scan3A_128 : i32 to vector<16xi32>
                  %add3A_373 = arith.addi %broadcast_in_dim3A_371, %add3A_372 : vector<16xi32>
                  %broadcast_in_dim3A_374 = arith.constant 0 : i32
                  %broadcast_in_dim3A_375 = vector.broadcast %broadcast_in_dim3A_374 : i32 to vector<16xi32>
                  %sub3A_376 = arith.constant 99968 : i32
                  %sub3A_377 = arith.subi %squeeze3A_300, %sub3A_376 : i32
                  %add3A_378 = vector.broadcast %sub3A_377 : i32 to vector<16xi32>
                  %add3A_379 = arith.addi %broadcast_in_dim3A_375, %add3A_378 : vector<16xi32>
                  %eq3A_380 = arith.constant 0 : i32
                  %eq3A_381 = vector.broadcast %eq3A_380 : i32 to vector<16xi32>
                  %eq3A_382 = arith.cmpi eq, %iota3A, %eq3A_381 : vector<16xi32>
                  tpu.vector_store_idx %arg8[%add3A_373, %add3A_379], %broadcast_in_dim3A_33 masked %eq3A_382 : memref<8x32xf32, #tpu.memory_space<vmem>>[vector<16xi32>, vector<16xi32>], vector<16xf32>, vector<16xi1>
                  %dma_start3A_383 = arith.constant 99968 : i32
                  %dma_start3A_384 = tpu.memref_slice %arg5[%multiple_of3A, %dma_start3A_383] : memref<64x100000xf32, #tpu.memory_space<hbm>> -> memref<8x32xf32, #tpu.memory_space<hbm>>
                  %dma_start3A_385 = arith.constant 99968 : i32
                  %dma_start3A_386 = tpu.memref_slice %arg5[%multiple_of3A, %dma_start3A_385] : memref<64x100000xf32, #tpu.memory_space<hbm>> -> memref<8x32xf32, #tpu.memory_space<hbm>>
                  tpu.enqueue_dma source(%arg8 : memref<8x32xf32, #tpu.memory_space<vmem>>) target(%dma_start3A_386 : memref<8x32xf32, #tpu.memory_space<hbm>>) target_semaphore(%arg13 : memref<!tpu.dma_semaphore, #tpu.memory_space<semaphore_mem>>)
                  %dma_wait3A_387 = arith.constant 99968 : i32
                  %dma_wait3A_388 = tpu.memref_slice %arg5[%multiple_of3A, %dma_wait3A_387] : memref<64x100000xf32, #tpu.memory_space<hbm>> -> memref<8x32xf32, #tpu.memory_space<hbm>>
                  %dma_wait3A_389 = arith.constant 99968 : i32
                  %dma_wait3A_390 = tpu.memref_slice %arg5[%multiple_of3A, %dma_wait3A_389] : memref<64x100000xf32, #tpu.memory_space<hbm>> -> memref<8x32xf32, #tpu.memory_space<hbm>>
                  tpu.wait_dma2 semaphore(%arg13 : memref<!tpu.dma_semaphore, #tpu.memory_space<semaphore_mem>>) src(%arg8 : memref<8x32xf32, #tpu.memory_space<vmem>>) dst(%dma_wait3A_390 : memref<8x32xf32, #tpu.memory_space<hbm>>)
                } else {
                }
              } else {
              }
              %slice3A_308 = vector.extract_strided_slice %gather3A_173 {offsets = [11], sizes = [1], strides = [1]} : vector<16xi32> to vector<1xi32>
              %squeeze3A_309 = vector.extract %slice3A_308[0] : i32 from vector<1xi32>
              %slice3A_310 = vector.extract_strided_slice %convert_element_type3A_195 {offsets = [11], sizes = [1], strides = [1]} : vector<16xi32> to vector<1xi32>
              %squeeze3A_311 = vector.extract %slice3A_310[0] : i32 from vector<1xi32>
              %ne3A_312 = arith.constant 0 : i32
              %ne3A_313 = arith.cmpi ne, %squeeze3A_311, %ne3A_312 : i32
              %convert_element_type3A_314 = arith.extui %ne3A_313 : i1 to i32
              %cond3A_315 = arith.constant 0 : i32
              %cond3A_316 = arith.cmpi ne, %convert_element_type3A_314, %cond3A_315 : i32
              scf.if %cond3A_316 {
                %ge3A_353 = arith.constant 99968 : i32
                %ge3A_354 = arith.cmpi sge, %squeeze3A_309, %ge3A_353 : i32
                %not3A = arith.constant true
                %not3A_355 = arith.xori %ge3A_354, %not3A : i1
                %convert_element_type3A_356 = arith.extui %not3A_355 : i1 to i32
                %cond3A_357 = arith.constant 0 : i32
                %cond3A_358 = arith.cmpi ne, %convert_element_type3A_356, %cond3A_357 : i32
                scf.if %cond3A_358 {
                  %shift_right_arithmetic3A_362 = arith.constant 7 : i32
                  %shift_right_arithmetic3A_363 = arith.shrsi %squeeze3A_309, %shift_right_arithmetic3A_362 : i32
                  %shift_left3A = arith.constant 7 : i32
                  %shift_left3A_364 = arith.shli %shift_right_arithmetic3A_363, %shift_left3A : i32
                  %multiple_of3A_365 = tpu.assume_multiple %shift_left3A_364, 128 : i32
                  %dma_start3A_366 = arith.constant 0 : i32
                  %dma_start3A_367 = arith.constant 0 : i32
                  %dma_start3A_368 = tpu.memref_slice %arg7[%dma_start3A_366, %dma_start3A_367] : memref<8x14080xf32, #tpu.memory_space<vmem>> -> memref<8x128xf32, #tpu.memory_space<vmem>>
                  %dma_start3A_369 = tpu.memref_slice %arg5[%multiple_of3A, %multiple_of3A_365] : memref<64x100000xf32, #tpu.memory_space<hbm>> -> memref<8x128xf32, #tpu.memory_space<hbm>>
                  %dma_start3A_370 = arith.constant 0 : i32
                  %dma_start3A_371 = arith.constant 0 : i32
                  %dma_start3A_372 = tpu.memref_slice %arg7[%dma_start3A_370, %dma_start3A_371] : memref<8x14080xf32, #tpu.memory_space<vmem>> -> memref<8x128xf32, #tpu.memory_space<vmem>>
                  %dma_start3A_373 = tpu.memref_slice %arg5[%multiple_of3A, %multiple_of3A_365] : memref<64x100000xf32, #tpu.memory_space<hbm>> -> memref<8x128xf32, #tpu.memory_space<hbm>>
                  tpu.enqueue_dma source(%dma_start3A_373 : memref<8x128xf32, #tpu.memory_space<hbm>>) target(%dma_start3A_372 : memref<8x128xf32, #tpu.memory_space<vmem>>) target_semaphore(%arg13 : memref<!tpu.dma_semaphore, #tpu.memory_space<semaphore_mem>>)
                  %dma_wait3A_374 = arith.constant 0 : i32
                  %dma_wait3A_375 = arith.constant 0 : i32
                  %dma_wait3A_376 = tpu.memref_slice %arg7[%dma_wait3A_374, %dma_wait3A_375] : memref<8x14080xf32, #tpu.memory_space<vmem>> -> memref<8x128xf32, #tpu.memory_space<vmem>>
                  %dma_wait3A_377 = tpu.memref_slice %arg5[%multiple_of3A, %multiple_of3A_365] : memref<64x100000xf32, #tpu.memory_space<hbm>> -> memref<8x128xf32, #tpu.memory_space<hbm>>
                  %dma_wait3A_378 = arith.constant 0 : i32
                  %dma_wait3A_379 = arith.constant 0 : i32
                  %dma_wait3A_380 = tpu.memref_slice %arg7[%dma_wait3A_378, %dma_wait3A_379] : memref<8x14080xf32, #tpu.memory_space<vmem>> -> memref<8x128xf32, #tpu.memory_space<vmem>>
                  %dma_wait3A_381 = tpu.memref_slice %arg5[%multiple_of3A, %multiple_of3A_365] : memref<64x100000xf32, #tpu.memory_space<hbm>> -> memref<8x128xf32, #tpu.memory_space<hbm>>
                  tpu.wait_dma2 semaphore(%arg13 : memref<!tpu.dma_semaphore, #tpu.memory_space<semaphore_mem>>) src(%dma_wait3A_381 : memref<8x128xf32, #tpu.memory_space<hbm>>) dst(%dma_wait3A_380 : memref<8x128xf32, #tpu.memory_space<vmem>>)
                  %broadcast_in_dim3A_382 = arith.constant 0 : i32
                  %broadcast_in_dim3A_383 = vector.broadcast %broadcast_in_dim3A_382 : i32 to vector<16xi32>
                  %add3A_384 = vector.broadcast %scan3A_128 : i32 to vector<16xi32>
                  %add3A_385 = arith.addi %broadcast_in_dim3A_383, %add3A_384 : vector<16xi32>
                  %broadcast_in_dim3A_386 = arith.constant 0 : i32
                  %broadcast_in_dim3A_387 = vector.broadcast %broadcast_in_dim3A_386 : i32 to vector<16xi32>
                  %sub3A_388 = arith.subi %squeeze3A_309, %multiple_of3A_365 : i32
                  %add3A_389 = vector.broadcast %sub3A_388 : i32 to vector<16xi32>
                  %add3A_390 = arith.addi %broadcast_in_dim3A_387, %add3A_389 : vector<16xi32>
                  %eq3A_391 = arith.constant 0 : i32
                  %eq3A_392 = vector.broadcast %eq3A_391 : i32 to vector<16xi32>
                  %eq3A_393 = arith.cmpi eq, %iota3A, %eq3A_392 : vector<16xi32>
                  %scatter3A = arith.constant 0 : i32
                  %scatter3A_394 = arith.constant 0 : i32
                  %scatter3A_395 = tpu.memref_slice %arg7[%scatter3A, %scatter3A_394] : memref<8x14080xf32, #tpu.memory_space<vmem>> -> memref<8x128xf32, #tpu.memory_space<vmem>>
                  tpu.vector_store_idx %scatter3A_395[%add3A_385, %add3A_390], %broadcast_in_dim3A_33 masked %eq3A_393 : memref<8x128xf32, #tpu.memory_space<vmem>>[vector<16xi32>, vector<16xi32>], vector<16xf32>, vector<16xi1>
                  %dma_start3A_396 = arith.constant 0 : i32
                  %dma_start3A_397 = arith.constant 0 : i32
                  %dma_start3A_398 = tpu.memref_slice %arg7[%dma_start3A_396, %dma_start3A_397] : memref<8x14080xf32, #tpu.memory_space<vmem>> -> memref<8x128xf32, #tpu.memory_space<vmem>>
                  %dma_start3A_399 = tpu.memref_slice %arg5[%multiple_of3A, %multiple_of3A_365] : memref<64x100000xf32, #tpu.memory_space<hbm>> -> memref<8x128xf32, #tpu.memory_space<hbm>>
                  %dma_start3A_400 = tpu.memref_slice %arg5[%multiple_of3A, %multiple_of3A_365] : memref<64x100000xf32, #tpu.memory_space<hbm>> -> memref<8x128xf32, #tpu.memory_space<hbm>>
                  %dma_start3A_401 = arith.constant 0 : i32
                  %dma_start3A_402 = arith.constant 0 : i32
                  %dma_start3A_403 = tpu.memref_slice %arg7[%dma_start3A_401, %dma_start3A_402] : memref<8x14080xf32, #tpu.memory_space<vmem>> -> memref<8x128xf32, #tpu.memory_space<vmem>>
                  tpu.enqueue_dma source(%dma_start3A_403 : memref<8x128xf32, #tpu.memory_space<vmem>>) target(%dma_start3A_400 : memref<8x128xf32, #tpu.memory_space<hbm>>) target_semaphore(%arg13 : memref<!tpu.dma_semaphore, #tpu.memory_space<semaphore_mem>>)
                  %dma_wait3A_404 = arith.constant 0 : i32
                  %dma_wait3A_405 = arith.constant 0 : i32
                  %dma_wait3A_406 = tpu.memref_slice %arg7[%dma_wait3A_404, %dma_wait3A_405] : memref<8x14080xf32, #tpu.memory_space<vmem>> -> memref<8x128xf32, #tpu.memory_space<vmem>>
                  %dma_wait3A_407 = tpu.memref_slice %arg5[%multiple_of3A, %multiple_of3A_365] : memref<64x100000xf32, #tpu.memory_space<hbm>> -> memref<8x128xf32, #tpu.memory_space<hbm>>
                  %dma_wait3A_408 = tpu.memref_slice %arg5[%multiple_of3A, %multiple_of3A_365] : memref<64x100000xf32, #tpu.memory_space<hbm>> -> memref<8x128xf32, #tpu.memory_space<hbm>>
                  %dma_wait3A_409 = arith.constant 0 : i32
                  %dma_wait3A_410 = arith.constant 0 : i32
                  %dma_wait3A_411 = tpu.memref_slice %arg7[%dma_wait3A_409, %dma_wait3A_410] : memref<8x14080xf32, #tpu.memory_space<vmem>> -> memref<8x128xf32, #tpu.memory_space<vmem>>
                  tpu.wait_dma2 semaphore(%arg13 : memref<!tpu.dma_semaphore, #tpu.memory_space<semaphore_mem>>) src(%dma_wait3A_411 : memref<8x128xf32, #tpu.memory_space<vmem>>) dst(%dma_wait3A_408 : memref<8x128xf32, #tpu.memory_space<hbm>>)
                } else {
                }
                %convert_element_type3A_359 = arith.extui %ge3A_354 : i1 to i32
                %cond3A_360 = arith.constant 0 : i32
                %cond3A_361 = arith.cmpi ne, %convert_element_type3A_359, %cond3A_360 : i32
                scf.if %cond3A_361 {
                  %dma_start3A_362 = arith.constant 99968 : i32
                  %dma_start3A_363 = tpu.memref_slice %arg5[%multiple_of3A, %dma_start3A_362] : memref<64x100000xf32, #tpu.memory_space<hbm>> -> memref<8x32xf32, #tpu.memory_space<hbm>>
                  %dma_start3A_364 = arith.constant 99968 : i32
                  %dma_start3A_365 = tpu.memref_slice %arg5[%multiple_of3A, %dma_start3A_364] : memref<64x100000xf32, #tpu.memory_space<hbm>> -> memref<8x32xf32, #tpu.memory_space<hbm>>
                  tpu.enqueue_dma source(%dma_start3A_365 : memref<8x32xf32, #tpu.memory_space<hbm>>) target(%arg8 : memref<8x32xf32, #tpu.memory_space<vmem>>) target_semaphore(%arg13 : memref<!tpu.dma_semaphore, #tpu.memory_space<semaphore_mem>>)
                  %dma_wait3A_366 = arith.constant 99968 : i32
                  %dma_wait3A_367 = tpu.memref_slice %arg5[%multiple_of3A, %dma_wait3A_366] : memref<64x100000xf32, #tpu.memory_space<hbm>> -> memref<8x32xf32, #tpu.memory_space<hbm>>
                  %dma_wait3A_368 = arith.constant 99968 : i32
                  %dma_wait3A_369 = tpu.memref_slice %arg5[%multiple_of3A, %dma_wait3A_368] : memref<64x100000xf32, #tpu.memory_space<hbm>> -> memref<8x32xf32, #tpu.memory_space<hbm>>
                  tpu.wait_dma2 semaphore(%arg13 : memref<!tpu.dma_semaphore, #tpu.memory_space<semaphore_mem>>) src(%dma_wait3A_369 : memref<8x32xf32, #tpu.memory_space<hbm>>) dst(%arg8 : memref<8x32xf32, #tpu.memory_space<vmem>>)
                  %broadcast_in_dim3A_370 = arith.constant 0 : i32
                  %broadcast_in_dim3A_371 = vector.broadcast %broadcast_in_dim3A_370 : i32 to vector<16xi32>
                  %add3A_372 = vector.broadcast %scan3A_128 : i32 to vector<16xi32>
                  %add3A_373 = arith.addi %broadcast_in_dim3A_371, %add3A_372 : vector<16xi32>
                  %broadcast_in_dim3A_374 = arith.constant 0 : i32
                  %broadcast_in_dim3A_375 = vector.broadcast %broadcast_in_dim3A_374 : i32 to vector<16xi32>
                  %sub3A_376 = arith.constant 99968 : i32
                  %sub3A_377 = arith.subi %squeeze3A_309, %sub3A_376 : i32
                  %add3A_378 = vector.broadcast %sub3A_377 : i32 to vector<16xi32>
                  %add3A_379 = arith.addi %broadcast_in_dim3A_375, %add3A_378 : vector<16xi32>
                  %eq3A_380 = arith.constant 0 : i32
                  %eq3A_381 = vector.broadcast %eq3A_380 : i32 to vector<16xi32>
                  %eq3A_382 = arith.cmpi eq, %iota3A, %eq3A_381 : vector<16xi32>
                  tpu.vector_store_idx %arg8[%add3A_373, %add3A_379], %broadcast_in_dim3A_33 masked %eq3A_382 : memref<8x32xf32, #tpu.memory_space<vmem>>[vector<16xi32>, vector<16xi32>], vector<16xf32>, vector<16xi1>
                  %dma_start3A_383 = arith.constant 99968 : i32
                  %dma_start3A_384 = tpu.memref_slice %arg5[%multiple_of3A, %dma_start3A_383] : memref<64x100000xf32, #tpu.memory_space<hbm>> -> memref<8x32xf32, #tpu.memory_space<hbm>>
                  %dma_start3A_385 = arith.constant 99968 : i32
                  %dma_start3A_386 = tpu.memref_slice %arg5[%multiple_of3A, %dma_start3A_385] : memref<64x100000xf32, #tpu.memory_space<hbm>> -> memref<8x32xf32, #tpu.memory_space<hbm>>
                  tpu.enqueue_dma source(%arg8 : memref<8x32xf32, #tpu.memory_space<vmem>>) target(%dma_start3A_386 : memref<8x32xf32, #tpu.memory_space<hbm>>) target_semaphore(%arg13 : memref<!tpu.dma_semaphore, #tpu.memory_space<semaphore_mem>>)
                  %dma_wait3A_387 = arith.constant 99968 : i32
                  %dma_wait3A_388 = tpu.memref_slice %arg5[%multiple_of3A, %dma_wait3A_387] : memref<64x100000xf32, #tpu.memory_space<hbm>> -> memref<8x32xf32, #tpu.memory_space<hbm>>
                  %dma_wait3A_389 = arith.constant 99968 : i32
                  %dma_wait3A_390 = tpu.memref_slice %arg5[%multiple_of3A, %dma_wait3A_389] : memref<64x100000xf32, #tpu.memory_space<hbm>> -> memref<8x32xf32, #tpu.memory_space<hbm>>
                  tpu.wait_dma2 semaphore(%arg13 : memref<!tpu.dma_semaphore, #tpu.memory_space<semaphore_mem>>) src(%arg8 : memref<8x32xf32, #tpu.memory_space<vmem>>) dst(%dma_wait3A_390 : memref<8x32xf32, #tpu.memory_space<hbm>>)
                } else {
                }
              } else {
              }
              %slice3A_317 = vector.extract_strided_slice %gather3A_173 {offsets = [12], sizes = [1], strides = [1]} : vector<16xi32> to vector<1xi32>
              %squeeze3A_318 = vector.extract %slice3A_317[0] : i32 from vector<1xi32>
              %slice3A_319 = vector.extract_strided_slice %convert_element_type3A_195 {offsets = [12], sizes = [1], strides = [1]} : vector<16xi32> to vector<1xi32>
              %squeeze3A_320 = vector.extract %slice3A_319[0] : i32 from vector<1xi32>
              %ne3A_321 = arith.constant 0 : i32
              %ne3A_322 = arith.cmpi ne, %squeeze3A_320, %ne3A_321 : i32
              %convert_element_type3A_323 = arith.extui %ne3A_322 : i1 to i32
              %cond3A_324 = arith.constant 0 : i32
              %cond3A_325 = arith.cmpi ne, %convert_element_type3A_323, %cond3A_324 : i32
              scf.if %cond3A_325 {
                %ge3A_353 = arith.constant 99968 : i32
                %ge3A_354 = arith.cmpi sge, %squeeze3A_318, %ge3A_353 : i32
                %not3A = arith.constant true
                %not3A_355 = arith.xori %ge3A_354, %not3A : i1
                %convert_element_type3A_356 = arith.extui %not3A_355 : i1 to i32
                %cond3A_357 = arith.constant 0 : i32
                %cond3A_358 = arith.cmpi ne, %convert_element_type3A_356, %cond3A_357 : i32
                scf.if %cond3A_358 {
                  %shift_right_arithmetic3A_362 = arith.constant 7 : i32
                  %shift_right_arithmetic3A_363 = arith.shrsi %squeeze3A_318, %shift_right_arithmetic3A_362 : i32
                  %shift_left3A = arith.constant 7 : i32
                  %shift_left3A_364 = arith.shli %shift_right_arithmetic3A_363, %shift_left3A : i32
                  %multiple_of3A_365 = tpu.assume_multiple %shift_left3A_364, 128 : i32
                  %dma_start3A_366 = arith.constant 0 : i32
                  %dma_start3A_367 = arith.constant 0 : i32
                  %dma_start3A_368 = tpu.memref_slice %arg7[%dma_start3A_366, %dma_start3A_367] : memref<8x14080xf32, #tpu.memory_space<vmem>> -> memref<8x128xf32, #tpu.memory_space<vmem>>
                  %dma_start3A_369 = tpu.memref_slice %arg5[%multiple_of3A, %multiple_of3A_365] : memref<64x100000xf32, #tpu.memory_space<hbm>> -> memref<8x128xf32, #tpu.memory_space<hbm>>
                  %dma_start3A_370 = arith.constant 0 : i32
                  %dma_start3A_371 = arith.constant 0 : i32
                  %dma_start3A_372 = tpu.memref_slice %arg7[%dma_start3A_370, %dma_start3A_371] : memref<8x14080xf32, #tpu.memory_space<vmem>> -> memref<8x128xf32, #tpu.memory_space<vmem>>
                  %dma_start3A_373 = tpu.memref_slice %arg5[%multiple_of3A, %multiple_of3A_365] : memref<64x100000xf32, #tpu.memory_space<hbm>> -> memref<8x128xf32, #tpu.memory_space<hbm>>
                  tpu.enqueue_dma source(%dma_start3A_373 : memref<8x128xf32, #tpu.memory_space<hbm>>) target(%dma_start3A_372 : memref<8x128xf32, #tpu.memory_space<vmem>>) target_semaphore(%arg13 : memref<!tpu.dma_semaphore, #tpu.memory_space<semaphore_mem>>)
                  %dma_wait3A_374 = arith.constant 0 : i32
                  %dma_wait3A_375 = arith.constant 0 : i32
                  %dma_wait3A_376 = tpu.memref_slice %arg7[%dma_wait3A_374, %dma_wait3A_375] : memref<8x14080xf32, #tpu.memory_space<vmem>> -> memref<8x128xf32, #tpu.memory_space<vmem>>
                  %dma_wait3A_377 = tpu.memref_slice %arg5[%multiple_of3A, %multiple_of3A_365] : memref<64x100000xf32, #tpu.memory_space<hbm>> -> memref<8x128xf32, #tpu.memory_space<hbm>>
                  %dma_wait3A_378 = arith.constant 0 : i32
                  %dma_wait3A_379 = arith.constant 0 : i32
                  %dma_wait3A_380 = tpu.memref_slice %arg7[%dma_wait3A_378, %dma_wait3A_379] : memref<8x14080xf32, #tpu.memory_space<vmem>> -> memref<8x128xf32, #tpu.memory_space<vmem>>
                  %dma_wait3A_381 = tpu.memref_slice %arg5[%multiple_of3A, %multiple_of3A_365] : memref<64x100000xf32, #tpu.memory_space<hbm>> -> memref<8x128xf32, #tpu.memory_space<hbm>>
                  tpu.wait_dma2 semaphore(%arg13 : memref<!tpu.dma_semaphore, #tpu.memory_space<semaphore_mem>>) src(%dma_wait3A_381 : memref<8x128xf32, #tpu.memory_space<hbm>>) dst(%dma_wait3A_380 : memref<8x128xf32, #tpu.memory_space<vmem>>)
                  %broadcast_in_dim3A_382 = arith.constant 0 : i32
                  %broadcast_in_dim3A_383 = vector.broadcast %broadcast_in_dim3A_382 : i32 to vector<16xi32>
                  %add3A_384 = vector.broadcast %scan3A_128 : i32 to vector<16xi32>
                  %add3A_385 = arith.addi %broadcast_in_dim3A_383, %add3A_384 : vector<16xi32>
                  %broadcast_in_dim3A_386 = arith.constant 0 : i32
                  %broadcast_in_dim3A_387 = vector.broadcast %broadcast_in_dim3A_386 : i32 to vector<16xi32>
                  %sub3A_388 = arith.subi %squeeze3A_318, %multiple_of3A_365 : i32
                  %add3A_389 = vector.broadcast %sub3A_388 : i32 to vector<16xi32>
                  %add3A_390 = arith.addi %broadcast_in_dim3A_387, %add3A_389 : vector<16xi32>
                  %eq3A_391 = arith.constant 0 : i32
                  %eq3A_392 = vector.broadcast %eq3A_391 : i32 to vector<16xi32>
                  %eq3A_393 = arith.cmpi eq, %iota3A, %eq3A_392 : vector<16xi32>
                  %scatter3A = arith.constant 0 : i32
                  %scatter3A_394 = arith.constant 0 : i32
                  %scatter3A_395 = tpu.memref_slice %arg7[%scatter3A, %scatter3A_394] : memref<8x14080xf32, #tpu.memory_space<vmem>> -> memref<8x128xf32, #tpu.memory_space<vmem>>
                  tpu.vector_store_idx %scatter3A_395[%add3A_385, %add3A_390], %broadcast_in_dim3A_33 masked %eq3A_393 : memref<8x128xf32, #tpu.memory_space<vmem>>[vector<16xi32>, vector<16xi32>], vector<16xf32>, vector<16xi1>
                  %dma_start3A_396 = arith.constant 0 : i32
                  %dma_start3A_397 = arith.constant 0 : i32
                  %dma_start3A_398 = tpu.memref_slice %arg7[%dma_start3A_396, %dma_start3A_397] : memref<8x14080xf32, #tpu.memory_space<vmem>> -> memref<8x128xf32, #tpu.memory_space<vmem>>
                  %dma_start3A_399 = tpu.memref_slice %arg5[%multiple_of3A, %multiple_of3A_365] : memref<64x100000xf32, #tpu.memory_space<hbm>> -> memref<8x128xf32, #tpu.memory_space<hbm>>
                  %dma_start3A_400 = tpu.memref_slice %arg5[%multiple_of3A, %multiple_of3A_365] : memref<64x100000xf32, #tpu.memory_space<hbm>> -> memref<8x128xf32, #tpu.memory_space<hbm>>
                  %dma_start3A_401 = arith.constant 0 : i32
                  %dma_start3A_402 = arith.constant 0 : i32
                  %dma_start3A_403 = tpu.memref_slice %arg7[%dma_start3A_401, %dma_start3A_402] : memref<8x14080xf32, #tpu.memory_space<vmem>> -> memref<8x128xf32, #tpu.memory_space<vmem>>
                  tpu.enqueue_dma source(%dma_start3A_403 : memref<8x128xf32, #tpu.memory_space<vmem>>) target(%dma_start3A_400 : memref<8x128xf32, #tpu.memory_space<hbm>>) target_semaphore(%arg13 : memref<!tpu.dma_semaphore, #tpu.memory_space<semaphore_mem>>)
                  %dma_wait3A_404 = arith.constant 0 : i32
                  %dma_wait3A_405 = arith.constant 0 : i32
                  %dma_wait3A_406 = tpu.memref_slice %arg7[%dma_wait3A_404, %dma_wait3A_405] : memref<8x14080xf32, #tpu.memory_space<vmem>> -> memref<8x128xf32, #tpu.memory_space<vmem>>
                  %dma_wait3A_407 = tpu.memref_slice %arg5[%multiple_of3A, %multiple_of3A_365] : memref<64x100000xf32, #tpu.memory_space<hbm>> -> memref<8x128xf32, #tpu.memory_space<hbm>>
                  %dma_wait3A_408 = tpu.memref_slice %arg5[%multiple_of3A, %multiple_of3A_365] : memref<64x100000xf32, #tpu.memory_space<hbm>> -> memref<8x128xf32, #tpu.memory_space<hbm>>
                  %dma_wait3A_409 = arith.constant 0 : i32
                  %dma_wait3A_410 = arith.constant 0 : i32
                  %dma_wait3A_411 = tpu.memref_slice %arg7[%dma_wait3A_409, %dma_wait3A_410] : memref<8x14080xf32, #tpu.memory_space<vmem>> -> memref<8x128xf32, #tpu.memory_space<vmem>>
                  tpu.wait_dma2 semaphore(%arg13 : memref<!tpu.dma_semaphore, #tpu.memory_space<semaphore_mem>>) src(%dma_wait3A_411 : memref<8x128xf32, #tpu.memory_space<vmem>>) dst(%dma_wait3A_408 : memref<8x128xf32, #tpu.memory_space<hbm>>)
                } else {
                }
                %convert_element_type3A_359 = arith.extui %ge3A_354 : i1 to i32
                %cond3A_360 = arith.constant 0 : i32
                %cond3A_361 = arith.cmpi ne, %convert_element_type3A_359, %cond3A_360 : i32
                scf.if %cond3A_361 {
                  %dma_start3A_362 = arith.constant 99968 : i32
                  %dma_start3A_363 = tpu.memref_slice %arg5[%multiple_of3A, %dma_start3A_362] : memref<64x100000xf32, #tpu.memory_space<hbm>> -> memref<8x32xf32, #tpu.memory_space<hbm>>
                  %dma_start3A_364 = arith.constant 99968 : i32
                  %dma_start3A_365 = tpu.memref_slice %arg5[%multiple_of3A, %dma_start3A_364] : memref<64x100000xf32, #tpu.memory_space<hbm>> -> memref<8x32xf32, #tpu.memory_space<hbm>>
                  tpu.enqueue_dma source(%dma_start3A_365 : memref<8x32xf32, #tpu.memory_space<hbm>>) target(%arg8 : memref<8x32xf32, #tpu.memory_space<vmem>>) target_semaphore(%arg13 : memref<!tpu.dma_semaphore, #tpu.memory_space<semaphore_mem>>)
                  %dma_wait3A_366 = arith.constant 99968 : i32
                  %dma_wait3A_367 = tpu.memref_slice %arg5[%multiple_of3A, %dma_wait3A_366] : memref<64x100000xf32, #tpu.memory_space<hbm>> -> memref<8x32xf32, #tpu.memory_space<hbm>>
                  %dma_wait3A_368 = arith.constant 99968 : i32
                  %dma_wait3A_369 = tpu.memref_slice %arg5[%multiple_of3A, %dma_wait3A_368] : memref<64x100000xf32, #tpu.memory_space<hbm>> -> memref<8x32xf32, #tpu.memory_space<hbm>>
                  tpu.wait_dma2 semaphore(%arg13 : memref<!tpu.dma_semaphore, #tpu.memory_space<semaphore_mem>>) src(%dma_wait3A_369 : memref<8x32xf32, #tpu.memory_space<hbm>>) dst(%arg8 : memref<8x32xf32, #tpu.memory_space<vmem>>)
                  %broadcast_in_dim3A_370 = arith.constant 0 : i32
                  %broadcast_in_dim3A_371 = vector.broadcast %broadcast_in_dim3A_370 : i32 to vector<16xi32>
                  %add3A_372 = vector.broadcast %scan3A_128 : i32 to vector<16xi32>
                  %add3A_373 = arith.addi %broadcast_in_dim3A_371, %add3A_372 : vector<16xi32>
                  %broadcast_in_dim3A_374 = arith.constant 0 : i32
                  %broadcast_in_dim3A_375 = vector.broadcast %broadcast_in_dim3A_374 : i32 to vector<16xi32>
                  %sub3A_376 = arith.constant 99968 : i32
                  %sub3A_377 = arith.subi %squeeze3A_318, %sub3A_376 : i32
                  %add3A_378 = vector.broadcast %sub3A_377 : i32 to vector<16xi32>
                  %add3A_379 = arith.addi %broadcast_in_dim3A_375, %add3A_378 : vector<16xi32>
                  %eq3A_380 = arith.constant 0 : i32
                  %eq3A_381 = vector.broadcast %eq3A_380 : i32 to vector<16xi32>
                  %eq3A_382 = arith.cmpi eq, %iota3A, %eq3A_381 : vector<16xi32>
                  tpu.vector_store_idx %arg8[%add3A_373, %add3A_379], %broadcast_in_dim3A_33 masked %eq3A_382 : memref<8x32xf32, #tpu.memory_space<vmem>>[vector<16xi32>, vector<16xi32>], vector<16xf32>, vector<16xi1>
                  %dma_start3A_383 = arith.constant 99968 : i32
                  %dma_start3A_384 = tpu.memref_slice %arg5[%multiple_of3A, %dma_start3A_383] : memref<64x100000xf32, #tpu.memory_space<hbm>> -> memref<8x32xf32, #tpu.memory_space<hbm>>
                  %dma_start3A_385 = arith.constant 99968 : i32
                  %dma_start3A_386 = tpu.memref_slice %arg5[%multiple_of3A, %dma_start3A_385] : memref<64x100000xf32, #tpu.memory_space<hbm>> -> memref<8x32xf32, #tpu.memory_space<hbm>>
                  tpu.enqueue_dma source(%arg8 : memref<8x32xf32, #tpu.memory_space<vmem>>) target(%dma_start3A_386 : memref<8x32xf32, #tpu.memory_space<hbm>>) target_semaphore(%arg13 : memref<!tpu.dma_semaphore, #tpu.memory_space<semaphore_mem>>)
                  %dma_wait3A_387 = arith.constant 99968 : i32
                  %dma_wait3A_388 = tpu.memref_slice %arg5[%multiple_of3A, %dma_wait3A_387] : memref<64x100000xf32, #tpu.memory_space<hbm>> -> memref<8x32xf32, #tpu.memory_space<hbm>>
                  %dma_wait3A_389 = arith.constant 99968 : i32
                  %dma_wait3A_390 = tpu.memref_slice %arg5[%multiple_of3A, %dma_wait3A_389] : memref<64x100000xf32, #tpu.memory_space<hbm>> -> memref<8x32xf32, #tpu.memory_space<hbm>>
                  tpu.wait_dma2 semaphore(%arg13 : memref<!tpu.dma_semaphore, #tpu.memory_space<semaphore_mem>>) src(%arg8 : memref<8x32xf32, #tpu.memory_space<vmem>>) dst(%dma_wait3A_390 : memref<8x32xf32, #tpu.memory_space<hbm>>)
                } else {
                }
              } else {
              }
              %slice3A_326 = vector.extract_strided_slice %gather3A_173 {offsets = [13], sizes = [1], strides = [1]} : vector<16xi32> to vector<1xi32>
              %squeeze3A_327 = vector.extract %slice3A_326[0] : i32 from vector<1xi32>
              %slice3A_328 = vector.extract_strided_slice %convert_element_type3A_195 {offsets = [13], sizes = [1], strides = [1]} : vector<16xi32> to vector<1xi32>
              %squeeze3A_329 = vector.extract %slice3A_328[0] : i32 from vector<1xi32>
              %ne3A_330 = arith.constant 0 : i32
              %ne3A_331 = arith.cmpi ne, %squeeze3A_329, %ne3A_330 : i32
              %convert_element_type3A_332 = arith.extui %ne3A_331 : i1 to i32
              %cond3A_333 = arith.constant 0 : i32
              %cond3A_334 = arith.cmpi ne, %convert_element_type3A_332, %cond3A_333 : i32
              scf.if %cond3A_334 {
                %ge3A_353 = arith.constant 99968 : i32
                %ge3A_354 = arith.cmpi sge, %squeeze3A_327, %ge3A_353 : i32
                %not3A = arith.constant true
                %not3A_355 = arith.xori %ge3A_354, %not3A : i1
                %convert_element_type3A_356 = arith.extui %not3A_355 : i1 to i32
                %cond3A_357 = arith.constant 0 : i32
                %cond3A_358 = arith.cmpi ne, %convert_element_type3A_356, %cond3A_357 : i32
                scf.if %cond3A_358 {
                  %shift_right_arithmetic3A_362 = arith.constant 7 : i32
                  %shift_right_arithmetic3A_363 = arith.shrsi %squeeze3A_327, %shift_right_arithmetic3A_362 : i32
                  %shift_left3A = arith.constant 7 : i32
                  %shift_left3A_364 = arith.shli %shift_right_arithmetic3A_363, %shift_left3A : i32
                  %multiple_of3A_365 = tpu.assume_multiple %shift_left3A_364, 128 : i32
                  %dma_start3A_366 = arith.constant 0 : i32
                  %dma_start3A_367 = arith.constant 0 : i32
                  %dma_start3A_368 = tpu.memref_slice %arg7[%dma_start3A_366, %dma_start3A_367] : memref<8x14080xf32, #tpu.memory_space<vmem>> -> memref<8x128xf32, #tpu.memory_space<vmem>>
                  %dma_start3A_369 = tpu.memref_slice %arg5[%multiple_of3A, %multiple_of3A_365] : memref<64x100000xf32, #tpu.memory_space<hbm>> -> memref<8x128xf32, #tpu.memory_space<hbm>>
                  %dma_start3A_370 = arith.constant 0 : i32
                  %dma_start3A_371 = arith.constant 0 : i32
                  %dma_start3A_372 = tpu.memref_slice %arg7[%dma_start3A_370, %dma_start3A_371] : memref<8x14080xf32, #tpu.memory_space<vmem>> -> memref<8x128xf32, #tpu.memory_space<vmem>>
                  %dma_start3A_373 = tpu.memref_slice %arg5[%multiple_of3A, %multiple_of3A_365] : memref<64x100000xf32, #tpu.memory_space<hbm>> -> memref<8x128xf32, #tpu.memory_space<hbm>>
                  tpu.enqueue_dma source(%dma_start3A_373 : memref<8x128xf32, #tpu.memory_space<hbm>>) target(%dma_start3A_372 : memref<8x128xf32, #tpu.memory_space<vmem>>) target_semaphore(%arg13 : memref<!tpu.dma_semaphore, #tpu.memory_space<semaphore_mem>>)
                  %dma_wait3A_374 = arith.constant 0 : i32
                  %dma_wait3A_375 = arith.constant 0 : i32
                  %dma_wait3A_376 = tpu.memref_slice %arg7[%dma_wait3A_374, %dma_wait3A_375] : memref<8x14080xf32, #tpu.memory_space<vmem>> -> memref<8x128xf32, #tpu.memory_space<vmem>>
                  %dma_wait3A_377 = tpu.memref_slice %arg5[%multiple_of3A, %multiple_of3A_365] : memref<64x100000xf32, #tpu.memory_space<hbm>> -> memref<8x128xf32, #tpu.memory_space<hbm>>
                  %dma_wait3A_378 = arith.constant 0 : i32
                  %dma_wait3A_379 = arith.constant 0 : i32
                  %dma_wait3A_380 = tpu.memref_slice %arg7[%dma_wait3A_378, %dma_wait3A_379] : memref<8x14080xf32, #tpu.memory_space<vmem>> -> memref<8x128xf32, #tpu.memory_space<vmem>>
                  %dma_wait3A_381 = tpu.memref_slice %arg5[%multiple_of3A, %multiple_of3A_365] : memref<64x100000xf32, #tpu.memory_space<hbm>> -> memref<8x128xf32, #tpu.memory_space<hbm>>
                  tpu.wait_dma2 semaphore(%arg13 : memref<!tpu.dma_semaphore, #tpu.memory_space<semaphore_mem>>) src(%dma_wait3A_381 : memref<8x128xf32, #tpu.memory_space<hbm>>) dst(%dma_wait3A_380 : memref<8x128xf32, #tpu.memory_space<vmem>>)
                  %broadcast_in_dim3A_382 = arith.constant 0 : i32
                  %broadcast_in_dim3A_383 = vector.broadcast %broadcast_in_dim3A_382 : i32 to vector<16xi32>
                  %add3A_384 = vector.broadcast %scan3A_128 : i32 to vector<16xi32>
                  %add3A_385 = arith.addi %broadcast_in_dim3A_383, %add3A_384 : vector<16xi32>
                  %broadcast_in_dim3A_386 = arith.constant 0 : i32
                  %broadcast_in_dim3A_387 = vector.broadcast %broadcast_in_dim3A_386 : i32 to vector<16xi32>
                  %sub3A_388 = arith.subi %squeeze3A_327, %multiple_of3A_365 : i32
                  %add3A_389 = vector.broadcast %sub3A_388 : i32 to vector<16xi32>
                  %add3A_390 = arith.addi %broadcast_in_dim3A_387, %add3A_389 : vector<16xi32>
                  %eq3A_391 = arith.constant 0 : i32
                  %eq3A_392 = vector.broadcast %eq3A_391 : i32 to vector<16xi32>
                  %eq3A_393 = arith.cmpi eq, %iota3A, %eq3A_392 : vector<16xi32>
                  %scatter3A = arith.constant 0 : i32
                  %scatter3A_394 = arith.constant 0 : i32
                  %scatter3A_395 = tpu.memref_slice %arg7[%scatter3A, %scatter3A_394] : memref<8x14080xf32, #tpu.memory_space<vmem>> -> memref<8x128xf32, #tpu.memory_space<vmem>>
                  tpu.vector_store_idx %scatter3A_395[%add3A_385, %add3A_390], %broadcast_in_dim3A_33 masked %eq3A_393 : memref<8x128xf32, #tpu.memory_space<vmem>>[vector<16xi32>, vector<16xi32>], vector<16xf32>, vector<16xi1>
                  %dma_start3A_396 = arith.constant 0 : i32
                  %dma_start3A_397 = arith.constant 0 : i32
                  %dma_start3A_398 = tpu.memref_slice %arg7[%dma_start3A_396, %dma_start3A_397] : memref<8x14080xf32, #tpu.memory_space<vmem>> -> memref<8x128xf32, #tpu.memory_space<vmem>>
                  %dma_start3A_399 = tpu.memref_slice %arg5[%multiple_of3A, %multiple_of3A_365] : memref<64x100000xf32, #tpu.memory_space<hbm>> -> memref<8x128xf32, #tpu.memory_space<hbm>>
                  %dma_start3A_400 = tpu.memref_slice %arg5[%multiple_of3A, %multiple_of3A_365] : memref<64x100000xf32, #tpu.memory_space<hbm>> -> memref<8x128xf32, #tpu.memory_space<hbm>>
                  %dma_start3A_401 = arith.constant 0 : i32
                  %dma_start3A_402 = arith.constant 0 : i32
                  %dma_start3A_403 = tpu.memref_slice %arg7[%dma_start3A_401, %dma_start3A_402] : memref<8x14080xf32, #tpu.memory_space<vmem>> -> memref<8x128xf32, #tpu.memory_space<vmem>>
                  tpu.enqueue_dma source(%dma_start3A_403 : memref<8x128xf32, #tpu.memory_space<vmem>>) target(%dma_start3A_400 : memref<8x128xf32, #tpu.memory_space<hbm>>) target_semaphore(%arg13 : memref<!tpu.dma_semaphore, #tpu.memory_space<semaphore_mem>>)
                  %dma_wait3A_404 = arith.constant 0 : i32
                  %dma_wait3A_405 = arith.constant 0 : i32
                  %dma_wait3A_406 = tpu.memref_slice %arg7[%dma_wait3A_404, %dma_wait3A_405] : memref<8x14080xf32, #tpu.memory_space<vmem>> -> memref<8x128xf32, #tpu.memory_space<vmem>>
                  %dma_wait3A_407 = tpu.memref_slice %arg5[%multiple_of3A, %multiple_of3A_365] : memref<64x100000xf32, #tpu.memory_space<hbm>> -> memref<8x128xf32, #tpu.memory_space<hbm>>
                  %dma_wait3A_408 = tpu.memref_slice %arg5[%multiple_of3A, %multiple_of3A_365] : memref<64x100000xf32, #tpu.memory_space<hbm>> -> memref<8x128xf32, #tpu.memory_space<hbm>>
                  %dma_wait3A_409 = arith.constant 0 : i32
                  %dma_wait3A_410 = arith.constant 0 : i32
                  %dma_wait3A_411 = tpu.memref_slice %arg7[%dma_wait3A_409, %dma_wait3A_410] : memref<8x14080xf32, #tpu.memory_space<vmem>> -> memref<8x128xf32, #tpu.memory_space<vmem>>
                  tpu.wait_dma2 semaphore(%arg13 : memref<!tpu.dma_semaphore, #tpu.memory_space<semaphore_mem>>) src(%dma_wait3A_411 : memref<8x128xf32, #tpu.memory_space<vmem>>) dst(%dma_wait3A_408 : memref<8x128xf32, #tpu.memory_space<hbm>>)
                } else {
                }
                %convert_element_type3A_359 = arith.extui %ge3A_354 : i1 to i32
                %cond3A_360 = arith.constant 0 : i32
                %cond3A_361 = arith.cmpi ne, %convert_element_type3A_359, %cond3A_360 : i32
                scf.if %cond3A_361 {
                  %dma_start3A_362 = arith.constant 99968 : i32
                  %dma_start3A_363 = tpu.memref_slice %arg5[%multiple_of3A, %dma_start3A_362] : memref<64x100000xf32, #tpu.memory_space<hbm>> -> memref<8x32xf32, #tpu.memory_space<hbm>>
                  %dma_start3A_364 = arith.constant 99968 : i32
                  %dma_start3A_365 = tpu.memref_slice %arg5[%multiple_of3A, %dma_start3A_364] : memref<64x100000xf32, #tpu.memory_space<hbm>> -> memref<8x32xf32, #tpu.memory_space<hbm>>
                  tpu.enqueue_dma source(%dma_start3A_365 : memref<8x32xf32, #tpu.memory_space<hbm>>) target(%arg8 : memref<8x32xf32, #tpu.memory_space<vmem>>) target_semaphore(%arg13 : memref<!tpu.dma_semaphore, #tpu.memory_space<semaphore_mem>>)
                  %dma_wait3A_366 = arith.constant 99968 : i32
                  %dma_wait3A_367 = tpu.memref_slice %arg5[%multiple_of3A, %dma_wait3A_366] : memref<64x100000xf32, #tpu.memory_space<hbm>> -> memref<8x32xf32, #tpu.memory_space<hbm>>
                  %dma_wait3A_368 = arith.constant 99968 : i32
                  %dma_wait3A_369 = tpu.memref_slice %arg5[%multiple_of3A, %dma_wait3A_368] : memref<64x100000xf32, #tpu.memory_space<hbm>> -> memref<8x32xf32, #tpu.memory_space<hbm>>
                  tpu.wait_dma2 semaphore(%arg13 : memref<!tpu.dma_semaphore, #tpu.memory_space<semaphore_mem>>) src(%dma_wait3A_369 : memref<8x32xf32, #tpu.memory_space<hbm>>) dst(%arg8 : memref<8x32xf32, #tpu.memory_space<vmem>>)
                  %broadcast_in_dim3A_370 = arith.constant 0 : i32
                  %broadcast_in_dim3A_371 = vector.broadcast %broadcast_in_dim3A_370 : i32 to vector<16xi32>
                  %add3A_372 = vector.broadcast %scan3A_128 : i32 to vector<16xi32>
                  %add3A_373 = arith.addi %broadcast_in_dim3A_371, %add3A_372 : vector<16xi32>
                  %broadcast_in_dim3A_374 = arith.constant 0 : i32
                  %broadcast_in_dim3A_375 = vector.broadcast %broadcast_in_dim3A_374 : i32 to vector<16xi32>
                  %sub3A_376 = arith.constant 99968 : i32
                  %sub3A_377 = arith.subi %squeeze3A_327, %sub3A_376 : i32
                  %add3A_378 = vector.broadcast %sub3A_377 : i32 to vector<16xi32>
                  %add3A_379 = arith.addi %broadcast_in_dim3A_375, %add3A_378 : vector<16xi32>
                  %eq3A_380 = arith.constant 0 : i32
                  %eq3A_381 = vector.broadcast %eq3A_380 : i32 to vector<16xi32>
                  %eq3A_382 = arith.cmpi eq, %iota3A, %eq3A_381 : vector<16xi32>
                  tpu.vector_store_idx %arg8[%add3A_373, %add3A_379], %broadcast_in_dim3A_33 masked %eq3A_382 : memref<8x32xf32, #tpu.memory_space<vmem>>[vector<16xi32>, vector<16xi32>], vector<16xf32>, vector<16xi1>
                  %dma_start3A_383 = arith.constant 99968 : i32
                  %dma_start3A_384 = tpu.memref_slice %arg5[%multiple_of3A, %dma_start3A_383] : memref<64x100000xf32, #tpu.memory_space<hbm>> -> memref<8x32xf32, #tpu.memory_space<hbm>>
                  %dma_start3A_385 = arith.constant 99968 : i32
                  %dma_start3A_386 = tpu.memref_slice %arg5[%multiple_of3A, %dma_start3A_385] : memref<64x100000xf32, #tpu.memory_space<hbm>> -> memref<8x32xf32, #tpu.memory_space<hbm>>
                  tpu.enqueue_dma source(%arg8 : memref<8x32xf32, #tpu.memory_space<vmem>>) target(%dma_start3A_386 : memref<8x32xf32, #tpu.memory_space<hbm>>) target_semaphore(%arg13 : memref<!tpu.dma_semaphore, #tpu.memory_space<semaphore_mem>>)
                  %dma_wait3A_387 = arith.constant 99968 : i32
                  %dma_wait3A_388 = tpu.memref_slice %arg5[%multiple_of3A, %dma_wait3A_387] : memref<64x100000xf32, #tpu.memory_space<hbm>> -> memref<8x32xf32, #tpu.memory_space<hbm>>
                  %dma_wait3A_389 = arith.constant 99968 : i32
                  %dma_wait3A_390 = tpu.memref_slice %arg5[%multiple_of3A, %dma_wait3A_389] : memref<64x100000xf32, #tpu.memory_space<hbm>> -> memref<8x32xf32, #tpu.memory_space<hbm>>
                  tpu.wait_dma2 semaphore(%arg13 : memref<!tpu.dma_semaphore, #tpu.memory_space<semaphore_mem>>) src(%arg8 : memref<8x32xf32, #tpu.memory_space<vmem>>) dst(%dma_wait3A_390 : memref<8x32xf32, #tpu.memory_space<hbm>>)
                } else {
                }
              } else {
              }
              %slice3A_335 = vector.extract_strided_slice %gather3A_173 {offsets = [14], sizes = [1], strides = [1]} : vector<16xi32> to vector<1xi32>
              %squeeze3A_336 = vector.extract %slice3A_335[0] : i32 from vector<1xi32>
              %slice3A_337 = vector.extract_strided_slice %convert_element_type3A_195 {offsets = [14], sizes = [1], strides = [1]} : vector<16xi32> to vector<1xi32>
              %squeeze3A_338 = vector.extract %slice3A_337[0] : i32 from vector<1xi32>
              %ne3A_339 = arith.constant 0 : i32
              %ne3A_340 = arith.cmpi ne, %squeeze3A_338, %ne3A_339 : i32
              %convert_element_type3A_341 = arith.extui %ne3A_340 : i1 to i32
              %cond3A_342 = arith.constant 0 : i32
              %cond3A_343 = arith.cmpi ne, %convert_element_type3A_341, %cond3A_342 : i32
              scf.if %cond3A_343 {
                %ge3A_353 = arith.constant 99968 : i32
                %ge3A_354 = arith.cmpi sge, %squeeze3A_336, %ge3A_353 : i32
                %not3A = arith.constant true
                %not3A_355 = arith.xori %ge3A_354, %not3A : i1
                %convert_element_type3A_356 = arith.extui %not3A_355 : i1 to i32
                %cond3A_357 = arith.constant 0 : i32
                %cond3A_358 = arith.cmpi ne, %convert_element_type3A_356, %cond3A_357 : i32
                scf.if %cond3A_358 {
                  %shift_right_arithmetic3A_362 = arith.constant 7 : i32
                  %shift_right_arithmetic3A_363 = arith.shrsi %squeeze3A_336, %shift_right_arithmetic3A_362 : i32
                  %shift_left3A = arith.constant 7 : i32
                  %shift_left3A_364 = arith.shli %shift_right_arithmetic3A_363, %shift_left3A : i32
                  %multiple_of3A_365 = tpu.assume_multiple %shift_left3A_364, 128 : i32
                  %dma_start3A_366 = arith.constant 0 : i32
                  %dma_start3A_367 = arith.constant 0 : i32
                  %dma_start3A_368 = tpu.memref_slice %arg7[%dma_start3A_366, %dma_start3A_367] : memref<8x14080xf32, #tpu.memory_space<vmem>> -> memref<8x128xf32, #tpu.memory_space<vmem>>
                  %dma_start3A_369 = tpu.memref_slice %arg5[%multiple_of3A, %multiple_of3A_365] : memref<64x100000xf32, #tpu.memory_space<hbm>> -> memref<8x128xf32, #tpu.memory_space<hbm>>
                  %dma_start3A_370 = arith.constant 0 : i32
                  %dma_start3A_371 = arith.constant 0 : i32
                  %dma_start3A_372 = tpu.memref_slice %arg7[%dma_start3A_370, %dma_start3A_371] : memref<8x14080xf32, #tpu.memory_space<vmem>> -> memref<8x128xf32, #tpu.memory_space<vmem>>
                  %dma_start3A_373 = tpu.memref_slice %arg5[%multiple_of3A, %multiple_of3A_365] : memref<64x100000xf32, #tpu.memory_space<hbm>> -> memref<8x128xf32, #tpu.memory_space<hbm>>
                  tpu.enqueue_dma source(%dma_start3A_373 : memref<8x128xf32, #tpu.memory_space<hbm>>) target(%dma_start3A_372 : memref<8x128xf32, #tpu.memory_space<vmem>>) target_semaphore(%arg13 : memref<!tpu.dma_semaphore, #tpu.memory_space<semaphore_mem>>)
                  %dma_wait3A_374 = arith.constant 0 : i32
                  %dma_wait3A_375 = arith.constant 0 : i32
                  %dma_wait3A_376 = tpu.memref_slice %arg7[%dma_wait3A_374, %dma_wait3A_375] : memref<8x14080xf32, #tpu.memory_space<vmem>> -> memref<8x128xf32, #tpu.memory_space<vmem>>
                  %dma_wait3A_377 = tpu.memref_slice %arg5[%multiple_of3A, %multiple_of3A_365] : memref<64x100000xf32, #tpu.memory_space<hbm>> -> memref<8x128xf32, #tpu.memory_space<hbm>>
                  %dma_wait3A_378 = arith.constant 0 : i32
                  %dma_wait3A_379 = arith.constant 0 : i32
                  %dma_wait3A_380 = tpu.memref_slice %arg7[%dma_wait3A_378, %dma_wait3A_379] : memref<8x14080xf32, #tpu.memory_space<vmem>> -> memref<8x128xf32, #tpu.memory_space<vmem>>
                  %dma_wait3A_381 = tpu.memref_slice %arg5[%multiple_of3A, %multiple_of3A_365] : memref<64x100000xf32, #tpu.memory_space<hbm>> -> memref<8x128xf32, #tpu.memory_space<hbm>>
                  tpu.wait_dma2 semaphore(%arg13 : memref<!tpu.dma_semaphore, #tpu.memory_space<semaphore_mem>>) src(%dma_wait3A_381 : memref<8x128xf32, #tpu.memory_space<hbm>>) dst(%dma_wait3A_380 : memref<8x128xf32, #tpu.memory_space<vmem>>)
                  %broadcast_in_dim3A_382 = arith.constant 0 : i32
                  %broadcast_in_dim3A_383 = vector.broadcast %broadcast_in_dim3A_382 : i32 to vector<16xi32>
                  %add3A_384 = vector.broadcast %scan3A_128 : i32 to vector<16xi32>
                  %add3A_385 = arith.addi %broadcast_in_dim3A_383, %add3A_384 : vector<16xi32>
                  %broadcast_in_dim3A_386 = arith.constant 0 : i32
                  %broadcast_in_dim3A_387 = vector.broadcast %broadcast_in_dim3A_386 : i32 to vector<16xi32>
                  %sub3A_388 = arith.subi %squeeze3A_336, %multiple_of3A_365 : i32
                  %add3A_389 = vector.broadcast %sub3A_388 : i32 to vector<16xi32>
                  %add3A_390 = arith.addi %broadcast_in_dim3A_387, %add3A_389 : vector<16xi32>
                  %eq3A_391 = arith.constant 0 : i32
                  %eq3A_392 = vector.broadcast %eq3A_391 : i32 to vector<16xi32>
                  %eq3A_393 = arith.cmpi eq, %iota3A, %eq3A_392 : vector<16xi32>
                  %scatter3A = arith.constant 0 : i32
                  %scatter3A_394 = arith.constant 0 : i32
                  %scatter3A_395 = tpu.memref_slice %arg7[%scatter3A, %scatter3A_394] : memref<8x14080xf32, #tpu.memory_space<vmem>> -> memref<8x128xf32, #tpu.memory_space<vmem>>
                  tpu.vector_store_idx %scatter3A_395[%add3A_385, %add3A_390], %broadcast_in_dim3A_33 masked %eq3A_393 : memref<8x128xf32, #tpu.memory_space<vmem>>[vector<16xi32>, vector<16xi32>], vector<16xf32>, vector<16xi1>
                  %dma_start3A_396 = arith.constant 0 : i32
                  %dma_start3A_397 = arith.constant 0 : i32
                  %dma_start3A_398 = tpu.memref_slice %arg7[%dma_start3A_396, %dma_start3A_397] : memref<8x14080xf32, #tpu.memory_space<vmem>> -> memref<8x128xf32, #tpu.memory_space<vmem>>
                  %dma_start3A_399 = tpu.memref_slice %arg5[%multiple_of3A, %multiple_of3A_365] : memref<64x100000xf32, #tpu.memory_space<hbm>> -> memref<8x128xf32, #tpu.memory_space<hbm>>
                  %dma_start3A_400 = tpu.memref_slice %arg5[%multiple_of3A, %multiple_of3A_365] : memref<64x100000xf32, #tpu.memory_space<hbm>> -> memref<8x128xf32, #tpu.memory_space<hbm>>
                  %dma_start3A_401 = arith.constant 0 : i32
                  %dma_start3A_402 = arith.constant 0 : i32
                  %dma_start3A_403 = tpu.memref_slice %arg7[%dma_start3A_401, %dma_start3A_402] : memref<8x14080xf32, #tpu.memory_space<vmem>> -> memref<8x128xf32, #tpu.memory_space<vmem>>
                  tpu.enqueue_dma source(%dma_start3A_403 : memref<8x128xf32, #tpu.memory_space<vmem>>) target(%dma_start3A_400 : memref<8x128xf32, #tpu.memory_space<hbm>>) target_semaphore(%arg13 : memref<!tpu.dma_semaphore, #tpu.memory_space<semaphore_mem>>)
                  %dma_wait3A_404 = arith.constant 0 : i32
                  %dma_wait3A_405 = arith.constant 0 : i32
                  %dma_wait3A_406 = tpu.memref_slice %arg7[%dma_wait3A_404, %dma_wait3A_405] : memref<8x14080xf32, #tpu.memory_space<vmem>> -> memref<8x128xf32, #tpu.memory_space<vmem>>
                  %dma_wait3A_407 = tpu.memref_slice %arg5[%multiple_of3A, %multiple_of3A_365] : memref<64x100000xf32, #tpu.memory_space<hbm>> -> memref<8x128xf32, #tpu.memory_space<hbm>>
                  %dma_wait3A_408 = tpu.memref_slice %arg5[%multiple_of3A, %multiple_of3A_365] : memref<64x100000xf32, #tpu.memory_space<hbm>> -> memref<8x128xf32, #tpu.memory_space<hbm>>
                  %dma_wait3A_409 = arith.constant 0 : i32
                  %dma_wait3A_410 = arith.constant 0 : i32
                  %dma_wait3A_411 = tpu.memref_slice %arg7[%dma_wait3A_409, %dma_wait3A_410] : memref<8x14080xf32, #tpu.memory_space<vmem>> -> memref<8x128xf32, #tpu.memory_space<vmem>>
                  tpu.wait_dma2 semaphore(%arg13 : memref<!tpu.dma_semaphore, #tpu.memory_space<semaphore_mem>>) src(%dma_wait3A_411 : memref<8x128xf32, #tpu.memory_space<vmem>>) dst(%dma_wait3A_408 : memref<8x128xf32, #tpu.memory_space<hbm>>)
                } else {
                }
                %convert_element_type3A_359 = arith.extui %ge3A_354 : i1 to i32
                %cond3A_360 = arith.constant 0 : i32
                %cond3A_361 = arith.cmpi ne, %convert_element_type3A_359, %cond3A_360 : i32
                scf.if %cond3A_361 {
                  %dma_start3A_362 = arith.constant 99968 : i32
                  %dma_start3A_363 = tpu.memref_slice %arg5[%multiple_of3A, %dma_start3A_362] : memref<64x100000xf32, #tpu.memory_space<hbm>> -> memref<8x32xf32, #tpu.memory_space<hbm>>
                  %dma_start3A_364 = arith.constant 99968 : i32
                  %dma_start3A_365 = tpu.memref_slice %arg5[%multiple_of3A, %dma_start3A_364] : memref<64x100000xf32, #tpu.memory_space<hbm>> -> memref<8x32xf32, #tpu.memory_space<hbm>>
                  tpu.enqueue_dma source(%dma_start3A_365 : memref<8x32xf32, #tpu.memory_space<hbm>>) target(%arg8 : memref<8x32xf32, #tpu.memory_space<vmem>>) target_semaphore(%arg13 : memref<!tpu.dma_semaphore, #tpu.memory_space<semaphore_mem>>)
                  %dma_wait3A_366 = arith.constant 99968 : i32
                  %dma_wait3A_367 = tpu.memref_slice %arg5[%multiple_of3A, %dma_wait3A_366] : memref<64x100000xf32, #tpu.memory_space<hbm>> -> memref<8x32xf32, #tpu.memory_space<hbm>>
                  %dma_wait3A_368 = arith.constant 99968 : i32
                  %dma_wait3A_369 = tpu.memref_slice %arg5[%multiple_of3A, %dma_wait3A_368] : memref<64x100000xf32, #tpu.memory_space<hbm>> -> memref<8x32xf32, #tpu.memory_space<hbm>>
                  tpu.wait_dma2 semaphore(%arg13 : memref<!tpu.dma_semaphore, #tpu.memory_space<semaphore_mem>>) src(%dma_wait3A_369 : memref<8x32xf32, #tpu.memory_space<hbm>>) dst(%arg8 : memref<8x32xf32, #tpu.memory_space<vmem>>)
                  %broadcast_in_dim3A_370 = arith.constant 0 : i32
                  %broadcast_in_dim3A_371 = vector.broadcast %broadcast_in_dim3A_370 : i32 to vector<16xi32>
                  %add3A_372 = vector.broadcast %scan3A_128 : i32 to vector<16xi32>
                  %add3A_373 = arith.addi %broadcast_in_dim3A_371, %add3A_372 : vector<16xi32>
                  %broadcast_in_dim3A_374 = arith.constant 0 : i32
                  %broadcast_in_dim3A_375 = vector.broadcast %broadcast_in_dim3A_374 : i32 to vector<16xi32>
                  %sub3A_376 = arith.constant 99968 : i32
                  %sub3A_377 = arith.subi %squeeze3A_336, %sub3A_376 : i32
                  %add3A_378 = vector.broadcast %sub3A_377 : i32 to vector<16xi32>
                  %add3A_379 = arith.addi %broadcast_in_dim3A_375, %add3A_378 : vector<16xi32>
                  %eq3A_380 = arith.constant 0 : i32
                  %eq3A_381 = vector.broadcast %eq3A_380 : i32 to vector<16xi32>
                  %eq3A_382 = arith.cmpi eq, %iota3A, %eq3A_381 : vector<16xi32>
                  tpu.vector_store_idx %arg8[%add3A_373, %add3A_379], %broadcast_in_dim3A_33 masked %eq3A_382 : memref<8x32xf32, #tpu.memory_space<vmem>>[vector<16xi32>, vector<16xi32>], vector<16xf32>, vector<16xi1>
                  %dma_start3A_383 = arith.constant 99968 : i32
                  %dma_start3A_384 = tpu.memref_slice %arg5[%multiple_of3A, %dma_start3A_383] : memref<64x100000xf32, #tpu.memory_space<hbm>> -> memref<8x32xf32, #tpu.memory_space<hbm>>
                  %dma_start3A_385 = arith.constant 99968 : i32
                  %dma_start3A_386 = tpu.memref_slice %arg5[%multiple_of3A, %dma_start3A_385] : memref<64x100000xf32, #tpu.memory_space<hbm>> -> memref<8x32xf32, #tpu.memory_space<hbm>>
                  tpu.enqueue_dma source(%arg8 : memref<8x32xf32, #tpu.memory_space<vmem>>) target(%dma_start3A_386 : memref<8x32xf32, #tpu.memory_space<hbm>>) target_semaphore(%arg13 : memref<!tpu.dma_semaphore, #tpu.memory_space<semaphore_mem>>)
                  %dma_wait3A_387 = arith.constant 99968 : i32
                  %dma_wait3A_388 = tpu.memref_slice %arg5[%multiple_of3A, %dma_wait3A_387] : memref<64x100000xf32, #tpu.memory_space<hbm>> -> memref<8x32xf32, #tpu.memory_space<hbm>>
                  %dma_wait3A_389 = arith.constant 99968 : i32
                  %dma_wait3A_390 = tpu.memref_slice %arg5[%multiple_of3A, %dma_wait3A_389] : memref<64x100000xf32, #tpu.memory_space<hbm>> -> memref<8x32xf32, #tpu.memory_space<hbm>>
                  tpu.wait_dma2 semaphore(%arg13 : memref<!tpu.dma_semaphore, #tpu.memory_space<semaphore_mem>>) src(%arg8 : memref<8x32xf32, #tpu.memory_space<vmem>>) dst(%dma_wait3A_390 : memref<8x32xf32, #tpu.memory_space<hbm>>)
                } else {
                }
              } else {
              }
              %slice3A_344 = vector.extract_strided_slice %gather3A_173 {offsets = [15], sizes = [1], strides = [1]} : vector<16xi32> to vector<1xi32>
              %squeeze3A_345 = vector.extract %slice3A_344[0] : i32 from vector<1xi32>
              %slice3A_346 = vector.extract_strided_slice %convert_element_type3A_195 {offsets = [15], sizes = [1], strides = [1]} : vector<16xi32> to vector<1xi32>
              %squeeze3A_347 = vector.extract %slice3A_346[0] : i32 from vector<1xi32>
              %ne3A_348 = arith.constant 0 : i32
              %ne3A_349 = arith.cmpi ne, %squeeze3A_347, %ne3A_348 : i32
              %convert_element_type3A_350 = arith.extui %ne3A_349 : i1 to i32
              %cond3A_351 = arith.constant 0 : i32
              %cond3A_352 = arith.cmpi ne, %convert_element_type3A_350, %cond3A_351 : i32
              scf.if %cond3A_352 {
                %ge3A_353 = arith.constant 99968 : i32
                %ge3A_354 = arith.cmpi sge, %squeeze3A_345, %ge3A_353 : i32
                %not3A = arith.constant true
                %not3A_355 = arith.xori %ge3A_354, %not3A : i1
                %convert_element_type3A_356 = arith.extui %not3A_355 : i1 to i32
                %cond3A_357 = arith.constant 0 : i32
                %cond3A_358 = arith.cmpi ne, %convert_element_type3A_356, %cond3A_357 : i32
                scf.if %cond3A_358 {
                  %shift_right_arithmetic3A_362 = arith.constant 7 : i32
                  %shift_right_arithmetic3A_363 = arith.shrsi %squeeze3A_345, %shift_right_arithmetic3A_362 : i32
                  %shift_left3A = arith.constant 7 : i32
                  %shift_left3A_364 = arith.shli %shift_right_arithmetic3A_363, %shift_left3A : i32
                  %multiple_of3A_365 = tpu.assume_multiple %shift_left3A_364, 128 : i32
                  %dma_start3A_366 = arith.constant 0 : i32
                  %dma_start3A_367 = arith.constant 0 : i32
                  %dma_start3A_368 = tpu.memref_slice %arg7[%dma_start3A_366, %dma_start3A_367] : memref<8x14080xf32, #tpu.memory_space<vmem>> -> memref<8x128xf32, #tpu.memory_space<vmem>>
                  %dma_start3A_369 = tpu.memref_slice %arg5[%multiple_of3A, %multiple_of3A_365] : memref<64x100000xf32, #tpu.memory_space<hbm>> -> memref<8x128xf32, #tpu.memory_space<hbm>>
                  %dma_start3A_370 = arith.constant 0 : i32
                  %dma_start3A_371 = arith.constant 0 : i32
                  %dma_start3A_372 = tpu.memref_slice %arg7[%dma_start3A_370, %dma_start3A_371] : memref<8x14080xf32, #tpu.memory_space<vmem>> -> memref<8x128xf32, #tpu.memory_space<vmem>>
                  %dma_start3A_373 = tpu.memref_slice %arg5[%multiple_of3A, %multiple_of3A_365] : memref<64x100000xf32, #tpu.memory_space<hbm>> -> memref<8x128xf32, #tpu.memory_space<hbm>>
                  tpu.enqueue_dma source(%dma_start3A_373 : memref<8x128xf32, #tpu.memory_space<hbm>>) target(%dma_start3A_372 : memref<8x128xf32, #tpu.memory_space<vmem>>) target_semaphore(%arg13 : memref<!tpu.dma_semaphore, #tpu.memory_space<semaphore_mem>>)
                  %dma_wait3A_374 = arith.constant 0 : i32
                  %dma_wait3A_375 = arith.constant 0 : i32
                  %dma_wait3A_376 = tpu.memref_slice %arg7[%dma_wait3A_374, %dma_wait3A_375] : memref<8x14080xf32, #tpu.memory_space<vmem>> -> memref<8x128xf32, #tpu.memory_space<vmem>>
                  %dma_wait3A_377 = tpu.memref_slice %arg5[%multiple_of3A, %multiple_of3A_365] : memref<64x100000xf32, #tpu.memory_space<hbm>> -> memref<8x128xf32, #tpu.memory_space<hbm>>
                  %dma_wait3A_378 = arith.constant 0 : i32
                  %dma_wait3A_379 = arith.constant 0 : i32
                  %dma_wait3A_380 = tpu.memref_slice %arg7[%dma_wait3A_378, %dma_wait3A_379] : memref<8x14080xf32, #tpu.memory_space<vmem>> -> memref<8x128xf32, #tpu.memory_space<vmem>>
                  %dma_wait3A_381 = tpu.memref_slice %arg5[%multiple_of3A, %multiple_of3A_365] : memref<64x100000xf32, #tpu.memory_space<hbm>> -> memref<8x128xf32, #tpu.memory_space<hbm>>
                  tpu.wait_dma2 semaphore(%arg13 : memref<!tpu.dma_semaphore, #tpu.memory_space<semaphore_mem>>) src(%dma_wait3A_381 : memref<8x128xf32, #tpu.memory_space<hbm>>) dst(%dma_wait3A_380 : memref<8x128xf32, #tpu.memory_space<vmem>>)
                  %broadcast_in_dim3A_382 = arith.constant 0 : i32
                  %broadcast_in_dim3A_383 = vector.broadcast %broadcast_in_dim3A_382 : i32 to vector<16xi32>
                  %add3A_384 = vector.broadcast %scan3A_128 : i32 to vector<16xi32>
                  %add3A_385 = arith.addi %broadcast_in_dim3A_383, %add3A_384 : vector<16xi32>
                  %broadcast_in_dim3A_386 = arith.constant 0 : i32
                  %broadcast_in_dim3A_387 = vector.broadcast %broadcast_in_dim3A_386 : i32 to vector<16xi32>
                  %sub3A_388 = arith.subi %squeeze3A_345, %multiple_of3A_365 : i32
                  %add3A_389 = vector.broadcast %sub3A_388 : i32 to vector<16xi32>
                  %add3A_390 = arith.addi %broadcast_in_dim3A_387, %add3A_389 : vector<16xi32>
                  %eq3A_391 = arith.constant 0 : i32
                  %eq3A_392 = vector.broadcast %eq3A_391 : i32 to vector<16xi32>
                  %eq3A_393 = arith.cmpi eq, %iota3A, %eq3A_392 : vector<16xi32>
                  %scatter3A = arith.constant 0 : i32
                  %scatter3A_394 = arith.constant 0 : i32
                  %scatter3A_395 = tpu.memref_slice %arg7[%scatter3A, %scatter3A_394] : memref<8x14080xf32, #tpu.memory_space<vmem>> -> memref<8x128xf32, #tpu.memory_space<vmem>>
                  tpu.vector_store_idx %scatter3A_395[%add3A_385, %add3A_390], %broadcast_in_dim3A_33 masked %eq3A_393 : memref<8x128xf32, #tpu.memory_space<vmem>>[vector<16xi32>, vector<16xi32>], vector<16xf32>, vector<16xi1>
                  %dma_start3A_396 = arith.constant 0 : i32
                  %dma_start3A_397 = arith.constant 0 : i32
                  %dma_start3A_398 = tpu.memref_slice %arg7[%dma_start3A_396, %dma_start3A_397] : memref<8x14080xf32, #tpu.memory_space<vmem>> -> memref<8x128xf32, #tpu.memory_space<vmem>>
                  %dma_start3A_399 = tpu.memref_slice %arg5[%multiple_of3A, %multiple_of3A_365] : memref<64x100000xf32, #tpu.memory_space<hbm>> -> memref<8x128xf32, #tpu.memory_space<hbm>>
                  %dma_start3A_400 = tpu.memref_slice %arg5[%multiple_of3A, %multiple_of3A_365] : memref<64x100000xf32, #tpu.memory_space<hbm>> -> memref<8x128xf32, #tpu.memory_space<hbm>>
                  %dma_start3A_401 = arith.constant 0 : i32
                  %dma_start3A_402 = arith.constant 0 : i32
                  %dma_start3A_403 = tpu.memref_slice %arg7[%dma_start3A_401, %dma_start3A_402] : memref<8x14080xf32, #tpu.memory_space<vmem>> -> memref<8x128xf32, #tpu.memory_space<vmem>>
                  tpu.enqueue_dma source(%dma_start3A_403 : memref<8x128xf32, #tpu.memory_space<vmem>>) target(%dma_start3A_400 : memref<8x128xf32, #tpu.memory_space<hbm>>) target_semaphore(%arg13 : memref<!tpu.dma_semaphore, #tpu.memory_space<semaphore_mem>>)
                  %dma_wait3A_404 = arith.constant 0 : i32
                  %dma_wait3A_405 = arith.constant 0 : i32
                  %dma_wait3A_406 = tpu.memref_slice %arg7[%dma_wait3A_404, %dma_wait3A_405] : memref<8x14080xf32, #tpu.memory_space<vmem>> -> memref<8x128xf32, #tpu.memory_space<vmem>>
                  %dma_wait3A_407 = tpu.memref_slice %arg5[%multiple_of3A, %multiple_of3A_365] : memref<64x100000xf32, #tpu.memory_space<hbm>> -> memref<8x128xf32, #tpu.memory_space<hbm>>
                  %dma_wait3A_408 = tpu.memref_slice %arg5[%multiple_of3A, %multiple_of3A_365] : memref<64x100000xf32, #tpu.memory_space<hbm>> -> memref<8x128xf32, #tpu.memory_space<hbm>>
                  %dma_wait3A_409 = arith.constant 0 : i32
                  %dma_wait3A_410 = arith.constant 0 : i32
                  %dma_wait3A_411 = tpu.memref_slice %arg7[%dma_wait3A_409, %dma_wait3A_410] : memref<8x14080xf32, #tpu.memory_space<vmem>> -> memref<8x128xf32, #tpu.memory_space<vmem>>
                  tpu.wait_dma2 semaphore(%arg13 : memref<!tpu.dma_semaphore, #tpu.memory_space<semaphore_mem>>) src(%dma_wait3A_411 : memref<8x128xf32, #tpu.memory_space<vmem>>) dst(%dma_wait3A_408 : memref<8x128xf32, #tpu.memory_space<hbm>>)
                } else {
                }
                %convert_element_type3A_359 = arith.extui %ge3A_354 : i1 to i32
                %cond3A_360 = arith.constant 0 : i32
                %cond3A_361 = arith.cmpi ne, %convert_element_type3A_359, %cond3A_360 : i32
                scf.if %cond3A_361 {
                  %dma_start3A_362 = arith.constant 99968 : i32
                  %dma_start3A_363 = tpu.memref_slice %arg5[%multiple_of3A, %dma_start3A_362] : memref<64x100000xf32, #tpu.memory_space<hbm>> -> memref<8x32xf32, #tpu.memory_space<hbm>>
                  %dma_start3A_364 = arith.constant 99968 : i32
                  %dma_start3A_365 = tpu.memref_slice %arg5[%multiple_of3A, %dma_start3A_364] : memref<64x100000xf32, #tpu.memory_space<hbm>> -> memref<8x32xf32, #tpu.memory_space<hbm>>
                  tpu.enqueue_dma source(%dma_start3A_365 : memref<8x32xf32, #tpu.memory_space<hbm>>) target(%arg8 : memref<8x32xf32, #tpu.memory_space<vmem>>) target_semaphore(%arg13 : memref<!tpu.dma_semaphore, #tpu.memory_space<semaphore_mem>>)
                  %dma_wait3A_366 = arith.constant 99968 : i32
                  %dma_wait3A_367 = tpu.memref_slice %arg5[%multiple_of3A, %dma_wait3A_366] : memref<64x100000xf32, #tpu.memory_space<hbm>> -> memref<8x32xf32, #tpu.memory_space<hbm>>
                  %dma_wait3A_368 = arith.constant 99968 : i32
                  %dma_wait3A_369 = tpu.memref_slice %arg5[%multiple_of3A, %dma_wait3A_368] : memref<64x100000xf32, #tpu.memory_space<hbm>> -> memref<8x32xf32, #tpu.memory_space<hbm>>
                  tpu.wait_dma2 semaphore(%arg13 : memref<!tpu.dma_semaphore, #tpu.memory_space<semaphore_mem>>) src(%dma_wait3A_369 : memref<8x32xf32, #tpu.memory_space<hbm>>) dst(%arg8 : memref<8x32xf32, #tpu.memory_space<vmem>>)
                  %broadcast_in_dim3A_370 = arith.constant 0 : i32
                  %broadcast_in_dim3A_371 = vector.broadcast %broadcast_in_dim3A_370 : i32 to vector<16xi32>
                  %add3A_372 = vector.broadcast %scan3A_128 : i32 to vector<16xi32>
                  %add3A_373 = arith.addi %broadcast_in_dim3A_371, %add3A_372 : vector<16xi32>
                  %broadcast_in_dim3A_374 = arith.constant 0 : i32
                  %broadcast_in_dim3A_375 = vector.broadcast %broadcast_in_dim3A_374 : i32 to vector<16xi32>
                  %sub3A_376 = arith.constant 99968 : i32
                  %sub3A_377 = arith.subi %squeeze3A_345, %sub3A_376 : i32
                  %add3A_378 = vector.broadcast %sub3A_377 : i32 to vector<16xi32>
                  %add3A_379 = arith.addi %broadcast_in_dim3A_375, %add3A_378 : vector<16xi32>
                  %eq3A_380 = arith.constant 0 : i32
                  %eq3A_381 = vector.broadcast %eq3A_380 : i32 to vector<16xi32>
                  %eq3A_382 = arith.cmpi eq, %iota3A, %eq3A_381 : vector<16xi32>
                  tpu.vector_store_idx %arg8[%add3A_373, %add3A_379], %broadcast_in_dim3A_33 masked %eq3A_382 : memref<8x32xf32, #tpu.memory_space<vmem>>[vector<16xi32>, vector<16xi32>], vector<16xf32>, vector<16xi1>
                  %dma_start3A_383 = arith.constant 99968 : i32
                  %dma_start3A_384 = tpu.memref_slice %arg5[%multiple_of3A, %dma_start3A_383] : memref<64x100000xf32, #tpu.memory_space<hbm>> -> memref<8x32xf32, #tpu.memory_space<hbm>>
                  %dma_start3A_385 = arith.constant 99968 : i32
                  %dma_start3A_386 = tpu.memref_slice %arg5[%multiple_of3A, %dma_start3A_385] : memref<64x100000xf32, #tpu.memory_space<hbm>> -> memref<8x32xf32, #tpu.memory_space<hbm>>
                  tpu.enqueue_dma source(%arg8 : memref<8x32xf32, #tpu.memory_space<vmem>>) target(%dma_start3A_386 : memref<8x32xf32, #tpu.memory_space<hbm>>) target_semaphore(%arg13 : memref<!tpu.dma_semaphore, #tpu.memory_space<semaphore_mem>>)
                  %dma_wait3A_387 = arith.constant 99968 : i32
                  %dma_wait3A_388 = tpu.memref_slice %arg5[%multiple_of3A, %dma_wait3A_387] : memref<64x100000xf32, #tpu.memory_space<hbm>> -> memref<8x32xf32, #tpu.memory_space<hbm>>
                  %dma_wait3A_389 = arith.constant 99968 : i32
                  %dma_wait3A_390 = tpu.memref_slice %arg5[%multiple_of3A, %dma_wait3A_389] : memref<64x100000xf32, #tpu.memory_space<hbm>> -> memref<8x32xf32, #tpu.memory_space<hbm>>
                  tpu.wait_dma2 semaphore(%arg13 : memref<!tpu.dma_semaphore, #tpu.memory_space<semaphore_mem>>) src(%arg8 : memref<8x32xf32, #tpu.memory_space<vmem>>) dst(%dma_wait3A_390 : memref<8x32xf32, #tpu.memory_space<hbm>>)
                } else {
                }
              } else {
              }
            } else {
            }
          }
          %scan3A_154 = arith.constant 128 : i32
        } else {
        }
      }
      %scan3A_127 = arith.constant 8 : i32
    } else {
    }
    return
  }
}

</mosaic_0001>

<sc_bundles>
// kernel: kernel.3.cloned.1.call-start
scs
__scs_entry_jumppad:
0x0: {  	(pc) =	sbr.rel $0x88, $3  }
0x1: {  	(tag) =	ssettag $0x0;
	lr =	simm.s32 $0x1  }
0x2: {  	[smem:$0x3F9B] =	sst lr;
	_ =	strace $0xD0000000  }
0x3: {  	_ = 	snop  }
0x4: {  	_ = 	snop  }
0x5: {  	_ = 	snop  }
0x6: {  	_ = 	snop  }
0x7: {  	_ = 	snop  }
__scs_overlays_trampoline_lowered:
0x8: {  	[smem:$0x3FAA] =	sst s0  }
0x9: {  	[smem:$0x3FAB] =	sst s1  }
0xa: {  	[smem:$0x3FAC] =	sst s2  }
0xb: {  	[smem:$0x3FAD] =	sst s3  }
0xc: {  	[smem:$0x3FAE] =	sst s4  }
0xd: {  	[smem:$0x3FAF] =	sst s5  }
0xe: {  	[smem:$0x3FB0] =	sst s6  }
0xf: {  	[smem:$0x3FB1] =	sst s7  }
0x10: {  	[smem:$0x3FB2] =	sst s8  }
0x11: {  	[smem:$0x3FB3] =	sst s9;
	s0 =	simm.s32 @!p0 $0x0  }
0x12: {  	s1 =	sld [smem:$0x3F99];
	s0 =	simm.s32 @p0 $0x1  }
0x13: {  	[smem:$0x3FB4] =	sst s0;
	s0 =	simm.s32 @!p1 $0x0  }
0x14: {  	s2 =	sld [smem:$0x3F98];
	s0 =	simm.s32 @p1 $0x1  }
0x15: {  	[smem:$0x3FB5] =	sst s0;
	s0 =	simm.s32 @!p2 $0x0  }
0x16: {  	s3 =	sld [smem:$0x3FDB];
	s0 =	simm.s32 @p2 $0x1  }
0x17: {  	s4 =	simm.s32 $0x1BF5;
	[smem:$0x3FB7] =	sst s0  }
0x18: {  	s0 =	sld [smem:$0x3F9A];
	_ =	swait.ge [sflag:s4], $0x0  }
0x19: {  	s7 =	sld [smem:$0x3F9B]  }
0x1a: {  	s8 =	sadd.s32 $0xFFFFE003, lr  }
0x1b: {  	s9 =	sadd.s32 $0xFFFFFEF7, lr;
	s5 =	simm.s32 $0xFFFFFFFF;
	p2 =	slt.u32 s8, $0xFFFFF086  }
0x1c: {  	p1 =	slt.u32 s9, $0xF7A;
	s5 =	simm.s32 @!p2 $0x0  }
0x1d: {  	s5 =	simm.s32 @p1 $0x1;
	p0 =	seq.s32 s7, s2  }
0x1e: {  	s7 =	smul.u32 @!p0 $0xF7A, s2;
	p2 =	seq.s32 @!p0 s5, $0x0  }
0x1f: {  	s9 =	smul.u32 $0xF7A, s1;
	s8 =	simm.s32 @!p0 $0x1BF5;
	p2 =	por !p2, p0  }
0x20: {  	[sflag:s8] =	ssyncset.s32 @!p0 $0xFFFFF086;
	s6 =	sadd.s32 @!p0 s3, s7;
	s7 =	simm.s32 @!p0 $0x108  }
0x21: {  	s3 =	sadd.s32 s3, s9;
	s6 =	sadd.s32 @!p0 $0x88, s6;
	s7 =	simm.s32 @p2 $0x1082  }
0x22: {  	[simem:s7], [sflag:s8] =	dma.local @!p0 [hbm:s6], $0xF7A  }
0x23: {  	s9 =	sor.u32 $0xD0000000, s2;
	s6 =	simm.s32 $0x108;
	_ =	swait.ge @!p0 [sflag:s8], $0x0  }
0x24: {  	s3 =	sadd.s32 $0x88, s3;
	s6 =	simm.s32 @!p1 $0x1082;
	[sflag:s4] =	ssyncset.s32 $0xFFFFF086  }
0x25: {  	[simem:s6], [sflag:s4] =	dma.local [hbm:s3], $0xF7A  }
0x26: {  	[smem:$0x3F9B] =	sst s1;
	(tag) =	ssettag s2;
	_ =	strace s9  }
0x27: {  	s1 =	sld [smem:$0x3FAB]  }
0x28: {  	s2 =	sld [smem:$0x3FAC]  }
0x29: {  	s4 =	sld [smem:$0x3FAE]  }
0x2a: {  	p0 =	seq.s32 s5, $0x0;
	s5 =	sld [smem:$0x3FAF]  }
0x2b: {  	s6 =	sld [smem:$0x3FB0]  }
0x2c: {  	s7 =	sld [smem:$0x3FB1]  }
0x2d: {  	s3 =	simm.s32 $0x108;
	s8 =	sld [smem:$0x3FB2]  }
0x2e: {  	s3 =	simm.s32 @!p0 $0x1082;
	s9 =	sld [smem:$0x3FB3]  }
0x2f: {  	lr =	sadd.s32 s0, s3;
	s0 =	sld [smem:$0x3FAA]  }
0x30: {  	s3 =	sld [smem:$0x3FAD]  }
0x31: {  	[smem:$0x3FB6] =	sst s10  }
0x32: {  	s10 =	sld [smem:$0x3FB4];
	_ =	sdelay $0x3  }
0x33: {  	p0 =	seq.s32 s10, $0x1;
	s10 =	sld [smem:$0x3FB6];
	_ =	sdelay $0x3  }
0x34: {  	[smem:$0x3FB6] =	sst s10  }
0x35: {  	s10 =	sld [smem:$0x3FB5];
	_ =	sdelay $0x3  }
0x36: {  	p1 =	seq.s32 s10, $0x1;
	s10 =	sld [smem:$0x3FB6];
	_ =	sdelay $0x3  }
0x37: {  	[smem:$0x3FB6] =	sst s10  }
0x38: {  	s10 =	sld [smem:$0x3FB7]  }
0x39: {  	_ = 	snop;
	(pc) =	sbr.ind lr, $3  }
0x3a: {  	_ = 	snop  }
0x3b: {  	_ = 	snop  }
0x3c: {  	p2 =	seq.s32 s10, $0x1;
	s10 =	sld [smem:$0x3FB6]  }
0x3d: {  	_ =	shalt  }
0x3e: {  	_ =	shalt  }
0x3f: {  	_ =	shalt  }
0x40: {  	_ =	shalt  }
0x41: {  	_ =	shalt  }
0x42: {  	_ =	shalt  }
0x43: {  	_ =	shalt  }
0x44: {  	_ =	shalt  }
0x45: {  	_ =	shalt  }
0x46: {  	_ =	shalt  }
0x47: {  	_ =	shalt  }
0x48: {  	_ =	shalt  }
0x49: {  	_ =	shalt  }
0x4a: {  	_ =	shalt  }
0x4b: {  	_ =	shalt  }
0x4c: {  	_ =	shalt  }
0x4d: {  	_ =	shalt  }
0x4e: {  	_ =	shalt  }
0x4f: {  	_ =	shalt  }
0x50: {  	_ =	shalt  }
0x51: {  	_ =	shalt  }
0x52: {  	_ =	shalt  }
0x53: {  	_ =	shalt  }
0x54: {  	_ =	shalt  }
0x55: {  	_ =	shalt  }
0x56: {  	_ =	shalt  }
0x57: {  	_ =	shalt  }
0x58: {  	_ =	shalt  }
0x59: {  	_ =	shalt  }
0x5a: {  	_ =	shalt  }
0x5b: {  	_ =	shalt  }
0x5c: {  	_ =	shalt  }
0x5d: {  	_ =	shalt  }
0x5e: {  	_ =	shalt  }
0x5f: {  	_ =	shalt  }
0x60: {  	_ =	shalt  }
0x61: {  	_ =	shalt  }
0x62: {  	_ =	shalt  }
0x63: {  	_ =	shalt  }
0x64: {  	_ =	shalt  }
0x65: {  	_ =	shalt  }
0x66: {  	_ =	shalt  }
0x67: {  	_ =	shalt  }
0x68: {  	_ =	shalt  }
0x69: {  	_ =	shalt  }
0x6a: {  	_ =	shalt  }
0x6b: {  	_ =	shalt  }
0x6c: {  	_ =	shalt  }
0x6d: {  	_ =	shalt  }
0x6e: {  	_ =	shalt  }
0x6f: {  	_ =	shalt  }
0x70: {  	_ =	shalt  }
0x71: {  	_ =	shalt  }
0x72: {  	_ =	shalt  }
0x73: {  	_ =	shalt  }
0x74: {  	_ =	shalt  }
0x75: {  	_ =	shalt  }
0x76: {  	_ =	shalt  }
0x77: {  	_ =	shalt  }
0x78: {  	_ =	shalt  }
0x79: {  	_ =	shalt  }
0x7a: {  	_ =	shalt  }
0x7b: {  	_ =	shalt  }
0x7c: {  	_ =	shalt  }
0x7d: {  	_ =	shalt  }
0x7e: {  	_ =	shalt  }
0x7f: {  	_ =	shalt  }
0x80: {  	_ =	shalt  }
0x81: {  	_ =	shalt  }
0x82: {  	_ =	shalt  }
0x83: {  	_ =	shalt  }
0x84: {  	_ =	shalt  }
0x85: {  	_ =	shalt  }
0x86: {  	_ =	shalt  }
0x87: {  	_ =	shalt  }
.Lfunc_end0:
.L_simem_size_0:
called_computation_lowered:
.L_overlay_start_0:
0x88: {  	s2 =	sld [smem:$0x3FD9]  }
0x89: {  	s3 =	sld [smem:$0x3FFE];
	_ =	sdelay $0x1  }
0x8a: {  	s1 =	srdreg.scid  }
0x8b: {  	s0 =	sand.u32 $0x1, s1  }
0x8c: {  	s17 =	sshll.u32 s0, $0xA;
	s2 =	sadd.s32 s3, s2  }
0x8d: {  	s2 =	sadd.s32 s2, s17  }
0x8e: {  	[smem:$0x3FC2] =	sst s2  }
0x8f: {  	_ = 	snop  }
0x90: {  	s2 =	sld [smem:$0x3FC9]  }
0x91: {  	s18 =	sld [smem:$0x3FC8]  }
0x92: {  	s4 =	sld [smem:$0x3FD0];
	(tm) =	ssettm $0x1  }
0x93: {  	s5 =	sld [smem:$0x3FFB];
	_ =	sdelay $0x3  }
0x94: {  	_ =	strace s5  }
0x95: {  	s5 =	sld [smem:$0x3FFC];
	_ =	sdelay $0x3  }
0x96: {  	_ =	strace s5  }
0x97: {  	s5 =	sld [smem:$0x3FFD];
	_ =	sdelay $0x3  }
0x98: {  	_ =	strace s5  }
0x99: {  	_ =	strace $0x8FFFFFFF  }
0x9a: {  	s19 =	sld [smem:$0x3FDB];
	_ =	sdelay $0x1  }
0x9b: {  	s6 =	simm.s32 $_scs_section_size  }
0x9c: {  	s7 =	simm.s32 $_size__tile_overlayer_lowered;
	s8 =	simm.s32 $_tile_overlayer_lowered  }
0x9d: {  	s22 =	simm.s32 $0x1BFF;
	s21 =	sshll.u32 s8, $0x1;
	s5 =	sadd.s32 s6, s19  }
0x9e: {  	s9 =	simm.s32 $0x0;
	s20 =	sshll.u32 s7, $0x1;
	s7 =	sadd.s32 s21, s5  }
0x9f: {  	[timem:s9], [sflag:s22] =	dma.local [hbm:s7], s20  }
0xa0: {  	_ =	swait.ge [sflag:s22], s20  }
0xa1: {  	s6 =	ssub.s32 $0x0, s20;
	[sflag:s22] =	ssyncset.done $0x0  }
0xa2: {  	[sflag:s22] =	ssyncadd.s32 s6;
	_ =	sdelay $0x1  }
0xa3: {  	s23 =	simm.s32 $0x1B8B  }
0xa4: {  	_ =	swait.ge [sflag:s23], $0x1  }
0xa5: {  	[sflag:s23] =	ssyncset.done $0x0  }
0xa6: {  	s25 =	simm.s32 $0x1B8E;
	s24 =	sld [smem:$0x3FFE];
	[sflag:s23] =	ssyncadd.s32 $0xFFFFFFFF  }
0xa7: {  	s26 =	simm.s32 $execute0_lowered;
	[smem:$0x3FD2] =	sst s25  }
0xa8: {  	s7 =	sshll.u32 s26, $0x1;
	_ =	strace $0x80000046;
	[dreg:$0x1] =	wrdreg $0xFFFFFFFF  }
0xa9: {  	s28 =	simm.s32 $_size_execute0_lowered;
	s5 =	sadd.s32 s5, s7;
	[dreg:$0x0] =	wrdreg $0x0  }
0xaa: {  	s7 =	sshll.u32 s28, $0x1;
	[dreg:$0x2] =	wrdreg s5  }
0xab: {  	[dreg:$0x3] =	wrdreg s7  }
0xac: {  	[dreg:$0x4] =	wrdreg $0xC0  }
0xad: {  	_ =	task [dreg:s9], $0x5FFFF  }
0xae: {  	[dreg:$0x1] =	wrdreg $0xFFFFFFFF  }
0xaf: {  	[dreg:$0x0] =	wrdreg $0x60  }
0xb0: {  	[dreg:$0x2] =	wrdreg s24  }
0xb1: {  	[dreg:$0x3] =	wrdreg s2  }
0xb2: {  	[dreg:$0x4] =	wrdreg s18  }
0xb3: {  	[dreg:$0x5] =	wrdreg s4  }
0xb4: {  	[dreg:$0x6] =	wrdreg $0x9  }
0xb5: {  	_ =	task.clear_ibuf [dreg:s9], $0x7FFFF;
	_ =	strace $0x90000046  }
0xb6: {  	s29 =	simm.s32 $0x9;
	_ =	strace $0x80000048  }
0xb7: {  	_ =	swait.ge [sflag:s29], $0x1  }
0xb8: {  	[sflag:s29] =	ssyncadd.s32 $0xFFFFFFFF  }
0xb9: {  	_ =	strace $0x90000048  }
0xba: {  	_ =	sfence  }
0xbb: {  	s30 =	sld [smem:$0x0];
	_ =	sdelay $0x2  }
0xbc: {  	s31 =	sshll.u32 s1, $0xD;
	s1 =	sshrl.u32 s1, $0x2  }
0xbd: {  	s3 =	sand.u32 $0x4000, s31;
	s1 =	sadd.s32 s1, s30  }
0xbe: {  	s0 =	sor.u32 s3, s0;
	s1 =	sshll.u32 s1, $0x11  }
0xbf: {  	s0 =	sor.u32 s1, s0  }
0xc0: {  	s0 =	sadd.s32 $0x8F2B, s0  }
0xc1: {  	[sflag:s0] =	ssyncadd.remote.s32 $0x1  }
0xc2: {  	_ =	sfence.sel $0xFFFF  }
0xc3: {  	[dreg:$0x0] =	wrdreg $0xFFFFFFFF;
	(pc) =	sbr.abs _section_cstart, $3  }
0xc4: {  	[dreg:$0x1] =	wrdreg $0xFFFFFFFF  }
0xc5: {  	_ =	task.clear_ibuf [dreg:s9], $0x2FFFF;
	_ =	strace $0x9FFFFFFF  }
0xc6: {  	(tm) =	ssettm $0x7FFFFFFF  }
0xc7: {  	_ =	shalt  }
tec
execute0_lowered:
.L_overlay_start_1:
0x0: {  	(tag) =	ssettag $0x1  }
0x1: {  	s4 =	rddreg [dreg:$0x0]  }
0x2: {  	s7 =	rddreg [dreg:$0x1]  }
0x3: {  	s11 =	rddreg [dreg:$0x2]  }
0x4: {  	s0 =	srdreg.scid;
	s2 =	rddreg [dreg:$0x3];
	s3 =	simm.s32 $0x0  }
0x5: {  	s8 =	simm.s32 $0x1;
	s16 =	simm.s32 $0xC380;
	s17 =	simm.s32 $0x12500  }
0x6: {  	s19 =	simm.s32 $0x3;
	s20 =	simm.s32 $0x0;
	s5 =	sand.u32 $0x1, s0  }
0x7: {  	s0 =	stileid.u32;
	[smem:$0x7FF] =	sst s3;
	s4 =	sadd.s32 $0x400, s4  }
0x8: {  	s1 =	sshll.u32 s5, $0x4;
	s15 =	sand.u32 $0x3, s0;
	s5 =	ssub.s32 $0x2, s5  }
0x9: {  	s6 =	sor.u32 s0, s1;
	p1 =	sne.s32 s15, $0x0;
	s1 =	rddreg [dreg:$0x4]  }
0xa: {  	_ =	strace $0x80000047;
	s30 =	sshrl.u32 s5, $0x1;
	p2 =	seq.s32 s15, $0x1  }
0xb: {  	p0 =	seq.s32 s6, $0x0;
	s6 =	sshrl.u32 s6, $0x2;
	s14 =	ssub.s32 s5, s30  }
0xc: {  	s5 =	simm.s32 $0x1;
	p0 =	por !p1, !p0;
	p1 =	seq.s32 s15, $0x2  }
0xd: {  	s14 =	smax.u32 s14, $0x1;
	p0 =	por !p0, !p0;
	s16 =	simm.s32 @!p1 $0x12500  }
0xe: {  	s17 =	simm.s32 @!p1 $0x18680;
	p1 =	sne.s32 s15, $0x1;
	s8 =	simm.s32 @!p0 $0x0  }
0xf: {  	p0 =	seq.s32 s15, $0x0;
	s16 =	simm.s32 @p2 $0x6200;
	s17 =	simm.s32 @p2 $0xC380  }
0x10: {  	s15 =	simm.s32 $0x4000;
	s6 =	ssub.s32 s6, s8;
	s16 =	simm.s32 @p0 $0x0  }
0x11: {  	s17 =	simm.s32 @p0 $0x6200;
	s9 =	sshll.u32 s6, $0xB;
	s6 =	smul.u32 $0xC3800, s6  }
0x12: {  	s18 =	sadd.s32 $0x3700, s16;
	v2 =	vmov s17;
	s17 =	simm.s32 $0x5;
	s31 =	sand.u32 $0x1FFFF800, s9  }
.Ltmp0:
0x13: {  	s13 =	sshrl.u32 s6, $0x3;
	s7 =	sadd.s32 s7, s31;
	(pc) =	sbr.rel .LBB2_1-.Ltmp0, $4  }
0x14: {  	v0 =	vmov s16;
	s10 =	sadd.s32 s16, s13;
	s12 =	sadd.s32 $0x18680, s13;
	s16 =	simm.s32 $0x1FC00  }
0x15: {  	vm0 =	vmxor vm0, vm0;
	v1 =	vlaneseq.u32;
	s8 =	sadd.s32 s11, s10;
	s9 =	sadd.s32 s11, s12;
	s10 =	sadd.s32 s2, s10  }
0x16: {  	v4 =	vimm.f32 $0.0e+00;
	v6 =	vimm.s32 $0x0;
	vm1 =	vmmov vm0;
	s11 =	sadd.s32 s11, s18;
	s12 =	sadd.s32 s2, s12;
	s18 =	sadd.s32 s2, s18  }
0x17: {  	v3 =	vadd.s32 $0x1, v1;
	v5 =	vadd.s32 $0x2, v1;
	vm1 =	vmneg @p2 vm1;
	s11 =	sadd.s32 s13, s11;
	s13 =	sadd.s32 s13, s18;
	s18 =	simm.s32 $0x2  }
.LBB2_14:
0x18: {  	s20 =	sadd.s32 $0x1, s20  }
0x19: {  	p2 =	sne.s32 s20, s14  }
.Ltmp1:
0x1a: {  	_ = 	snop;
	(pc) =	sbr.rel @!p2 .LBB2_15-.Ltmp1, $1  }
0x1b: {  	_ =	sdelay $0x3  }
.LBB2_1:
0x1c: {  	[tilespmem:s3], [sflag:$0x1] =	stream.linear.gather [hbm4b:s7+s3], $0x4000, $0x38;
	[tilespmem:$0x1FC80] =	vst v63  }
0x1d: {  	_ = 	snop  }
0x1e: {  	[tilespmem:s15], [sflag:$0x2] =	stream.linear.gather [hbm4b:s8+s3], $0x1B800, $0x38;
	[tilespmem:$0x1FC80] =	vst v63  }
0x1f: {  	s21 =	simm.s32 @!p1 $0x0;
	s22 =	simm.s32 @!p1 $0x1F800  }
0x20: {  	[tilespmem:s22], [sflag:$0x4] =	stream.linear.gather @!p1 [hbm4b:s9+s21], $0x400, $0x38;
	[tilespmem:$0x1FC80] =	vst v63  }
0x21: {  	_ = 	snop  }
0x22: {  	[tilespmem:s16], [sflag:$0x5] =	stream.linear.gather [hbm4b:s4+s3], $0x80, $0x38;
	[tilespmem:$0x1FC80] =	vst v63  }
0x23: {  	_ =	swait.ge [sflag:s17], $0x80  }
0x24: {  	[sflag:s17] =	ssyncset.done $0x0  }
0x25: {  	[sflag:s17] =	ssyncadd.s32 $0xFFFFFF80  }
0x26: {  	v7 =	vld [tilespmem:$0x1FC00];
	_ =	swait.ge [sflag:s5], $0x4000  }
0x27: {  	[sflag:s5] =	ssyncset.done $0x0  }
0x28: {  	s21 =	simm.s32 $0x0;
	s22 =	simm.s32 $0x0;
	[sflag:s5] =	ssyncadd.s32 $0xFFFFC000  }
.LBB2_2:
0x29: {  	v8 =	vmov s22  }
0x2a: {  	v8 =	vshll.u32 v8, $0x7  }
0x2b: {  	v8 =	vand.u32 $0x380, v8  }
0x2c: {  	v10 =	vbroadcast v8, $0x0  }
0x2d: {  	s23 =	simm.s32 $0x0;
	vm2 =	vmmov vm0  }
0x2e: {  	s24 =	simm.s32 $0x30;
	v13 =	vmov s23;
	v11 =	vor.u32 s23, v1;
	v8 =	vor.u32 $0x3C7E, v10  }
0x2f: {  	s31 =	simm.s32 $0x20;
	s25 =	simm.s32 $0x10;
	v14 =	vor.u32 s23, v3;
	v12 =	vor.u32 s24, v1;
	v9 =	vor.u32 $0x3C7F, v10  }
0x30: {  	v20 =	vmov s31;
	v21 =	vor.u32 s31, v3;
	v23 =	vmov s25  }
0x31: {  	v22 =	vmov s24;
	v25 =	vadd.s32 s25, v3;
	v16 =	vadd.s32 s24, v3  }
0x32: {  	v17 =	vand.u32 $0x4F, v11;
	v18 =	vshll.u32 v13, $0x3;
	v19 =	vand.u32 $0x5F, v14  }
0x33: {  	v13 =	vor.u32 s31, v1;
	v14 =	vor.u32 s25, v1;
	v15 =	vand.u32 $0x7F, v12;
	v8 =	vld.idx.msk [tilespmem:v8+s23+$0x0], $0xffff  }
0x34: {  	v29 =	vshll.u32 v20, $0x3;
	v21 =	vand.u32 $0x7F, v21;
	v22 =	vshll.u32 v22, $0x3;
	v9 =	vld.idx.msk [tilespmem:v9+s23+$0x0], $0xffff  }
0x35: {  	v24 =	vshll.u32 v23, $0x3;
	vm3 =	vlt.s32 v16, $0x7FF;
	v26 =	vand.u32 $0x3C00, v18  }
0x36: {  	v28 =	vand.u32 $0x6F, v13;
	v20 =	vand.u32 $0x5F, v14;
	v23 =	vand.u32 $0x3C00, v29  }
0x37: {  	v17 =	vor.u32 v17, v10;
	v27 =	vor.u32 v19, v10;
	v19 =	vand.u32 $0x7F, v25  }
0x38: {  	v25 =	vshll.u32 v25, $0x3;
	v18 =	vor.u32 v26, v17;
	v17 =	vor.u32 v26, v27  }
0x39: {  	v26 =	vor.u32 v28, v10;
	s23 =	simm.s32 $0x40;
	v8 =	vbroadcast v8, $0x0;
	v9 =	vbroadcast v9, $0x0  }
.LBB2_3:
0x3a: {  	p2 =	sne.s32 s23, $0x7C0;
	v24 =	vand.u32 $0x3C00, v24;
	v21 =	vor.u32 v21, v10;
	v22 =	vand.u32 $0x3C00, v22  }
0x3b: {  	v25 =	vand.u32 $0x7FFFFC00, v25;
	v26 =	vor.u32 v23, v26;
	v16 =	vnsel vm3, $0x7FF, v16  }
0x3c: {  	v20 =	vor.u32 v24, v20;
	v21 =	vor.u32 v23, v21;
	v15 =	vor.u32 v22, v15  }
0x3d: {  	v19 =	vor.u32 v25, v19;
	v22 =	vshll.u32 v16, $0x3;
	v20 =	vor.u32 v10, v20  }
0x3e: {  	v16 =	vand.u32 $0x7F, v16;
	v19 =	vor.u32 v10, v19;
	v22 =	vand.u32 $0x7FFFFC00, v22;
	v18 =	vld.idx.msk [tilespmem:v18+s3+$0x0], $0xffff  }
0x3f: {  	v15 =	vor.u32 v10, v15;
	v16 =	vor.u32 v22, v16;
	v17 =	vld.idx.msk [tilespmem:v17+s3+$0x0], $0xffff  }
0x40: {  	s24 =	sadd.s32 $0x30, s23;
	v23 =	vor.u32 s23, v1;
	v22 =	vmov s23;
	v25 =	vor.u32 v10, v16;
	v24 =	vld.idx.msk [tilespmem:v26+s3+$0x0], $0xffff  }
0x41: {  	vm3 =	vlt.u32 v11, $0x7FE;
	v11 =	vmovc v23;
	v16 =	vor.u32 s23, v3;
	v26 =	vor.u32 s24, v1;
	v21 =	vld.idx.msk [tilespmem:v21+s3+$0x0], $0xffff  }
0x42: {  	s25 =	sadd.s32 $0x20, s23;
	v23 =	vand.u32 $0x4F, v11;
	v22 =	vshll.u32 v22, $0x3;
	v27 =	vand.u32 $0x5F, v16;
	v20 =	vld.idx.msk [tilespmem:v20+s3+$0x0], $0xffff  }
0x43: {  	s26 =	sadd.s32 $0x10, s23;
	v28 =	vmov s25;
	v29 =	vor.u32 s25, v1;
	v30 =	vor.u32 s25, v3;
	v19 =	vld.idx.msk [tilespmem:v19+s3+$0x0], $0xffff  }
0x44: {  	v31 =	vmov s26;
	v32 =	vor.u32 s26, v1;
	v33 =	vmov s24;
	v34 =	vld.idx.msk [tilespmem:v15+s3+$0x0], $0xffff  }
0x45: {  	vm4 =	vlt.u32 v12, $0x7FE;
	v35 =	vadd.s32 s26, v3;
	v16 =	vadd.s32 s24, v3;
	v12 =	vmovc v26;
	v25 =	vld.idx.msk [tilespmem:v25+s3+$0x0], $0xffff  }
0x46: {  	vm5 =	vlt.u32 v14, $0x7FE;
	vm6 =	vlt.u32 v13, $0x7FE;
	v13 =	vmovc v29;
	v14 =	vmovc v32;
	v15 =	vand.u32 $0x7F, v12  }
0x47: {  	v26 =	vand.u32 $0x3C00, v22;
	vm7 =	veq.s32 v18, v8;
	vm8 =	veq.s32 v17, v9  }
0x48: {  	v17 =	vor.u32 v23, v10;
	vm7 =	vmand vm7, vm8;
	vm8 =	veq.s32 v24, v8  }
0x49: {  	vm11 =	veq.s32 v21, v9;
	vm9 =	veq.s32 v20, v8;
	vm10 =	veq.s32 v19, v9  }
0x4a: {  	vm3 =	vmand vm7, vm3;
	vm8 =	vmand vm8, vm11;
	vm7 =	vmand vm9, vm10  }
0x4b: {  	vm5 =	vmand vm7, vm5;
	vm7 =	veq.s32 v34, v8;
	vm9 =	veq.s32 v25, v9  }
0x4c: {  	vm3 =	vmor vm3, vm5;
	vm5 =	vmand vm8, vm6;
	vm6 =	vmand vm7, vm9  }
0x4d: {  	v23 =	vor.u32 v27, v10;
	vm3 =	vmor vm3, vm5;
	vm4 =	vmand vm6, vm4  }
.Ltmp2:
0x4e: {  	v28 =	vshll.u32 v28, $0x3;
	v27 =	vand.u32 $0x6F, v13;
	vm3 =	vmor vm3, vm4;
	(pc) =	sbr.rel @p2 .LBB2_3-.Ltmp2, $4  }
0x4f: {  	v22 =	vshll.u32 v33, $0x3;
	v21 =	vand.u32 $0x7F, v30;
	vm2 =	vmor vm2, vm3  }
0x50: {  	v24 =	vshll.u32 v31, $0x3;
	v20 =	vand.u32 $0x5F, v14;
	v19 =	vand.u32 $0x7F, v35  }
0x51: {  	v18 =	vor.u32 v26, v17;
	v25 =	vshll.u32 v35, $0x3;
	vm3 =	vlt.s32 v16, $0x7FF  }
0x52: {  	s23 =	sadd.s32 $0x40, s23;
	v17 =	vor.u32 v26, v23;
	v23 =	vand.u32 $0x3C00, v28;
	v26 =	vor.u32 v27, v10  }
0x53: {  	v24 =	vand.u32 $0x3C00, v24;
	v21 =	vor.u32 v21, v10;
	v22 =	vand.u32 $0x3C00, v22  }
0x54: {  	v25 =	vand.u32 $0x7FFFFC00, v25;
	v26 =	vor.u32 v23, v26;
	v16 =	vnsel vm3, $0x7FF, v16  }
0x55: {  	v20 =	vor.u32 v24, v20;
	v21 =	vor.u32 v23, v21;
	v15 =	vor.u32 v22, v15  }
0x56: {  	v19 =	vor.u32 v25, v19;
	v60 =	vshll.u32 v16, $0x3;
	v20 =	vor.u32 v10, v20  }
0x57: {  	v18 =	vld.idx.msk [tilespmem:v18+s3+$0x0], $0xffff;
	v16 =	vand.u32 $0x7F, v16;
	v19 =	vor.u32 v10, v19;
	v22 =	vand.u32 $0x7FFFFC00, v60  }
0x58: {  	v17 =	vld.idx.msk [tilespmem:v17+s3+$0x0], $0xffff;
	v15 =	vor.u32 v10, v15;
	v16 =	vor.u32 v22, v16  }
0x59: {  	v62 =	vor.u32 v10, v16;
	v61 =	vld.idx.msk [tilespmem:v26+s3+$0x0], $0xffff  }
0x5a: {  	v63 =	vld.idx.msk [tilespmem:v21+s3+$0x0], $0xffff  }
0x5b: {  	v20 =	vld.idx.msk [tilespmem:v20+s3+$0x0], $0xffff  }
0x5c: {  	v19 =	vld.idx.msk [tilespmem:v19+s3+$0x0], $0xffff  }
0x5d: {  	v15 =	vld.idx.msk [tilespmem:v15+s3+$0x0], $0xffff  }
0x5e: {  	vm3 =	vlt.u32 v11, $0x7FE;
	vm4 =	vlt.u32 v12, $0x7FE;
	v10 =	vld.idx.msk [tilespmem:v62+s3+$0x0], $0xffff  }
0x5f: {  	vm5 =	vlt.u32 v14, $0x7FE;
	vm6 =	veq.s32 v18, v8;
	vm7 =	veq.s32 v17, v9  }
0x60: {  	vm8 =	vlt.u32 v13, $0x7FE;
	vm6 =	vmand vm6, vm7;
	vm15 =	veq.s32 v61, v8  }
0x61: {  	vm11 =	veq.s32 v63, v9;
	vm9 =	veq.s32 v20, v8;
	vm10 =	veq.s32 v19, v9  }
0x62: {  	vm3 =	vmand vm6, vm3;
	vm7 =	vmand vm15, vm11;
	vm12 =	vmand vm9, vm10  }
0x63: {  	vm13 =	veq.s32 v15, v8;
	vm5 =	vmand vm12, vm5;
	vm14 =	veq.s32 v10, v9  }
0x64: {  	vm15 =	vmand vm7, vm8;
	vm3 =	vmor vm3, vm5;
	vm6 =	vmand vm13, vm14  }
0x65: {  	vm3 =	vmor vm3, vm15;
	vm4 =	vmand vm6, vm4  }
0x66: {  	vm3 =	vmor vm3, vm4  }
0x67: {  	vm2 =	vmor vm2, vm3  }
0x68: {  	v8 =	vsel vm2, $0x3F800000, v4  }
0x69: {  	(xrf0) =	vmax.scan.msk.f32 $0xffff, v8;
	_ =	sdelay $0x5  }
0x6a: {  	v8, _, _ =	vpop (xrf0)  }
0x6b: {  	(v2sf) =	vpush v8, $0xF;
	_ =	sdelay $0xe  }
0x6c: {  	s23 =	spop (v2sf)  }
0x6d: {  	p2 =	sgt.f32 s23, $0.0e+00  }
0x6e: {  	s23 =	simm.s32 $0x1  }
0x6f: {  	s23 =	simm.s32 @!p2 $0x0  }
0x70: {  	s23 =	sshll.u32 s23, s22;
	s22 =	sadd.s32 $0x1, s22  }
0x71: {  	p2 =	sne.s32 s22, $0x8  }
.Ltmp3:
0x72: {  	_ = 	snop;
	(pc) =	sbr.rel @p2 .LBB2_2-.Ltmp3, $2  }
0x73: {  	_ =	sdelay $0x2  }
0x74: {  	s21 =	sor.u32 s21, s23  }
0x75: {  	(v2sf) =	vpush v7, $0x0;
	_ =	sdelay $0xe  }
0x76: {  	s22 =	spop (v2sf)  }
0x77: {  	_ =	swait.ge [sflag:s18], $0x1B800  }
0x78: {  	[sflag:s18] =	ssyncset.done $0x0  }
.Ltmp4:
0x79: {  	[sflag:s18] =	ssyncadd.s32 $0xFFFE4800;
	(pc) =	sbr.rel @p0 .LBB2_16-.Ltmp4, $4  }
0x7a: {  	[hbm4b:s10+s3] =	stream.linear.scatter [tilespmem:s15], [sflag:$0x3], $0x1B800, $0x38;
	[tilespmem:$0x1FC80] =	vst v63  }
0x7b: {  	_ =	swait.ge [sflag:s19], $0x1B800  }
0x7c: {  	[sflag:s19] =	ssyncset.done $0x0  }
0x7d: {  	[sflag:s19] =	ssyncadd.s32 $0xFFFE4800  }
0x7e: {  	[tilespmem:s15], [sflag:$0x2] =	stream.linear.gather [hbm4b:s11+s3], $0x15400, $0x38;
	[tilespmem:$0x1FC80] =	vst v63  }
0x7f: {  	s23 =	simm.s32 @!p1 $0x4  }
0x80: {  	_ =	swait.ge @!p1 [sflag:s23], $0x400  }
0x81: {  	[sflag:s23] =	ssyncset.done @!p1 $0x0  }
0x82: {  	s24 =	simm.s32 @!p1 $0x0;
	s25 =	simm.s32 @!p1 $0x1F800;
	[sflag:s23] =	ssyncadd.s32 @!p1 $0xFFFFFC00  }
0x83: {  	[hbm4b:s12+s24] =	stream.linear.scatter @!p1 [tilespmem:s25], [sflag:$0x4], $0x400, $0x38;
	[tilespmem:$0x1FC80] =	vst v63  }
0x84: {  	_ =	swait.ge @!p1 [sflag:s23], $0x400  }
0x85: {  	[sflag:s23] =	ssyncset.done @!p1 $0x0  }
0x86: {  	[sflag:s23] =	ssyncadd.s32 @!p1 $0xFFFFFC00  }
0x87: {  	_ =	swait.ge [sflag:s18], $0x15400  }
0x88: {  	[sflag:s18] =	ssyncset.done $0x0  }
.Ltmp5:
0x89: {  	[sflag:s18] =	ssyncadd.s32 $0xFFFEAC00;
	(pc) =	sbr.rel .LBB2_7-.Ltmp5, $4  }
0x8a: {  	[hbm4b:s13+s3] =	stream.linear.scatter [tilespmem:s15], [sflag:$0x3], $0x15400, $0x38;
	[tilespmem:$0x1FC80] =	vst v63  }
0x8b: {  	_ =	swait.ge [sflag:s19], $0x15400  }
0x8c: {  	[sflag:s19] =	ssyncset.done $0x0  }
0x8d: {  	[sflag:s19] =	ssyncadd.s32 $0xFFFEAC00  }
.LBB2_16:
0x8e: {  	[tilespmem:s15], [sflag:$0x2] =	stream.linear.gather [hbm4b:s11+s3], $0x15800, $0x38;
	[tilespmem:$0x1FC80] =	vst v63  }
0x8f: {  	_ =	swait.ge [sflag:s18], $0x15800  }
0x90: {  	[sflag:s18] =	ssyncset.done $0x0  }
0x91: {  	[sflag:s18] =	ssyncadd.s32 $0xFFFEA800  }
0x92: {  	[hbm4b:s13+s3] =	stream.linear.scatter [tilespmem:s15], [sflag:$0x3], $0x15800, $0x38;
	[tilespmem:$0x1FC80] =	vst v63  }
0x93: {  	_ =	swait.ge [sflag:s19], $0x15800  }
0x94: {  	[sflag:s19] =	ssyncset.done $0x0  }
0x95: {  	[sflag:s19] =	ssyncadd.s32 $0xFFFEA800  }
.LBB2_7:
0x96: {  	p2 =	seq.s32 s22, $0x0  }
0x97: {  	s21 =	simm.s32 @p2 $0x0  }
0x98: {  	p2 =	seq.s32 s21, $0x0  }
.Ltmp6:
0x99: {  	_ = 	snop;
	(pc) =	sbr.rel @!p2 .LBB2_8-.Ltmp6, $4  }
.Ltmp7:
0x9a: {  	_ = 	snop;
	(pc) =	sbr.rel @p2 .LBB2_14-.Ltmp7, $4  }
0x9b: {  	_ = 	snop  }
0x9c: {  	_ = 	snop  }
0x9d: {  	s22 =	simm.s32 $0x0  }
0x9e: {  	_ = 	snop  }
.LBB2_13:
0x9f: {  	s22 =	sadd.s32 $0x1, s22  }
0xa0: {  	p2 =	sne.s32 s22, $0x8  }
.Ltmp8:
0xa1: {  	_ = 	snop;
	(pc) =	sbr.rel @!p2 .LBB2_14-.Ltmp8, $1  }
0xa2: {  	_ =	sdelay $0x3  }
.LBB2_8:
0xa3: {  	s23 =	sshrl.u32 s21, s22  }
0xa4: {  	s23 =	sand.u32 $0x1, s23  }
0xa5: {  	p2 =	seq.s32 s23, $0x0  }
.Ltmp9:
0xa6: {  	_ = 	snop;
	(pc) =	sbr.rel @p2 .LBB2_13-.Ltmp9, $1  }
0xa7: {  	_ =	sdelay $0x3  }
0xa8: {  	v7 =	vmov s22  }
0xa9: {  	v7 =	vshll.u32 v7, $0x7  }
0xaa: {  	v8 =	vbroadcast v7, $0x0;
	_ =	sdelay $0x1  }
0xab: {  	v9 =	vor.u32 $0x3C7E, v8  }
0xac: {  	v10 =	vor.u32 $0x3C7F, v8;
	_ =	sdelay $0x2  }
0xad: {  	s23 =	simm.s32 $0x0  }
0xae: {  	v9 =	vld.idx.msk [tilespmem:v9+s23+$0x0], $0xffff  }
0xaf: {  	v10 =	vld.idx.msk [tilespmem:v10+s23+$0x0], $0xffff  }
.Ltmp10:
0xb0: {  	_ = 	snop;
	(pc) =	sbr.rel .LBB2_10-.Ltmp10, $2  }
0xb1: {  	_ =	sdelay $0x2  }
0xb2: {  	v9 =	vbroadcast v9, $0x0;
	v10 =	vbroadcast v10, $0x0  }
.LBB2_12:
0xb3: {  	s23 =	sadd.s32 $0x10, s23  }
0xb4: {  	p2 =	sne.s32 s23, $0x800  }
.Ltmp11:
0xb5: {  	_ = 	snop;
	(pc) =	sbr.rel @!p2 .LBB2_13-.Ltmp11, $1  }
0xb6: {  	_ =	sdelay $0x3  }
.LBB2_10:
0xb7: {  	v11 =	vmov s23;
	v12 =	vadd.s32 s23, v5  }
0xb8: {  	v13 =	vor.u32 s23, v1;
	v14 =	vadd.s32 s23, v3;
	vm2 =	vlt.s32 v12, $0x7FF  }
0xb9: {  	v11 =	vshll.u32 v11, $0x3;
	v12 =	vnsel vm2, $0x7FF, v12;
	vm2 =	vlt.s32 v14, $0x7FF  }
0xba: {  	v15 =	vand.u32 $0x7F, v13;
	v11 =	vand.u32 $0x3C00, v11;
	v14 =	vnsel vm2, $0x7FF, v14  }
0xbb: {  	v16 =	vshll.u32 v12, $0x3;
	v12 =	vand.u32 $0x7F, v12;
	v11 =	vor.u32 v11, v15  }
0xbc: {  	v16 =	vand.u32 $0x3C00, v16;
	v60 =	vshll.u32 v14, $0x3;
	v14 =	vand.u32 $0x7F, v14  }
0xbd: {  	v61 =	vor.u32 v8, v11;
	v12 =	vor.u32 v16, v12;
	v15 =	vand.u32 $0x3C00, v60  }
0xbe: {  	v12 =	vor.u32 v8, v12;
	v11 =	vor.u32 v15, v14  }
0xbf: {  	v14 =	vor.u32 v8, v11;
	_ =	sdelay $0x2  }
0xc0: {  	v62 =	vld.idx.msk [tilespmem:v61+s3+$0x0], $0xffff  }
0xc1: {  	v11 =	vld.idx.msk [tilespmem:v12+s3+$0x0], $0xffff  }
0xc2: {  	v14 =	vld.idx.msk [tilespmem:v14+s3+$0x0], $0xffff;
	_ =	sdelay $0x3  }
0xc3: {  	vm4 =	veq.s32 v62, v9;
	vm2 =	vge.s32 v11, v0;
	vm3 =	vlt.s32 v11, v2  }
0xc4: {  	vm2 =	vmand vm2, vm3;
	vm3 =	vgt.s32 v11, $0x1867F;
	vm5 =	veq.s32 v14, v10  }
0xc5: {  	vm15 =	vlt.u32 v13, $0x7FE;
	vm3 =	vmand vm1, vm3;
	vm4 =	vmand vm4, vm5  }
0xc6: {  	vm2 =	vmor vm2, vm3;
	vm3 =	vmand vm4, vm15  }
0xc7: {  	vm2 =	vmand vm3, vm2  }
0xc8: {  	v63 =	vsel vm2, $0x3F800000, v4  }
0xc9: {  	(xrf0) =	vmax.scan.msk.f32 $0xffff, v63;
	_ =	sdelay $0x5  }
0xca: {  	v12, _, _ =	vpop (xrf0)  }
0xcb: {  	(v2sf) =	vpush v12, $0xF;
	_ =	sdelay $0xe  }
0xcc: {  	s24 =	spop (v2sf)  }
0xcd: {  	p2 =	sgt.f32 s24, $0.0e+00  }
.Ltmp12:
0xce: {  	_ = 	snop;
	(pc) =	sbr.rel @!p2 .LBB2_12-.Ltmp12, $1  }
0xcf: {  	_ =	sdelay $0x3  }
0xd0: {  	v12 =	vsel vm2, $0x1, v6;
	(v2sf) =	vpush v11, $0x0  }
0xd1: {  	(v2sf) =	vpush v12, $0x0;
	_ =	sdelay $0xd  }
0xd2: {  	s24 =	spop (v2sf)  }
0xd3: {  	s25 =	spop (v2sf)  }
0xd4: {  	p3 =	seq.s32 s25, $0x0  }
0xd5: {  	p2 =	sgt.s32 @!p3 s24, $0x1867F  }
0xd6: {  	p4 =	por !p2, p3  }
0xd7: {  	s25 =	sadd.s32 @!p4 $0xFFFE7980, s24  }
0xd8: {  	v13 =	vmov @!p4 s25  }
0xd9: {  	v14 =	vand.u32 @!p4 $0xFFFFFF80, v13  }
0xda: {  	v13 =	vand.u32 @!p4 $0x7F, v13;
	v14 =	vadd.s32 @!p4 v8, v14  }
0xdb: {  	s26 =	simm.s32 @!p4 $0x1F800;
	s28 =	simm.s32 @!p4 $0x4;
	s25 =	simm.s32 @!p4 $0x0;
	v13 =	vor.u32 @!p4 v13, v14  }
0xdc: {  	[tilespmem:s26], [sflag:$0x4] =	stream.linear.gather @!p4 [hbm4b:s12+s25], $0x400, $0x38;
	[tilespmem:$0x1FC80] =	vst v63  }
0xdd: {  	_ =	swait.ge @!p4 [sflag:s28], $0x400  }
0xde: {  	[sflag:s28] =	ssyncset.done @!p4 $0x0  }
0xdf: {  	v14 =	vimm.f32 @!p4 $-Inf;
	[sflag:s28] =	ssyncadd.s32 @!p4 $0xFFFFFC00  }
0xe0: {  	p2 =	por p2, p3;
	[tilespmem:v13+s26+$0x0] =	vst.idx.msk @!p4 $0x1, v14  }
0xe1: {  	[hbm4b:s12+s25] =	stream.linear.scatter @!p4 [tilespmem:s26], [sflag:$0x4], $0x400, $0x38;
	[tilespmem:$0x1FC80] =	vst v63  }
0xe2: {  	s25 =	sshll.u32 @!p2 s24, $0x3  }
0xe3: {  	s24 =	sand.u32 @!p2 $0x7F, s24;
	s25 =	sand.u32 @!p2 $0x7FFFFC00, s25  }
0xe4: {  	v13 =	vor.u32 @!p2 s24, v7;
	s25 =	sadd.s32 @!p2 s6, s25  }
0xe5: {  	s28 =	simm.s32 @!p2 $0x4;
	v13 =	vbroadcast @!p2 v13, $0x0;
	s25 =	sshrl.u32 @!p2 s25, $0x3  }
0xe6: {  	s26 =	simm.s32 @!p2 $0x4000;
	s24 =	sadd.s32 @!p2 s2, s25;
	s25 =	simm.s32 @!p2 $0x0  }
0xe7: {  	[tilespmem:s26], [sflag:$0x4] =	stream.linear.gather @!p2 [hbm4b:s24+s25], $0x400, $0x38;
	[tilespmem:$0x1FC80] =	vst v63  }
0xe8: {  	_ =	swait.ge @!p2 [sflag:s28], $0x400  }
0xe9: {  	[sflag:s28] =	ssyncset.done @!p2 $0x0  }
0xea: {  	v14 =	vimm.f32 @!p2 $-Inf;
	[sflag:s28] =	ssyncadd.s32 @!p2 $0xFFFFFC00  }
0xeb: {  	[tilespmem:v13+s26+$0x0] =	vst.idx.msk @!p2 $0x1, v14  }
0xec: {  	[hbm4b:s24+s25] =	stream.linear.scatter @!p2 [tilespmem:s26], [sflag:$0x4], $0x400, $0x38;
	[tilespmem:$0x1FC80] =	vst v63  }
0xed: {  	s24 =	simm.s32 @!p3 $0x4  }
0xee: {  	_ =	swait.ge @!p3 [sflag:s24], $0x400  }
0xef: {  	(v2sf) =	vpush v11, $0x1  }
0xf0: {  	(v2sf) =	vpush v12, $0x1;
	_ =	sdelay $0xd  }
0xf1: {  	s25 =	spop (v2sf)  }
0xf2: {  	s29 =	spop (v2sf)  }
0xf3: {  	p2 =	seq.s32 s29, $0x0  }
0xf4: {  	p4 =	sgt.s32 @!p2 s25, $0x1867F  }
0xf5: {  	p5 =	por !p4, p2  }
0xf6: {  	s26 =	sadd.s32 @!p5 $0xFFFE7980, s25  }
0xf7: {  	v13 =	vmov @!p5 s26  }
0xf8: {  	[sflag:s24] =	ssyncset.done @!p3 $0x0;
	v14 =	vand.u32 @!p5 $0xFFFFFF80, v13  }
0xf9: {  	[sflag:s24] =	ssyncadd.s32 @!p3 $0xFFFFFC00;
	v13 =	vand.u32 @!p5 $0x7F, v13;
	v14 =	vadd.s32 @!p5 v8, v14  }
0xfa: {  	s24 =	simm.s32 @!p5 $0x0;
	s28 =	simm.s32 @!p5 $0x4;
	s26 =	simm.s32 @!p5 $0x1F800;
	v13 =	vor.u32 @!p5 v13, v14  }
0xfb: {  	[tilespmem:s26], [sflag:$0x4] =	stream.linear.gather @!p5 [hbm4b:s12+s24], $0x400, $0x38;
	[tilespmem:$0x1FC80] =	vst v63  }
0xfc: {  	_ =	swait.ge @!p5 [sflag:s28], $0x400  }
0xfd: {  	[sflag:s28] =	ssyncset.done @!p5 $0x0  }
0xfe: {  	v14 =	vimm.f32 @!p5 $-Inf;
	[sflag:s28] =	ssyncadd.s32 @!p5 $0xFFFFFC00  }
0xff: {  	p3 =	por p4, p2;
	[tilespmem:v13+s26+$0x0] =	vst.idx.msk @!p5 $0x1, v14  }
0x100: {  	[hbm4b:s12+s24] =	stream.linear.scatter @!p5 [tilespmem:s26], [sflag:$0x4], $0x400, $0x38;
	[tilespmem:$0x1FC80] =	vst v63  }
0x101: {  	s24 =	sshll.u32 @!p3 s25, $0x3  }
0x102: {  	s25 =	sand.u32 @!p3 $0x7F, s25;
	s24 =	sand.u32 @!p3 $0x7FFFFC00, s24  }
0x103: {  	v13 =	vor.u32 @!p3 s25, v7;
	s24 =	sadd.s32 @!p3 s6, s24  }
0x104: {  	s28 =	simm.s32 @!p3 $0x4;
	v13 =	vbroadcast @!p3 v13, $0x0;
	s24 =	sshrl.u32 @!p3 s24, $0x3  }
0x105: {  	s26 =	simm.s32 @!p3 $0x4000;
	s25 =	simm.s32 @!p3 $0x0;
	s24 =	sadd.s32 @!p3 s2, s24  }
0x106: {  	[tilespmem:s26], [sflag:$0x4] =	stream.linear.gather @!p3 [hbm4b:s24+s25], $0x400, $0x38;
	[tilespmem:$0x1FC80] =	vst v63  }
0x107: {  	_ =	swait.ge @!p3 [sflag:s28], $0x400  }
0x108: {  	[sflag:s28] =	ssyncset.done @!p3 $0x0  }
0x109: {  	v14 =	vimm.f32 @!p3 $-Inf;
	[sflag:s28] =	ssyncadd.s32 @!p3 $0xFFFFFC00  }
0x10a: {  	[tilespmem:v13+s26+$0x0] =	vst.idx.msk @!p3 $0x1, v14  }
0x10b: {  	[hbm4b:s24+s25] =	stream.linear.scatter @!p3 [tilespmem:s26], [sflag:$0x4], $0x400, $0x38;
	[tilespmem:$0x1FC80] =	vst v63  }
0x10c: {  	s24 =	simm.s32 @!p2 $0x4  }
0x10d: {  	_ =	swait.ge @!p2 [sflag:s24], $0x400  }
0x10e: {  	(v2sf) =	vpush v11, $0x2  }
0x10f: {  	(v2sf) =	vpush v12, $0x2;
	_ =	sdelay $0xd  }
0x110: {  	s25 =	spop (v2sf)  }
0x111: {  	s30 =	spop (v2sf)  }
0x112: {  	p3 =	seq.s32 s30, $0x0  }
0x113: {  	p4 =	sgt.s32 @!p3 s25, $0x1867F  }
0x114: {  	p5 =	por !p4, p3  }
0x115: {  	s26 =	sadd.s32 @!p5 $0xFFFE7980, s25  }
0x116: {  	v13 =	vmov @!p5 s26  }
0x117: {  	[sflag:s24] =	ssyncset.done @!p2 $0x0;
	v14 =	vand.u32 @!p5 $0xFFFFFF80, v13  }
0x118: {  	[sflag:s24] =	ssyncadd.s32 @!p2 $0xFFFFFC00;
	v13 =	vand.u32 @!p5 $0x7F, v13;
	v14 =	vadd.s32 @!p5 v8, v14  }
0x119: {  	s24 =	simm.s32 @!p5 $0x0;
	s28 =	simm.s32 @!p5 $0x4;
	s26 =	simm.s32 @!p5 $0x1F800;
	v13 =	vor.u32 @!p5 v13, v14  }
0x11a: {  	[tilespmem:s26], [sflag:$0x4] =	stream.linear.gather @!p5 [hbm4b:s12+s24], $0x400, $0x38;
	[tilespmem:$0x1FC80] =	vst v63  }
0x11b: {  	_ =	swait.ge @!p5 [sflag:s28], $0x400  }
0x11c: {  	[sflag:s28] =	ssyncset.done @!p5 $0x0  }
0x11d: {  	v14 =	vimm.f32 @!p5 $-Inf;
	[sflag:s28] =	ssyncadd.s32 @!p5 $0xFFFFFC00  }
0x11e: {  	p2 =	por p4, p3;
	[tilespmem:v13+s26+$0x0] =	vst.idx.msk @!p5 $0x1, v14  }
0x11f: {  	[hbm4b:s12+s24] =	stream.linear.scatter @!p5 [tilespmem:s26], [sflag:$0x4], $0x400, $0x38;
	[tilespmem:$0x1FC80] =	vst v63  }
0x120: {  	s24 =	sshll.u32 @!p2 s25, $0x3  }
0x121: {  	s25 =	sand.u32 @!p2 $0x7F, s25;
	s24 =	sand.u32 @!p2 $0x7FFFFC00, s24  }
0x122: {  	v13 =	vor.u32 @!p2 s25, v7;
	s24 =	sadd.s32 @!p2 s6, s24  }
0x123: {  	s28 =	simm.s32 @!p2 $0x4;
	v13 =	vbroadcast @!p2 v13, $0x0;
	s24 =	sshrl.u32 @!p2 s24, $0x3  }
0x124: {  	s26 =	simm.s32 @!p2 $0x4000;
	s25 =	simm.s32 @!p2 $0x0;
	s24 =	sadd.s32 @!p2 s2, s24  }
0x125: {  	[tilespmem:s26], [sflag:$0x4] =	stream.linear.gather @!p2 [hbm4b:s24+s25], $0x400, $0x38;
	[tilespmem:$0x1FC80] =	vst v63  }
0x126: {  	_ =	swait.ge @!p2 [sflag:s28], $0x400  }
0x127: {  	[sflag:s28] =	ssyncset.done @!p2 $0x0  }
0x128: {  	v14 =	vimm.f32 @!p2 $-Inf;
	[sflag:s28] =	ssyncadd.s32 @!p2 $0xFFFFFC00  }
0x129: {  	[tilespmem:v13+s26+$0x0] =	vst.idx.msk @!p2 $0x1, v14  }
0x12a: {  	[hbm4b:s24+s25] =	stream.linear.scatter @!p2 [tilespmem:s26], [sflag:$0x4], $0x400, $0x38;
	[tilespmem:$0x1FC80] =	vst v63  }
0x12b: {  	s24 =	simm.s32 @!p3 $0x4  }
0x12c: {  	_ =	swait.ge @!p3 [sflag:s24], $0x400  }
0x12d: {  	(v2sf) =	vpush v11, $0x3  }
0x12e: {  	(v2sf) =	vpush v12, $0x3;
	_ =	sdelay $0xd  }
0x12f: {  	s25 =	spop (v2sf)  }
0x130: {  	s31 =	spop (v2sf)  }
0x131: {  	p2 =	seq.s32 s31, $0x0  }
0x132: {  	p4 =	sgt.s32 @!p2 s25, $0x1867F  }
0x133: {  	p5 =	por !p4, p2  }
0x134: {  	s26 =	sadd.s32 @!p5 $0xFFFE7980, s25  }
0x135: {  	v13 =	vmov @!p5 s26  }
0x136: {  	[sflag:s24] =	ssyncset.done @!p3 $0x0;
	v14 =	vand.u32 @!p5 $0xFFFFFF80, v13  }
0x137: {  	[sflag:s24] =	ssyncadd.s32 @!p3 $0xFFFFFC00;
	v13 =	vand.u32 @!p5 $0x7F, v13;
	v14 =	vadd.s32 @!p5 v8, v14  }
0x138: {  	s24 =	simm.s32 @!p5 $0x0;
	s28 =	simm.s32 @!p5 $0x4;
	s26 =	simm.s32 @!p5 $0x1F800;
	v13 =	vor.u32 @!p5 v13, v14  }
0x139: {  	[tilespmem:s26], [sflag:$0x4] =	stream.linear.gather @!p5 [hbm4b:s12+s24], $0x400, $0x38;
	[tilespmem:$0x1FC80] =	vst v63  }
0x13a: {  	_ =	swait.ge @!p5 [sflag:s28], $0x400  }
0x13b: {  	[sflag:s28] =	ssyncset.done @!p5 $0x0  }
0x13c: {  	v14 =	vimm.f32 @!p5 $-Inf;
	[sflag:s28] =	ssyncadd.s32 @!p5 $0xFFFFFC00  }
0x13d: {  	p3 =	por p4, p2;
	[tilespmem:v13+s26+$0x0] =	vst.idx.msk @!p5 $0x1, v14  }
0x13e: {  	[hbm4b:s12+s24] =	stream.linear.scatter @!p5 [tilespmem:s26], [sflag:$0x4], $0x400, $0x38;
	[tilespmem:$0x1FC80] =	vst v63  }
0x13f: {  	s24 =	sshll.u32 @!p3 s25, $0x3  }
0x140: {  	s25 =	sand.u32 @!p3 $0x7F, s25;
	s24 =	sand.u32 @!p3 $0x7FFFFC00, s24  }
0x141: {  	v13 =	vor.u32 @!p3 s25, v7;
	s24 =	sadd.s32 @!p3 s6, s24  }
0x142: {  	s28 =	simm.s32 @!p3 $0x4;
	v13 =	vbroadcast @!p3 v13, $0x0;
	s24 =	sshrl.u32 @!p3 s24, $0x3  }
0x143: {  	s26 =	simm.s32 @!p3 $0x4000;
	s25 =	simm.s32 @!p3 $0x0;
	s24 =	sadd.s32 @!p3 s2, s24  }
0x144: {  	[tilespmem:s26], [sflag:$0x4] =	stream.linear.gather @!p3 [hbm4b:s24+s25], $0x400, $0x38;
	[tilespmem:$0x1FC80] =	vst v63  }
0x145: {  	_ =	swait.ge @!p3 [sflag:s28], $0x400  }
0x146: {  	[sflag:s28] =	ssyncset.done @!p3 $0x0  }
0x147: {  	v14 =	vimm.f32 @!p3 $-Inf;
	[sflag:s28] =	ssyncadd.s32 @!p3 $0xFFFFFC00  }
0x148: {  	[tilespmem:v13+s26+$0x0] =	vst.idx.msk @!p3 $0x1, v14  }
0x149: {  	[hbm4b:s24+s25] =	stream.linear.scatter @!p3 [tilespmem:s26], [sflag:$0x4], $0x400, $0x38;
	[tilespmem:$0x1FC80] =	vst v63  }
0x14a: {  	s24 =	simm.s32 @!p2 $0x4  }
0x14b: {  	_ =	swait.ge @!p2 [sflag:s24], $0x400  }
0x14c: {  	(v2sf) =	vpush v11, $0x4  }
0x14d: {  	(v2sf) =	vpush v12, $0x4;
	_ =	sdelay $0xd  }
0x14e: {  	s25 =	spop (v2sf)  }
0x14f: {  	s28 =	spop (v2sf)  }
0x150: {  	p3 =	seq.s32 s28, $0x0  }
0x151: {  	p4 =	sgt.s32 @!p3 s25, $0x1867F  }
0x152: {  	p5 =	por !p4, p3  }
0x153: {  	s26 =	sadd.s32 @!p5 $0xFFFE7980, s25  }
0x154: {  	v13 =	vmov @!p5 s26  }
0x155: {  	[sflag:s24] =	ssyncset.done @!p2 $0x0;
	v14 =	vand.u32 @!p5 $0xFFFFFF80, v13  }
0x156: {  	[sflag:s24] =	ssyncadd.s32 @!p2 $0xFFFFFC00;
	v13 =	vand.u32 @!p5 $0x7F, v13;
	v14 =	vadd.s32 @!p5 v8, v14  }
0x157: {  	s24 =	simm.s32 @!p5 $0x0;
	s28 =	simm.s32 @!p5 $0x4;
	s26 =	simm.s32 @!p5 $0x1F800;
	v13 =	vor.u32 @!p5 v13, v14  }
0x158: {  	[tilespmem:s26], [sflag:$0x4] =	stream.linear.gather @!p5 [hbm4b:s12+s24], $0x400, $0x38;
	[tilespmem:$0x1FC80] =	vst v63  }
0x159: {  	_ =	swait.ge @!p5 [sflag:s28], $0x400  }
0x15a: {  	[sflag:s28] =	ssyncset.done @!p5 $0x0  }
0x15b: {  	v14 =	vimm.f32 @!p5 $-Inf;
	[sflag:s28] =	ssyncadd.s32 @!p5 $0xFFFFFC00  }
0x15c: {  	p2 =	por p4, p3;
	[tilespmem:v13+s26+$0x0] =	vst.idx.msk @!p5 $0x1, v14  }
0x15d: {  	[hbm4b:s12+s24] =	stream.linear.scatter @!p5 [tilespmem:s26], [sflag:$0x4], $0x400, $0x38;
	[tilespmem:$0x1FC80] =	vst v63  }
0x15e: {  	s24 =	sshll.u32 @!p2 s25, $0x3  }
0x15f: {  	s25 =	sand.u32 @!p2 $0x7F, s25;
	s24 =	sand.u32 @!p2 $0x7FFFFC00, s24  }
0x160: {  	v13 =	vor.u32 @!p2 s25, v7;
	s24 =	sadd.s32 @!p2 s6, s24  }
0x161: {  	s28 =	simm.s32 @!p2 $0x4;
	v13 =	vbroadcast @!p2 v13, $0x0;
	s24 =	sshrl.u32 @!p2 s24, $0x3  }
0x162: {  	s26 =	simm.s32 @!p2 $0x4000;
	s25 =	simm.s32 @!p2 $0x0;
	s24 =	sadd.s32 @!p2 s2, s24  }
0x163: {  	[tilespmem:s26], [sflag:$0x4] =	stream.linear.gather @!p2 [hbm4b:s24+s25], $0x400, $0x38;
	[tilespmem:$0x1FC80] =	vst v63  }
0x164: {  	_ =	swait.ge @!p2 [sflag:s28], $0x400  }
0x165: {  	[sflag:s28] =	ssyncset.done @!p2 $0x0  }
0x166: {  	v14 =	vimm.f32 @!p2 $-Inf;
	[sflag:s28] =	ssyncadd.s32 @!p2 $0xFFFFFC00  }
0x167: {  	[tilespmem:v13+s26+$0x0] =	vst.idx.msk @!p2 $0x1, v14  }
0x168: {  	[hbm4b:s24+s25] =	stream.linear.scatter @!p2 [tilespmem:s26], [sflag:$0x4], $0x400, $0x38;
	[tilespmem:$0x1FC80] =	vst v63  }
0x169: {  	s24 =	simm.s32 @!p3 $0x4  }
0x16a: {  	_ =	swait.ge @!p3 [sflag:s24], $0x400  }
0x16b: {  	(v2sf) =	vpush v11, $0x5  }
0x16c: {  	(v2sf) =	vpush v12, $0x5;
	_ =	sdelay $0xd  }
0x16d: {  	s25 =	spop (v2sf)  }
0x16e: {  	s29 =	spop (v2sf)  }
0x16f: {  	p2 =	seq.s32 s29, $0x0  }
0x170: {  	p4 =	sgt.s32 @!p2 s25, $0x1867F  }
0x171: {  	p5 =	por !p4, p2  }
0x172: {  	s26 =	sadd.s32 @!p5 $0xFFFE7980, s25  }
0x173: {  	v13 =	vmov @!p5 s26  }
0x174: {  	[sflag:s24] =	ssyncset.done @!p3 $0x0;
	v14 =	vand.u32 @!p5 $0xFFFFFF80, v13  }
0x175: {  	[sflag:s24] =	ssyncadd.s32 @!p3 $0xFFFFFC00;
	v13 =	vand.u32 @!p5 $0x7F, v13;
	v14 =	vadd.s32 @!p5 v8, v14  }
0x176: {  	s24 =	simm.s32 @!p5 $0x0;
	s28 =	simm.s32 @!p5 $0x4;
	s26 =	simm.s32 @!p5 $0x1F800;
	v13 =	vor.u32 @!p5 v13, v14  }
0x177: {  	[tilespmem:s26], [sflag:$0x4] =	stream.linear.gather @!p5 [hbm4b:s12+s24], $0x400, $0x38;
	[tilespmem:$0x1FC80] =	vst v63  }
0x178: {  	_ =	swait.ge @!p5 [sflag:s28], $0x400  }
0x179: {  	[sflag:s28] =	ssyncset.done @!p5 $0x0  }
0x17a: {  	v14 =	vimm.f32 @!p5 $-Inf;
	[sflag:s28] =	ssyncadd.s32 @!p5 $0xFFFFFC00  }
0x17b: {  	p3 =	por p4, p2;
	[tilespmem:v13+s26+$0x0] =	vst.idx.msk @!p5 $0x1, v14  }
0x17c: {  	[hbm4b:s12+s24] =	stream.linear.scatter @!p5 [tilespmem:s26], [sflag:$0x4], $0x400, $0x38;
	[tilespmem:$0x1FC80] =	vst v63  }
0x17d: {  	s24 =	sshll.u32 @!p3 s25, $0x3  }
0x17e: {  	s25 =	sand.u32 @!p3 $0x7F, s25;
	s24 =	sand.u32 @!p3 $0x7FFFFC00, s24  }
0x17f: {  	v13 =	vor.u32 @!p3 s25, v7;
	s24 =	sadd.s32 @!p3 s6, s24  }
0x180: {  	s28 =	simm.s32 @!p3 $0x4;
	v13 =	vbroadcast @!p3 v13, $0x0;
	s24 =	sshrl.u32 @!p3 s24, $0x3  }
0x181: {  	s26 =	simm.s32 @!p3 $0x4000;
	s25 =	simm.s32 @!p3 $0x0;
	s24 =	sadd.s32 @!p3 s2, s24  }
0x182: {  	[tilespmem:s26], [sflag:$0x4] =	stream.linear.gather @!p3 [hbm4b:s24+s25], $0x400, $0x38;
	[tilespmem:$0x1FC80] =	vst v63  }
0x183: {  	_ =	swait.ge @!p3 [sflag:s28], $0x400  }
0x184: {  	[sflag:s28] =	ssyncset.done @!p3 $0x0  }
0x185: {  	v14 =	vimm.f32 @!p3 $-Inf;
	[sflag:s28] =	ssyncadd.s32 @!p3 $0xFFFFFC00  }
0x186: {  	[tilespmem:v13+s26+$0x0] =	vst.idx.msk @!p3 $0x1, v14  }
0x187: {  	[hbm4b:s24+s25] =	stream.linear.scatter @!p3 [tilespmem:s26], [sflag:$0x4], $0x400, $0x38;
	[tilespmem:$0x1FC80] =	vst v63  }
0x188: {  	s24 =	simm.s32 @!p2 $0x4  }
0x189: {  	_ =	swait.ge @!p2 [sflag:s24], $0x400  }
0x18a: {  	(v2sf) =	vpush v11, $0x6  }
0x18b: {  	(v2sf) =	vpush v12, $0x6;
	_ =	sdelay $0xd  }
0x18c: {  	s25 =	spop (v2sf)  }
0x18d: {  	s30 =	spop (v2sf)  }
0x18e: {  	p3 =	seq.s32 s30, $0x0  }
0x18f: {  	p4 =	sgt.s32 @!p3 s25, $0x1867F  }
0x190: {  	p5 =	por !p4, p3  }
0x191: {  	s26 =	sadd.s32 @!p5 $0xFFFE7980, s25  }
0x192: {  	v13 =	vmov @!p5 s26  }
0x193: {  	[sflag:s24] =	ssyncset.done @!p2 $0x0;
	v14 =	vand.u32 @!p5 $0xFFFFFF80, v13  }
0x194: {  	[sflag:s24] =	ssyncadd.s32 @!p2 $0xFFFFFC00;
	v13 =	vand.u32 @!p5 $0x7F, v13;
	v14 =	vadd.s32 @!p5 v8, v14  }
0x195: {  	s24 =	simm.s32 @!p5 $0x0;
	s28 =	simm.s32 @!p5 $0x4;
	s26 =	simm.s32 @!p5 $0x1F800;
	v13 =	vor.u32 @!p5 v13, v14  }
0x196: {  	[tilespmem:s26], [sflag:$0x4] =	stream.linear.gather @!p5 [hbm4b:s12+s24], $0x400, $0x38;
	[tilespmem:$0x1FC80] =	vst v63  }
0x197: {  	_ =	swait.ge @!p5 [sflag:s28], $0x400  }
0x198: {  	[sflag:s28] =	ssyncset.done @!p5 $0x0  }
0x199: {  	v14 =	vimm.f32 @!p5 $-Inf;
	[sflag:s28] =	ssyncadd.s32 @!p5 $0xFFFFFC00  }
0x19a: {  	p2 =	por p4, p3;
	[tilespmem:v13+s26+$0x0] =	vst.idx.msk @!p5 $0x1, v14  }
0x19b: {  	[hbm4b:s12+s24] =	stream.linear.scatter @!p5 [tilespmem:s26], [sflag:$0x4], $0x400, $0x38;
	[tilespmem:$0x1FC80] =	vst v63  }
0x19c: {  	s24 =	sshll.u32 @!p2 s25, $0x3  }
0x19d: {  	s25 =	sand.u32 @!p2 $0x7F, s25;
	s24 =	sand.u32 @!p2 $0x7FFFFC00, s24  }
0x19e: {  	v13 =	vor.u32 @!p2 s25, v7;
	s24 =	sadd.s32 @!p2 s6, s24  }
0x19f: {  	s28 =	simm.s32 @!p2 $0x4;
	v13 =	vbroadcast @!p2 v13, $0x0;
	s24 =	sshrl.u32 @!p2 s24, $0x3  }
0x1a0: {  	s26 =	simm.s32 @!p2 $0x4000;
	s25 =	simm.s32 @!p2 $0x0;
	s24 =	sadd.s32 @!p2 s2, s24  }
0x1a1: {  	[tilespmem:s26], [sflag:$0x4] =	stream.linear.gather @!p2 [hbm4b:s24+s25], $0x400, $0x38;
	[tilespmem:$0x1FC80] =	vst v63  }
0x1a2: {  	_ =	swait.ge @!p2 [sflag:s28], $0x400  }
0x1a3: {  	[sflag:s28] =	ssyncset.done @!p2 $0x0  }
0x1a4: {  	v14 =	vimm.f32 @!p2 $-Inf;
	[sflag:s28] =	ssyncadd.s32 @!p2 $0xFFFFFC00  }
0x1a5: {  	[tilespmem:v13+s26+$0x0] =	vst.idx.msk @!p2 $0x1, v14  }
0x1a6: {  	[hbm4b:s24+s25] =	stream.linear.scatter @!p2 [tilespmem:s26], [sflag:$0x4], $0x400, $0x38;
	[tilespmem:$0x1FC80] =	vst v63  }
0x1a7: {  	s24 =	simm.s32 @!p3 $0x4  }
0x1a8: {  	_ =	swait.ge @!p3 [sflag:s24], $0x400  }
0x1a9: {  	(v2sf) =	vpush v11, $0x7  }
0x1aa: {  	(v2sf) =	vpush v12, $0x7;
	_ =	sdelay $0xd  }
0x1ab: {  	s25 =	spop (v2sf)  }
0x1ac: {  	s31 =	spop (v2sf)  }
0x1ad: {  	p2 =	seq.s32 s31, $0x0  }
0x1ae: {  	p4 =	sgt.s32 @!p2 s25, $0x1867F  }
0x1af: {  	p5 =	por !p4, p2  }
0x1b0: {  	s26 =	sadd.s32 @!p5 $0xFFFE7980, s25  }
0x1b1: {  	v13 =	vmov @!p5 s26  }
0x1b2: {  	[sflag:s24] =	ssyncset.done @!p3 $0x0;
	v14 =	vand.u32 @!p5 $0xFFFFFF80, v13  }
0x1b3: {  	[sflag:s24] =	ssyncadd.s32 @!p3 $0xFFFFFC00;
	v13 =	vand.u32 @!p5 $0x7F, v13;
	v14 =	vadd.s32 @!p5 v8, v14  }
0x1b4: {  	s24 =	simm.s32 @!p5 $0x0;
	s28 =	simm.s32 @!p5 $0x4;
	s26 =	simm.s32 @!p5 $0x1F800;
	v13 =	vor.u32 @!p5 v13, v14  }
0x1b5: {  	[tilespmem:s26], [sflag:$0x4] =	stream.linear.gather @!p5 [hbm4b:s12+s24], $0x400, $0x38;
	[tilespmem:$0x1FC80] =	vst v63  }
0x1b6: {  	_ =	swait.ge @!p5 [sflag:s28], $0x400  }
0x1b7: {  	[sflag:s28] =	ssyncset.done @!p5 $0x0  }
0x1b8: {  	v14 =	vimm.f32 @!p5 $-Inf;
	[sflag:s28] =	ssyncadd.s32 @!p5 $0xFFFFFC00  }
0x1b9: {  	p3 =	por p4, p2;
	[tilespmem:v13+s26+$0x0] =	vst.idx.msk @!p5 $0x1, v14  }
0x1ba: {  	[hbm4b:s12+s24] =	stream.linear.scatter @!p5 [tilespmem:s26], [sflag:$0x4], $0x400, $0x38;
	[tilespmem:$0x1FC80] =	vst v63  }
0x1bb: {  	s24 =	sshll.u32 @!p3 s25, $0x3  }
0x1bc: {  	s25 =	sand.u32 @!p3 $0x7F, s25;
	s24 =	sand.u32 @!p3 $0x7FFFFC00, s24  }
0x1bd: {  	v13 =	vor.u32 @!p3 s25, v7;
	s24 =	sadd.s32 @!p3 s6, s24  }
0x1be: {  	s28 =	simm.s32 @!p3 $0x4;
	v13 =	vbroadcast @!p3 v13, $0x0;
	s24 =	sshrl.u32 @!p3 s24, $0x3  }
0x1bf: {  	s26 =	simm.s32 @!p3 $0x4000;
	s25 =	simm.s32 @!p3 $0x0;
	s24 =	sadd.s32 @!p3 s2, s24  }
0x1c0: {  	[tilespmem:s26], [sflag:$0x4] =	stream.linear.gather @!p3 [hbm4b:s24+s25], $0x400, $0x38;
	[tilespmem:$0x1FC80] =	vst v63  }
0x1c1: {  	_ =	swait.ge @!p3 [sflag:s28], $0x400  }
0x1c2: {  	[sflag:s28] =	ssyncset.done @!p3 $0x0  }
0x1c3: {  	v14 =	vimm.f32 @!p3 $-Inf;
	[sflag:s28] =	ssyncadd.s32 @!p3 $0xFFFFFC00  }
0x1c4: {  	[tilespmem:v13+s26+$0x0] =	vst.idx.msk @!p3 $0x1, v14  }
0x1c5: {  	[hbm4b:s24+s25] =	stream.linear.scatter @!p3 [tilespmem:s26], [sflag:$0x4], $0x400, $0x38;
	[tilespmem:$0x1FC80] =	vst v63  }
0x1c6: {  	s24 =	simm.s32 @!p2 $0x4  }
0x1c7: {  	_ =	swait.ge @!p2 [sflag:s24], $0x400  }
0x1c8: {  	(v2sf) =	vpush v11, $0x8  }
0x1c9: {  	(v2sf) =	vpush v12, $0x8;
	_ =	sdelay $0xd  }
0x1ca: {  	s25 =	spop (v2sf)  }
0x1cb: {  	s28 =	spop (v2sf)  }
0x1cc: {  	p3 =	seq.s32 s28, $0x0  }
0x1cd: {  	p4 =	sgt.s32 @!p3 s25, $0x1867F  }
0x1ce: {  	p5 =	por !p4, p3  }
0x1cf: {  	s26 =	sadd.s32 @!p5 $0xFFFE7980, s25  }
0x1d0: {  	v13 =	vmov @!p5 s26  }
0x1d1: {  	[sflag:s24] =	ssyncset.done @!p2 $0x0;
	v14 =	vand.u32 @!p5 $0xFFFFFF80, v13  }
0x1d2: {  	[sflag:s24] =	ssyncadd.s32 @!p2 $0xFFFFFC00;
	v13 =	vand.u32 @!p5 $0x7F, v13;
	v14 =	vadd.s32 @!p5 v8, v14  }
0x1d3: {  	s24 =	simm.s32 @!p5 $0x0;
	s28 =	simm.s32 @!p5 $0x4;
	s26 =	simm.s32 @!p5 $0x1F800;
	v13 =	vor.u32 @!p5 v13, v14  }
0x1d4: {  	[tilespmem:s26], [sflag:$0x4] =	stream.linear.gather @!p5 [hbm4b:s12+s24], $0x400, $0x38;
	[tilespmem:$0x1FC80] =	vst v63  }
0x1d5: {  	_ =	swait.ge @!p5 [sflag:s28], $0x400  }
0x1d6: {  	[sflag:s28] =	ssyncset.done @!p5 $0x0  }
0x1d7: {  	v14 =	vimm.f32 @!p5 $-Inf;
	[sflag:s28] =	ssyncadd.s32 @!p5 $0xFFFFFC00  }
0x1d8: {  	p2 =	por p4, p3;
	[tilespmem:v13+s26+$0x0] =	vst.idx.msk @!p5 $0x1, v14  }
0x1d9: {  	[hbm4b:s12+s24] =	stream.linear.scatter @!p5 [tilespmem:s26], [sflag:$0x4], $0x400, $0x38;
	[tilespmem:$0x1FC80] =	vst v63  }
0x1da: {  	s24 =	sshll.u32 @!p2 s25, $0x3  }
0x1db: {  	s25 =	sand.u32 @!p2 $0x7F, s25;
	s24 =	sand.u32 @!p2 $0x7FFFFC00, s24  }
0x1dc: {  	v13 =	vor.u32 @!p2 s25, v7;
	s24 =	sadd.s32 @!p2 s6, s24  }
0x1dd: {  	s28 =	simm.s32 @!p2 $0x4;
	v13 =	vbroadcast @!p2 v13, $0x0;
	s24 =	sshrl.u32 @!p2 s24, $0x3  }
0x1de: {  	s26 =	simm.s32 @!p2 $0x4000;
	s25 =	simm.s32 @!p2 $0x0;
	s24 =	sadd.s32 @!p2 s2, s24  }
0x1df: {  	[tilespmem:s26], [sflag:$0x4] =	stream.linear.gather @!p2 [hbm4b:s24+s25], $0x400, $0x38;
	[tilespmem:$0x1FC80] =	vst v63  }
0x1e0: {  	_ =	swait.ge @!p2 [sflag:s28], $0x400  }
0x1e1: {  	[sflag:s28] =	ssyncset.done @!p2 $0x0  }
0x1e2: {  	v14 =	vimm.f32 @!p2 $-Inf;
	[sflag:s28] =	ssyncadd.s32 @!p2 $0xFFFFFC00  }
0x1e3: {  	[tilespmem:v13+s26+$0x0] =	vst.idx.msk @!p2 $0x1, v14  }
0x1e4: {  	[hbm4b:s24+s25] =	stream.linear.scatter @!p2 [tilespmem:s26], [sflag:$0x4], $0x400, $0x38;
	[tilespmem:$0x1FC80] =	vst v63  }
0x1e5: {  	s24 =	simm.s32 @!p3 $0x4  }
0x1e6: {  	_ =	swait.ge @!p3 [sflag:s24], $0x400  }
0x1e7: {  	(v2sf) =	vpush v11, $0x9  }
0x1e8: {  	(v2sf) =	vpush v12, $0x9;
	_ =	sdelay $0xd  }
0x1e9: {  	s25 =	spop (v2sf)  }
0x1ea: {  	s29 =	spop (v2sf)  }
0x1eb: {  	p2 =	seq.s32 s29, $0x0  }
0x1ec: {  	p4 =	sgt.s32 @!p2 s25, $0x1867F  }
0x1ed: {  	p5 =	por !p4, p2  }
0x1ee: {  	s26 =	sadd.s32 @!p5 $0xFFFE7980, s25  }
0x1ef: {  	v13 =	vmov @!p5 s26  }
0x1f0: {  	[sflag:s24] =	ssyncset.done @!p3 $0x0;
	v14 =	vand.u32 @!p5 $0xFFFFFF80, v13  }
0x1f1: {  	[sflag:s24] =	ssyncadd.s32 @!p3 $0xFFFFFC00;
	v13 =	vand.u32 @!p5 $0x7F, v13;
	v14 =	vadd.s32 @!p5 v8, v14  }
0x1f2: {  	s24 =	simm.s32 @!p5 $0x0;
	s28 =	simm.s32 @!p5 $0x4;
	s26 =	simm.s32 @!p5 $0x1F800;
	v13 =	vor.u32 @!p5 v13, v14  }
0x1f3: {  	[tilespmem:s26], [sflag:$0x4] =	stream.linear.gather @!p5 [hbm4b:s12+s24], $0x400, $0x38;
	[tilespmem:$0x1FC80] =	vst v63  }
0x1f4: {  	_ =	swait.ge @!p5 [sflag:s28], $0x400  }
0x1f5: {  	[sflag:s28] =	ssyncset.done @!p5 $0x0  }
0x1f6: {  	v14 =	vimm.f32 @!p5 $-Inf;
	[sflag:s28] =	ssyncadd.s32 @!p5 $0xFFFFFC00  }
0x1f7: {  	p3 =	por p4, p2;
	[tilespmem:v13+s26+$0x0] =	vst.idx.msk @!p5 $0x1, v14  }
0x1f8: {  	[hbm4b:s12+s24] =	stream.linear.scatter @!p5 [tilespmem:s26], [sflag:$0x4], $0x400, $0x38;
	[tilespmem:$0x1FC80] =	vst v63  }
0x1f9: {  	s24 =	sshll.u32 @!p3 s25, $0x3  }
0x1fa: {  	s25 =	sand.u32 @!p3 $0x7F, s25;
	s24 =	sand.u32 @!p3 $0x7FFFFC00, s24  }
0x1fb: {  	v13 =	vor.u32 @!p3 s25, v7;
	s24 =	sadd.s32 @!p3 s6, s24  }
0x1fc: {  	s28 =	simm.s32 @!p3 $0x4;
	v13 =	vbroadcast @!p3 v13, $0x0;
	s24 =	sshrl.u32 @!p3 s24, $0x3  }
0x1fd: {  	s26 =	simm.s32 @!p3 $0x4000;
	s25 =	simm.s32 @!p3 $0x0;
	s24 =	sadd.s32 @!p3 s2, s24  }
0x1fe: {  	[tilespmem:s26], [sflag:$0x4] =	stream.linear.gather @!p3 [hbm4b:s24+s25], $0x400, $0x38;
	[tilespmem:$0x1FC80] =	vst v63  }
0x1ff: {  	_ =	swait.ge @!p3 [sflag:s28], $0x400  }
0x200: {  	[sflag:s28] =	ssyncset.done @!p3 $0x0  }
0x201: {  	v14 =	vimm.f32 @!p3 $-Inf;
	[sflag:s28] =	ssyncadd.s32 @!p3 $0xFFFFFC00  }
0x202: {  	[tilespmem:v13+s26+$0x0] =	vst.idx.msk @!p3 $0x1, v14  }
0x203: {  	[hbm4b:s24+s25] =	stream.linear.scatter @!p3 [tilespmem:s26], [sflag:$0x4], $0x400, $0x38;
	[tilespmem:$0x1FC80] =	vst v63  }
0x204: {  	s24 =	simm.s32 @!p2 $0x4  }
0x205: {  	_ =	swait.ge @!p2 [sflag:s24], $0x400  }
0x206: {  	(v2sf) =	vpush v11, $0xA  }
0x207: {  	(v2sf) =	vpush v12, $0xA;
	_ =	sdelay $0xd  }
0x208: {  	s25 =	spop (v2sf)  }
0x209: {  	s30 =	spop (v2sf)  }
0x20a: {  	p3 =	seq.s32 s30, $0x0  }
0x20b: {  	p4 =	sgt.s32 @!p3 s25, $0x1867F  }
0x20c: {  	p5 =	por !p4, p3  }
0x20d: {  	s26 =	sadd.s32 @!p5 $0xFFFE7980, s25  }
0x20e: {  	v13 =	vmov @!p5 s26  }
0x20f: {  	[sflag:s24] =	ssyncset.done @!p2 $0x0;
	v14 =	vand.u32 @!p5 $0xFFFFFF80, v13  }
0x210: {  	[sflag:s24] =	ssyncadd.s32 @!p2 $0xFFFFFC00;
	v13 =	vand.u32 @!p5 $0x7F, v13;
	v14 =	vadd.s32 @!p5 v8, v14  }
0x211: {  	s24 =	simm.s32 @!p5 $0x0;
	s28 =	simm.s32 @!p5 $0x4;
	s26 =	simm.s32 @!p5 $0x1F800;
	v13 =	vor.u32 @!p5 v13, v14  }
0x212: {  	[tilespmem:s26], [sflag:$0x4] =	stream.linear.gather @!p5 [hbm4b:s12+s24], $0x400, $0x38;
	[tilespmem:$0x1FC80] =	vst v63  }
0x213: {  	_ =	swait.ge @!p5 [sflag:s28], $0x400  }
0x214: {  	[sflag:s28] =	ssyncset.done @!p5 $0x0  }
0x215: {  	v14 =	vimm.f32 @!p5 $-Inf;
	[sflag:s28] =	ssyncadd.s32 @!p5 $0xFFFFFC00  }
0x216: {  	p2 =	por p4, p3;
	[tilespmem:v13+s26+$0x0] =	vst.idx.msk @!p5 $0x1, v14  }
0x217: {  	[hbm4b:s12+s24] =	stream.linear.scatter @!p5 [tilespmem:s26], [sflag:$0x4], $0x400, $0x38;
	[tilespmem:$0x1FC80] =	vst v63  }
0x218: {  	s24 =	sshll.u32 @!p2 s25, $0x3  }
0x219: {  	s25 =	sand.u32 @!p2 $0x7F, s25;
	s24 =	sand.u32 @!p2 $0x7FFFFC00, s24  }
0x21a: {  	v13 =	vor.u32 @!p2 s25, v7;
	s24 =	sadd.s32 @!p2 s6, s24  }
0x21b: {  	s28 =	simm.s32 @!p2 $0x4;
	v13 =	vbroadcast @!p2 v13, $0x0;
	s24 =	sshrl.u32 @!p2 s24, $0x3  }
0x21c: {  	s26 =	simm.s32 @!p2 $0x4000;
	s25 =	simm.s32 @!p2 $0x0;
	s24 =	sadd.s32 @!p2 s2, s24  }
0x21d: {  	[tilespmem:s26], [sflag:$0x4] =	stream.linear.gather @!p2 [hbm4b:s24+s25], $0x400, $0x38;
	[tilespmem:$0x1FC80] =	vst v63  }
0x21e: {  	_ =	swait.ge @!p2 [sflag:s28], $0x400  }
0x21f: {  	[sflag:s28] =	ssyncset.done @!p2 $0x0  }
0x220: {  	v14 =	vimm.f32 @!p2 $-Inf;
	[sflag:s28] =	ssyncadd.s32 @!p2 $0xFFFFFC00  }
0x221: {  	[tilespmem:v13+s26+$0x0] =	vst.idx.msk @!p2 $0x1, v14  }
0x222: {  	[hbm4b:s24+s25] =	stream.linear.scatter @!p2 [tilespmem:s26], [sflag:$0x4], $0x400, $0x38;
	[tilespmem:$0x1FC80] =	vst v63  }
0x223: {  	s24 =	simm.s32 @!p3 $0x4  }
0x224: {  	_ =	swait.ge @!p3 [sflag:s24], $0x400  }
0x225: {  	(v2sf) =	vpush v11, $0xB  }
0x226: {  	(v2sf) =	vpush v12, $0xB;
	_ =	sdelay $0xd  }
0x227: {  	s25 =	spop (v2sf)  }
0x228: {  	s31 =	spop (v2sf)  }
0x229: {  	p2 =	seq.s32 s31, $0x0  }
0x22a: {  	p4 =	sgt.s32 @!p2 s25, $0x1867F  }
0x22b: {  	p5 =	por !p4, p2  }
0x22c: {  	s26 =	sadd.s32 @!p5 $0xFFFE7980, s25  }
0x22d: {  	v13 =	vmov @!p5 s26  }
0x22e: {  	[sflag:s24] =	ssyncset.done @!p3 $0x0;
	v14 =	vand.u32 @!p5 $0xFFFFFF80, v13  }
0x22f: {  	[sflag:s24] =	ssyncadd.s32 @!p3 $0xFFFFFC00;
	v13 =	vand.u32 @!p5 $0x7F, v13;
	v14 =	vadd.s32 @!p5 v8, v14  }
0x230: {  	s24 =	simm.s32 @!p5 $0x0;
	s28 =	simm.s32 @!p5 $0x4;
	s26 =	simm.s32 @!p5 $0x1F800;
	v13 =	vor.u32 @!p5 v13, v14  }
0x231: {  	[tilespmem:s26], [sflag:$0x4] =	stream.linear.gather @!p5 [hbm4b:s12+s24], $0x400, $0x38;
	[tilespmem:$0x1FC80] =	vst v63  }
0x232: {  	_ =	swait.ge @!p5 [sflag:s28], $0x400  }
0x233: {  	[sflag:s28] =	ssyncset.done @!p5 $0x0  }
0x234: {  	v14 =	vimm.f32 @!p5 $-Inf;
	[sflag:s28] =	ssyncadd.s32 @!p5 $0xFFFFFC00  }
0x235: {  	p3 =	por p4, p2;
	[tilespmem:v13+s26+$0x0] =	vst.idx.msk @!p5 $0x1, v14  }
0x236: {  	[hbm4b:s12+s24] =	stream.linear.scatter @!p5 [tilespmem:s26], [sflag:$0x4], $0x400, $0x38;
	[tilespmem:$0x1FC80] =	vst v63  }
0x237: {  	s24 =	sshll.u32 @!p3 s25, $0x3  }
0x238: {  	s25 =	sand.u32 @!p3 $0x7F, s25;
	s24 =	sand.u32 @!p3 $0x7FFFFC00, s24  }
0x239: {  	v13 =	vor.u32 @!p3 s25, v7;
	s24 =	sadd.s32 @!p3 s6, s24  }
0x23a: {  	s28 =	simm.s32 @!p3 $0x4;
	v13 =	vbroadcast @!p3 v13, $0x0;
	s24 =	sshrl.u32 @!p3 s24, $0x3  }
0x23b: {  	s26 =	simm.s32 @!p3 $0x4000;
	s25 =	simm.s32 @!p3 $0x0;
	s24 =	sadd.s32 @!p3 s2, s24  }
0x23c: {  	[tilespmem:s26], [sflag:$0x4] =	stream.linear.gather @!p3 [hbm4b:s24+s25], $0x400, $0x38;
	[tilespmem:$0x1FC80] =	vst v63  }
0x23d: {  	_ =	swait.ge @!p3 [sflag:s28], $0x400  }
0x23e: {  	[sflag:s28] =	ssyncset.done @!p3 $0x0  }
0x23f: {  	v14 =	vimm.f32 @!p3 $-Inf;
	[sflag:s28] =	ssyncadd.s32 @!p3 $0xFFFFFC00  }
0x240: {  	[tilespmem:v13+s26+$0x0] =	vst.idx.msk @!p3 $0x1, v14  }
0x241: {  	[hbm4b:s24+s25] =	stream.linear.scatter @!p3 [tilespmem:s26], [sflag:$0x4], $0x400, $0x38;
	[tilespmem:$0x1FC80] =	vst v63  }
0x242: {  	s24 =	simm.s32 @!p2 $0x4  }
0x243: {  	_ =	swait.ge @!p2 [sflag:s24], $0x400  }
0x244: {  	(v2sf) =	vpush v11, $0xC  }
0x245: {  	(v2sf) =	vpush v12, $0xC;
	_ =	sdelay $0xd  }
0x246: {  	s25 =	spop (v2sf)  }
0x247: {  	s28 =	spop (v2sf)  }
0x248: {  	p3 =	seq.s32 s28, $0x0  }
0x249: {  	p4 =	sgt.s32 @!p3 s25, $0x1867F  }
0x24a: {  	p5 =	por !p4, p3  }
0x24b: {  	s26 =	sadd.s32 @!p5 $0xFFFE7980, s25  }
0x24c: {  	v13 =	vmov @!p5 s26  }
0x24d: {  	[sflag:s24] =	ssyncset.done @!p2 $0x0;
	v14 =	vand.u32 @!p5 $0xFFFFFF80, v13  }
0x24e: {  	[sflag:s24] =	ssyncadd.s32 @!p2 $0xFFFFFC00;
	v13 =	vand.u32 @!p5 $0x7F, v13;
	v14 =	vadd.s32 @!p5 v8, v14  }
0x24f: {  	s24 =	simm.s32 @!p5 $0x0;
	s28 =	simm.s32 @!p5 $0x4;
	s26 =	simm.s32 @!p5 $0x1F800;
	v13 =	vor.u32 @!p5 v13, v14  }
0x250: {  	[tilespmem:s26], [sflag:$0x4] =	stream.linear.gather @!p5 [hbm4b:s12+s24], $0x400, $0x38;
	[tilespmem:$0x1FC80] =	vst v63  }
0x251: {  	_ =	swait.ge @!p5 [sflag:s28], $0x400  }
0x252: {  	[sflag:s28] =	ssyncset.done @!p5 $0x0  }
0x253: {  	v14 =	vimm.f32 @!p5 $-Inf;
	[sflag:s28] =	ssyncadd.s32 @!p5 $0xFFFFFC00  }
0x254: {  	p2 =	por p4, p3;
	[tilespmem:v13+s26+$0x0] =	vst.idx.msk @!p5 $0x1, v14  }
0x255: {  	[hbm4b:s12+s24] =	stream.linear.scatter @!p5 [tilespmem:s26], [sflag:$0x4], $0x400, $0x38;
	[tilespmem:$0x1FC80] =	vst v63  }
0x256: {  	s24 =	sshll.u32 @!p2 s25, $0x3  }
0x257: {  	s25 =	sand.u32 @!p2 $0x7F, s25;
	s24 =	sand.u32 @!p2 $0x7FFFFC00, s24  }
0x258: {  	v13 =	vor.u32 @!p2 s25, v7;
	s24 =	sadd.s32 @!p2 s6, s24  }
0x259: {  	s28 =	simm.s32 @!p2 $0x4;
	v13 =	vbroadcast @!p2 v13, $0x0;
	s24 =	sshrl.u32 @!p2 s24, $0x3  }
0x25a: {  	s26 =	simm.s32 @!p2 $0x4000;
	s25 =	simm.s32 @!p2 $0x0;
	s24 =	sadd.s32 @!p2 s2, s24  }
0x25b: {  	[tilespmem:s26], [sflag:$0x4] =	stream.linear.gather @!p2 [hbm4b:s24+s25], $0x400, $0x38;
	[tilespmem:$0x1FC80] =	vst v63  }
0x25c: {  	_ =	swait.ge @!p2 [sflag:s28], $0x400  }
0x25d: {  	[sflag:s28] =	ssyncset.done @!p2 $0x0  }
0x25e: {  	v14 =	vimm.f32 @!p2 $-Inf;
	[sflag:s28] =	ssyncadd.s32 @!p2 $0xFFFFFC00  }
0x25f: {  	[tilespmem:v13+s26+$0x0] =	vst.idx.msk @!p2 $0x1, v14  }
0x260: {  	[hbm4b:s24+s25] =	stream.linear.scatter @!p2 [tilespmem:s26], [sflag:$0x4], $0x400, $0x38;
	[tilespmem:$0x1FC80] =	vst v63  }
0x261: {  	s24 =	simm.s32 @!p3 $0x4  }
0x262: {  	_ =	swait.ge @!p3 [sflag:s24], $0x400  }
0x263: {  	(v2sf) =	vpush v11, $0xD  }
0x264: {  	(v2sf) =	vpush v12, $0xD;
	_ =	sdelay $0xd  }
0x265: {  	s25 =	spop (v2sf)  }
0x266: {  	s29 =	spop (v2sf)  }
0x267: {  	p2 =	seq.s32 s29, $0x0  }
0x268: {  	p4 =	sgt.s32 @!p2 s25, $0x1867F  }
0x269: {  	p5 =	por !p4, p2  }
0x26a: {  	s26 =	sadd.s32 @!p5 $0xFFFE7980, s25  }
0x26b: {  	v13 =	vmov @!p5 s26  }
0x26c: {  	[sflag:s24] =	ssyncset.done @!p3 $0x0;
	v14 =	vand.u32 @!p5 $0xFFFFFF80, v13  }
0x26d: {  	[sflag:s24] =	ssyncadd.s32 @!p3 $0xFFFFFC00;
	v13 =	vand.u32 @!p5 $0x7F, v13;
	v14 =	vadd.s32 @!p5 v8, v14  }
0x26e: {  	s24 =	simm.s32 @!p5 $0x0;
	s28 =	simm.s32 @!p5 $0x4;
	s26 =	simm.s32 @!p5 $0x1F800;
	v13 =	vor.u32 @!p5 v13, v14  }
0x26f: {  	[tilespmem:s26], [sflag:$0x4] =	stream.linear.gather @!p5 [hbm4b:s12+s24], $0x400, $0x38;
	[tilespmem:$0x1FC80] =	vst v63  }
0x270: {  	_ =	swait.ge @!p5 [sflag:s28], $0x400  }
0x271: {  	[sflag:s28] =	ssyncset.done @!p5 $0x0  }
0x272: {  	v14 =	vimm.f32 @!p5 $-Inf;
	[sflag:s28] =	ssyncadd.s32 @!p5 $0xFFFFFC00  }
0x273: {  	p3 =	por p4, p2;
	[tilespmem:v13+s26+$0x0] =	vst.idx.msk @!p5 $0x1, v14  }
0x274: {  	[hbm4b:s12+s24] =	stream.linear.scatter @!p5 [tilespmem:s26], [sflag:$0x4], $0x400, $0x38;
	[tilespmem:$0x1FC80] =	vst v63  }
0x275: {  	s24 =	sshll.u32 @!p3 s25, $0x3  }
0x276: {  	s25 =	sand.u32 @!p3 $0x7F, s25;
	s24 =	sand.u32 @!p3 $0x7FFFFC00, s24  }
0x277: {  	v13 =	vor.u32 @!p3 s25, v7;
	s24 =	sadd.s32 @!p3 s6, s24  }
0x278: {  	s28 =	simm.s32 @!p3 $0x4;
	v13 =	vbroadcast @!p3 v13, $0x0;
	s24 =	sshrl.u32 @!p3 s24, $0x3  }
0x279: {  	s26 =	simm.s32 @!p3 $0x4000;
	s25 =	simm.s32 @!p3 $0x0;
	s24 =	sadd.s32 @!p3 s2, s24  }
0x27a: {  	[tilespmem:s26], [sflag:$0x4] =	stream.linear.gather @!p3 [hbm4b:s24+s25], $0x400, $0x38;
	[tilespmem:$0x1FC80] =	vst v63  }
0x27b: {  	_ =	swait.ge @!p3 [sflag:s28], $0x400  }
0x27c: {  	[sflag:s28] =	ssyncset.done @!p3 $0x0  }
0x27d: {  	v14 =	vimm.f32 @!p3 $-Inf;
	[sflag:s28] =	ssyncadd.s32 @!p3 $0xFFFFFC00  }
0x27e: {  	[tilespmem:v13+s26+$0x0] =	vst.idx.msk @!p3 $0x1, v14  }
0x27f: {  	[hbm4b:s24+s25] =	stream.linear.scatter @!p3 [tilespmem:s26], [sflag:$0x4], $0x400, $0x38;
	[tilespmem:$0x1FC80] =	vst v63  }
0x280: {  	s24 =	simm.s32 @!p2 $0x4  }
0x281: {  	_ =	swait.ge @!p2 [sflag:s24], $0x400  }
0x282: {  	(v2sf) =	vpush v11, $0xE  }
0x283: {  	(v2sf) =	vpush v12, $0xE;
	_ =	sdelay $0xd  }
0x284: {  	s25 =	spop (v2sf)  }
0x285: {  	s30 =	spop (v2sf)  }
0x286: {  	p3 =	seq.s32 s30, $0x0  }
0x287: {  	p4 =	sgt.s32 @!p3 s25, $0x1867F  }
0x288: {  	p5 =	por !p4, p3  }
0x289: {  	s26 =	sadd.s32 @!p5 $0xFFFE7980, s25  }
0x28a: {  	v13 =	vmov @!p5 s26  }
0x28b: {  	[sflag:s24] =	ssyncset.done @!p2 $0x0;
	v14 =	vand.u32 @!p5 $0xFFFFFF80, v13  }
0x28c: {  	[sflag:s24] =	ssyncadd.s32 @!p2 $0xFFFFFC00;
	v13 =	vand.u32 @!p5 $0x7F, v13;
	v14 =	vadd.s32 @!p5 v8, v14  }
0x28d: {  	s24 =	simm.s32 @!p5 $0x0;
	s28 =	simm.s32 @!p5 $0x4;
	s26 =	simm.s32 @!p5 $0x1F800;
	v13 =	vor.u32 @!p5 v13, v14  }
0x28e: {  	[tilespmem:s26], [sflag:$0x4] =	stream.linear.gather @!p5 [hbm4b:s12+s24], $0x400, $0x38;
	[tilespmem:$0x1FC80] =	vst v63  }
0x28f: {  	_ =	swait.ge @!p5 [sflag:s28], $0x400  }
0x290: {  	[sflag:s28] =	ssyncset.done @!p5 $0x0  }
0x291: {  	v14 =	vimm.f32 @!p5 $-Inf;
	[sflag:s28] =	ssyncadd.s32 @!p5 $0xFFFFFC00  }
0x292: {  	p2 =	por p4, p3;
	[tilespmem:v13+s26+$0x0] =	vst.idx.msk @!p5 $0x1, v14  }
0x293: {  	[hbm4b:s12+s24] =	stream.linear.scatter @!p5 [tilespmem:s26], [sflag:$0x4], $0x400, $0x38;
	[tilespmem:$0x1FC80] =	vst v63  }
0x294: {  	s24 =	sshll.u32 @!p2 s25, $0x3  }
0x295: {  	s25 =	sand.u32 @!p2 $0x7F, s25;
	s24 =	sand.u32 @!p2 $0x7FFFFC00, s24  }
0x296: {  	v13 =	vor.u32 @!p2 s25, v7;
	s24 =	sadd.s32 @!p2 s6, s24  }
0x297: {  	s28 =	simm.s32 @!p2 $0x4;
	v13 =	vbroadcast @!p2 v13, $0x0;
	s24 =	sshrl.u32 @!p2 s24, $0x3  }
0x298: {  	s26 =	simm.s32 @!p2 $0x4000;
	s25 =	simm.s32 @!p2 $0x0;
	s24 =	sadd.s32 @!p2 s2, s24  }
0x299: {  	[tilespmem:s26], [sflag:$0x4] =	stream.linear.gather @!p2 [hbm4b:s24+s25], $0x400, $0x38;
	[tilespmem:$0x1FC80] =	vst v63  }
0x29a: {  	_ =	swait.ge @!p2 [sflag:s28], $0x400  }
0x29b: {  	[sflag:s28] =	ssyncset.done @!p2 $0x0  }
0x29c: {  	v14 =	vimm.f32 @!p2 $-Inf;
	[sflag:s28] =	ssyncadd.s32 @!p2 $0xFFFFFC00  }
0x29d: {  	[tilespmem:v13+s26+$0x0] =	vst.idx.msk @!p2 $0x1, v14  }
0x29e: {  	[hbm4b:s24+s25] =	stream.linear.scatter @!p2 [tilespmem:s26], [sflag:$0x4], $0x400, $0x38;
	[tilespmem:$0x1FC80] =	vst v63  }
0x29f: {  	s24 =	simm.s32 @!p3 $0x4  }
0x2a0: {  	_ =	swait.ge @!p3 [sflag:s24], $0x400  }
0x2a1: {  	(v2sf) =	vpush v11, $0xF  }
0x2a2: {  	(v2sf) =	vpush v12, $0xF;
	_ =	sdelay $0xd  }
0x2a3: {  	s25 =	spop (v2sf)  }
0x2a4: {  	s31 =	spop (v2sf)  }
0x2a5: {  	p2 =	seq.s32 s31, $0x0  }
0x2a6: {  	p4 =	sgt.s32 @!p2 s25, $0x1867F  }
0x2a7: {  	p5 =	por !p4, p2  }
0x2a8: {  	s26 =	sadd.s32 @!p5 $0xFFFE7980, s25  }
0x2a9: {  	v11 =	vmov @!p5 s26  }
0x2aa: {  	[sflag:s24] =	ssyncset.done @!p3 $0x0;
	v12 =	vand.u32 @!p5 $0xFFFFFF80, v11  }
0x2ab: {  	[sflag:s24] =	ssyncadd.s32 @!p3 $0xFFFFFC00;
	v11 =	vand.u32 @!p5 $0x7F, v11;
	v12 =	vadd.s32 @!p5 v8, v12  }
0x2ac: {  	s24 =	simm.s32 @!p5 $0x0;
	s28 =	simm.s32 @!p5 $0x4;
	s26 =	simm.s32 @!p5 $0x1F800;
	v11 =	vor.u32 @!p5 v11, v12  }
0x2ad: {  	[tilespmem:s26], [sflag:$0x4] =	stream.linear.gather @!p5 [hbm4b:s12+s24], $0x400, $0x38;
	[tilespmem:$0x1FC80] =	vst v63  }
0x2ae: {  	_ =	swait.ge @!p5 [sflag:s28], $0x400  }
0x2af: {  	[sflag:s28] =	ssyncset.done @!p5 $0x0  }
0x2b0: {  	v12 =	vimm.f32 @!p5 $-Inf;
	[sflag:s28] =	ssyncadd.s32 @!p5 $0xFFFFFC00  }
0x2b1: {  	p3 =	por p4, p2;
	[tilespmem:v11+s26+$0x0] =	vst.idx.msk @!p5 $0x1, v12  }
0x2b2: {  	[hbm4b:s12+s24] =	stream.linear.scatter @!p5 [tilespmem:s26], [sflag:$0x4], $0x400, $0x38;
	[tilespmem:$0x1FC80] =	vst v63  }
0x2b3: {  	s24 =	sshll.u32 @!p3 s25, $0x3  }
0x2b4: {  	s25 =	sand.u32 @!p3 $0x7F, s25;
	s24 =	sand.u32 @!p3 $0x7FFFFC00, s24  }
0x2b5: {  	v11 =	vor.u32 @!p3 s25, v7;
	s24 =	sadd.s32 @!p3 s6, s24  }
0x2b6: {  	s28 =	simm.s32 @!p3 $0x4;
	v11 =	vbroadcast @!p3 v11, $0x0;
	s24 =	sshrl.u32 @!p3 s24, $0x3  }
0x2b7: {  	s26 =	simm.s32 @!p3 $0x4000;
	s25 =	simm.s32 @!p3 $0x0;
	s24 =	sadd.s32 @!p3 s2, s24  }
0x2b8: {  	[tilespmem:s26], [sflag:$0x4] =	stream.linear.gather @!p3 [hbm4b:s24+s25], $0x400, $0x38;
	[tilespmem:$0x1FC80] =	vst v63  }
0x2b9: {  	_ =	swait.ge @!p3 [sflag:s28], $0x400  }
0x2ba: {  	[sflag:s28] =	ssyncset.done @!p3 $0x0  }
0x2bb: {  	v12 =	vimm.f32 @!p3 $-Inf;
	[sflag:s28] =	ssyncadd.s32 @!p3 $0xFFFFFC00  }
0x2bc: {  	[tilespmem:v11+s26+$0x0] =	vst.idx.msk @!p3 $0x1, v12  }
0x2bd: {  	[hbm4b:s24+s25] =	stream.linear.scatter @!p3 [tilespmem:s26], [sflag:$0x4], $0x400, $0x38;
	[tilespmem:$0x1FC80] =	vst v63  }
.Ltmp13:
0x2be: {  	_ = 	snop;
	(pc) =	sbr.rel .LBB2_12-.Ltmp13, $4  }
0x2bf: {  	s24 =	simm.s32 @!p2 $0x4  }
0x2c0: {  	_ =	swait.ge @!p2 [sflag:s24], $0x400  }
0x2c1: {  	[sflag:s24] =	ssyncset.done @!p2 $0x0  }
0x2c2: {  	[sflag:s24] =	ssyncadd.s32 @!p2 $0xFFFFFC00  }
.LBB2_15:
0x2c3: {  	_ =	sfence.sel $0x180000  }
0x2c4: {  	[bflag:$0x0] =	sbarrier.arrive $0xFFFF  }
0x2c5: {  	p0 =	sne.s32 s0, $0x0;
	_ =	strace $0x90000047  }
0x2c6: {  	s0 =	sadd.s32 @!p0 $0x100000, s1;
	[bflag:$0x2] =	sbarrier.arrive $0xFFFF  }
0x2c7: {  	[sflag:s0] =	ssyncadd.tile.s32 @!p0 $0x1;
	_ =	shalt  }
.Lfunc_end2:
_tile_overlayer_lowered:
.L_overlay_start_2:
0x2c8: {  	(tag) =	ssettag $0x2  }
0x2c9: {  	s0 =	rddreg [dreg:$0x0];
	s2 =	stileid.u32  }
0x2ca: {  	s1 =	rddreg [dreg:$0x1];
	p0 =	sne.s32 s2, $0x0  }
0x2cb: {  	s3 =	rddreg [dreg:$0x2];
	[bflag:$0x3] =	sbarrier.arrive $0xFFFF;
	s2 =	simm.s32 @!p0 $0x1C05  }
0x2cc: {  	[timem:s3], [sflag:s2] =	dma.local @!p0 [hbm:s0], s1  }
0x2cd: {  	s0 =	simm.s32 @!p0 $0x5  }
0x2ce: {  	_ =	swait.ge @!p0 [sflag:s0], s1  }
0x2cf: {  	s1 =	ssub.s32 @!p0 $0x0, s1;
	[sflag:s0] =	ssyncset.done @!p0 $0x0  }
0x2d0: {  	[sflag:s0] =	ssyncadd.s32 @!p0 s1  }
0x2d1: {  	[bflag:$0x3] =	sbarrier.arrive $0xFFFF  }
0x2d2: {  	_ =	shalt  }

</sc_bundles>
